<compile_context>
chip_gen: v7x
topology: tpu7x:2x2x1
jax: 0.10.2.dev20260603
libtpu: 0.0.44.dev20260713+nightly
codegen_flags: <defaults>
</compile_context>

<pallas_src>
import functools

import jax
import jax.numpy as jnp
from jax import lax
from jax.experimental import pallas as pl
from jax.experimental.pallas import tpu as pltpu
from jax.experimental.pallas import tpu_sc as plsc

N = 10000
E = 320000
CH = 128
NC, NS = 2, 16
NW = NC * NS
NP = 10240
RPT = NP // NS
CHUNK = 128
KPT = RPT // CHUNK
CPW = 80
EPW = CPW * CHUNK
EPAD = NW * EPW
HW = 128

_MESH = plsc.VectorSubcoreMesh(core_axis_name="c", subcore_axis_name="s")


def _fill_row_indices(idxbuf, base, lane):
    for k in range(KPT):
        for j in range(CHUNK // 16):
            idxbuf[k, pl.ds(j * 16, 16)] = base + (k * CHUNK + j * 16) + lane


@functools.partial(
    pl.kernel,
    out_type=jax.ShapeDtypeStruct((NC * NP, HW), jnp.float32),
    mesh=_MESH,
    scratch_types=[
        pltpu.VMEM((CPW, CHUNK), jnp.int32),
        pltpu.VMEM((CHUNK, HW), jnp.float32),
        pltpu.VMEM((CHUNK, HW), jnp.float32),
        pltpu.VMEM((KPT, CHUNK), jnp.int32),
        pltpu.VMEM_SHARED((NP, HW), jnp.float32),
    ],
)
def _deg_kernel(dst_hbm, out_hbm, idx_v, ones_v, buf_v, idxbuf, hist_s):
    c = lax.axis_index("c")
    s = lax.axis_index("s")
    wid = c * NS + s
    lane = lax.iota(jnp.int32, 16)
    e0 = jnp.where(lane == 0, 1.0, 0.0).astype(jnp.float32)
    z16 = jnp.zeros((16,), jnp.float32)

    def fill_rows(i, carry):
        ones_v[i, pl.ds(0, 16)] = e0
        buf_v[i, pl.ds(0, 16)] = z16
        for k in range(1, HW // 16):
            ones_v[i, pl.ds(k * 16, 16)] = z16
            buf_v[i, pl.ds(k * 16, 16)] = z16
        return carry

    lax.fori_loop(0, CHUNK, fill_rows, 0)
    _fill_row_indices(idxbuf, s * RPT, lane)

    for k in range(KPT):
        pltpu.sync_copy(buf_v, hist_s.at[idxbuf.at[k]])
    plsc.subcore_barrier()

    pltpu.sync_copy(dst_hbm.at[wid], idx_v)

    def add_chunk(j, carry):
        pltpu.sync_copy(ones_v, hist_s.at[idx_v.at[j]], add=True)
        return carry

    lax.fori_loop(0, CPW, add_chunk, 0)
    plsc.subcore_barrier()

    flatbase = c * NP + s * RPT
    for k in range(KPT):
        pltpu.sync_copy(hist_s.at[idxbuf.at[k]], buf_v)
        pltpu.sync_copy(buf_v, out_hbm.at[pl.ds(flatbase + k * CHUNK, CHUNK)])


NH = 2
HNC = CPW // NH


@functools.partial(
    pl.kernel,
    out_type=jax.ShapeDtypeStruct((NC * NP, CH), jnp.float32),
    mesh=_MESH,
    scratch_types=[
        pltpu.VMEM((HNC, CHUNK), jnp.int32),
        pltpu.VMEM((HNC, CHUNK), jnp.int32),
        pltpu.VMEM((CHUNK, CH), jnp.float32),
        pltpu.VMEM((CHUNK, CH), jnp.float32),
        pltpu.VMEM((KPT, CHUNK), jnp.int32),
        pltpu.VMEM_SHARED((NP, CH), jnp.float32),
        pltpu.SemaphoreType.DMA,
        pltpu.SemaphoreType.DMA,
    ],
)
def _agg_kernel(h2_hbm, src_hbm, dst_hbm, out_hbm,
                srcv, dstv, buf0, buf1, idxbuf, acc_s, sem0, sem1):
    c = lax.axis_index("c")
    s = lax.axis_index("s")
    wid = c * NS + s
    lane = lax.iota(jnp.int32, 16)
    z16 = jnp.zeros((16,), jnp.float32)

    def fill_zeros(i, carry):
        for k in range(CH // 16):
            buf0[i, pl.ds(k * 16, 16)] = z16
        return carry

    lax.fori_loop(0, CHUNK, fill_zeros, 0)
    _fill_row_indices(idxbuf, s * RPT, lane)

    for k in range(KPT):
        pltpu.sync_copy(buf0, acc_s.at[idxbuf.at[k]])
    plsc.subcore_barrier()

    for h in range(NH):
        pltpu.sync_copy(src_hbm.at[wid * NH + h], srcv)
        pltpu.sync_copy(dst_hbm.at[wid * NH + h], dstv)
        pltpu.async_copy(h2_hbm.at[srcv.at[0]], buf0, sem0)

        def pair(i, carry):
            j0 = 2 * i
            j1 = j0 + 1
            pltpu.async_copy(h2_hbm.at[srcv.at[j1]], buf1, sem1)
            pltpu.make_async_copy(h2_hbm.at[srcv.at[j0]], buf0, sem0).wait()
            pltpu.sync_copy(buf0, acc_s.at[dstv.at[j0]], add=True)
            j2 = jnp.where(j1 + 1 < HNC, j1 + 1, 0)
            pltpu.async_copy(h2_hbm.at[srcv.at[j2]], buf0, sem0)
            pltpu.make_async_copy(h2_hbm.at[srcv.at[j1]], buf1, sem1).wait()
            pltpu.sync_copy(buf1, acc_s.at[dstv.at[j1]], add=True)
            return carry

        lax.fori_loop(0, HNC // 2, pair, 0)
        pltpu.make_async_copy(h2_hbm.at[srcv.at[0]], buf0, sem0).wait()
    plsc.subcore_barrier()

    flatbase = c * NP + s * RPT
    for k in range(KPT):
        pltpu.sync_copy(acc_s.at[idxbuf.at[k]], buf0)
        pltpu.sync_copy(buf0, out_hbm.at[pl.ds(flatbase + k * CHUNK, CHUNK)])


BM = 1024


def _h2_body(hist_ref, x_ref, w_ref, h2_ref):
    deg = hist_ref[0, :, 0] + hist_ref[1, :, 0] + 1.0
    dinv = lax.rsqrt(deg)
    h = jnp.dot(x_ref[...], w_ref[...], preferred_element_type=jnp.float32)
    h2_ref[...] = h * dinv[:, None]


def _h2_call(hist, xp, W):
    return pl.pallas_call(
        _h2_body,
        grid=(NP // BM,),
        in_specs=[
            pl.BlockSpec((NC, BM, HW), lambda i: (0, i, 0)),
            pl.BlockSpec((BM, CH), lambda i: (i, 0)),
            pl.BlockSpec((CH, CH), lambda i: (0, 0)),
        ],
        out_specs=pl.BlockSpec((BM, CH), lambda i: (i, 0)),
        out_shape=jax.ShapeDtypeStruct((NP, CH), jnp.float32),
    )(hist, xp, W)


def _fin_body(hist_ref, parts_ref, h2_ref, b_ref, o_ref):
    deg = hist_ref[0, :, 0] + hist_ref[1, :, 0] + 1.0
    dinv = lax.rsqrt(deg)
    agg = parts_ref[0] + parts_ref[1] + h2_ref[...]
    o_ref[...] = jnp.maximum(agg * dinv[:, None] + b_ref[...], 0.0)


def _fin_call(hist, parts, h2, b2):
    return pl.pallas_call(
        _fin_body,
        grid=(NP // BM,),
        in_specs=[
            pl.BlockSpec((NC, BM, HW), lambda i: (0, i, 0)),
            pl.BlockSpec((NC, BM, CH), lambda i: (0, i, 0)),
            pl.BlockSpec((BM, CH), lambda i: (i, 0)),
            pl.BlockSpec((1, CH), lambda i: (0, 0)),
        ],
        out_specs=pl.BlockSpec((BM, CH), lambda i: (i, 0)),
        out_shape=jax.ShapeDtypeStruct((NP, CH), jnp.float32),
    )(hist, parts, h2, b2)


def kernel(x, edge_index, W, b):
    src = edge_index[0].astype(jnp.int32)
    dst = edge_index[1].astype(jnp.int32)
    pad = EPAD - E
    src_p = jnp.concatenate([src, jnp.zeros((pad,), jnp.int32)])
    dst_p = jnp.concatenate([dst, jnp.full((pad,), N, jnp.int32)])
    dstr = dst_p.reshape(NW, CPW, CHUNK)
    srcg = src_p.reshape(NW * NH, HNC, CHUNK)
    dstg = dst_p.reshape(NW * NH, HNC, CHUNK)
    xp = jnp.concatenate([x, jnp.zeros((NP - N, CH), x.dtype)])

    hist = _deg_kernel(dstr).reshape(NC, NP, HW)
    h2 = _h2_call(hist, xp, W)
    parts = _agg_kernel(h2, srcg, dstg).reshape(NC, NP, CH)
    out = _fin_call(hist, parts, h2, b.reshape(1, CH))
    return out[:N]

# --- scband reference (transcript-rebuilt; emitter-appended) ---
"""Pipeline reference for scband-stgcnblock-35158602285060 (READ-ONLY COPY).

The authoritative reference and input builder live on the scoring server;
editing this copy changes nothing except your own understanding.
"""

import jax, jax.numpy as jnp
import numpy as np

N_NODES = 10000
N_EDGES = 320000
IN_CH = 128
OUT_CH = 128


def setup_inputs(seed: int = 0) -> dict:
    key = jax.random.key(seed)
    k1, k2, k3, k4 = jax.random.split(key, 4)
    x = jax.random.normal(k1, (N_NODES, IN_CH), dtype=jnp.float32)
    edge_index = jax.random.randint(k2, (2, N_EDGES), 0, N_NODES, dtype=jnp.int64)
    # GCNConv linear weight (glorot) and bias (zeros init in PyG)
    limit = float(np.sqrt(6.0 / (IN_CH + OUT_CH)))
    W = jax.random.uniform(k3, (IN_CH, OUT_CH), minval=-limit, maxval=limit, dtype=jnp.float32)
    b = jnp.zeros((OUT_CH,), dtype=jnp.float32)
    return {"x": x, "edge_index": edge_index, "W": W, "b": b}


def reference(x, edge_index, W, b):
    # Faithful GCNConv (PyG semantics): add self-loops, symmetric normalization,
    # linear transform, scatter-add aggregation, bias, then ReLU (STGCNBlock).
    N = x.shape[0]
    loops = jnp.arange(N, dtype=edge_index.dtype)
    src = jnp.concatenate([edge_index[0], loops])
    dst = jnp.concatenate([edge_index[1], loops])
    # linear transform first (in_ch -> out_ch)
    h = x @ W
    # degree computed on destination nodes (with self-loops)
    ones = jnp.ones_like(dst, dtype=h.dtype)
    deg = jax.ops.segment_sum(ones, dst, num_segments=N)
    deg_inv_sqrt = jnp.where(deg > 0, deg ** -0.5, 0.0)
    norm = deg_inv_sqrt[src] * deg_inv_sqrt[dst]
    # gather messages from source nodes, weight, scatter-add to destinations
    msgs = h[src] * norm[:, None]
    out = jax.ops.segment_sum(msgs, dst, num_segments=N)
    out = out + b
    return jax.nn.relu(out)

if __name__ == "__main__":
    import jax
    _d = setup_inputs()
    print(jax.jit(kernel)(*tuple(_d.values())))

</pallas_src>

<mosaic_0001>
#map = affine_map<(d0, d1) -> (0, 0, 0)>
#map1 = affine_map<(d0, d1) -> (0, 0)>
module attributes {stable_mosaic.version = 14 : i64} {
  func.func @_deg_kernel(%arg0: i32, %arg1: i32, %arg2: memref<32x80x128xi32, #tpu.memory_space<hbm>>, %arg3: memref<20480x128xf32, #tpu.memory_space<hbm>>, %arg4: memref<80x128xi32, #tpu.memory_space<vmem>>, %arg5: memref<128x128xf32, #tpu.memory_space<vmem>>, %arg6: memref<128x128xf32, #tpu.memory_space<vmem>>, %arg7: memref<5x128xi32, #tpu.memory_space<vmem>>, %arg8: memref<10240x128xf32, #tpu.memory_space<vmem_shared>>) attributes {dimension_semantics = [#tpu.dimension_semantics<core_parallel>, #tpu.dimension_semantics<subcore_parallel>], iteration_bounds = array<i64: 2, 16>, scalar_prefetch = 0 : i64, scratch_operands = 5 : i64, tpu.core_type = #tpu.core_type<sc_vector_subcore>, window_params = [{transform_indices = #map}, {transform_indices = #map1}]} {
    %mul3A = arith.constant 16 : i32
    %mul3A_0 = arith.muli %arg0, %mul3A : i32
    %add3A = arith.addi %mul3A_0, %arg1 : i32
    %iota3A = tpu.iota {dimensions = array<i32: 0>} : vector<16xi32>
    %eq3A = arith.constant 0 : i32
    %eq3A_1 = vector.broadcast %eq3A : i32 to vector<16xi32>
    %eq3A_2 = arith.cmpi eq, %iota3A, %eq3A_1 : vector<16xi32>
    %jit3A = arith.constant 1.000000e+00 : f32
    %jit3A_3 = arith.constant 0.000000e+00 : f32
    %broadcast_in_dim3A = vector.broadcast %jit3A : f32 to vector<16xf32>
    %broadcast_in_dim3A_4 = vector.broadcast %jit3A_3 : f32 to vector<16xf32>
    %select_n3A = arith.select %eq3A_2, %broadcast_in_dim3A, %broadcast_in_dim3A_4 : vector<16xi1>, vector<16xf32>
    %broadcast_in_dim3A_5 = arith.constant 0.000000e+00 : f32
    %broadcast_in_dim3A_6 = vector.broadcast %broadcast_in_dim3A_5 : f32 to vector<16xf32>
    %scan3A = arith.constant 0 : i32
    %scan3A_7 = arith.constant 0 : i32
    %scan3A_8 = arith.constant 128 : i32
    %scan3A_9 = arith.addi %scan3A_7, %scan3A_8 : i32
    %scan3A_10 = arith.constant 1 : i32
    scf.for %scan3A_444 = %scan3A_7 to %scan3A_9 step %scan3A_10  : i32 {
      %swap3A_445 = arith.index_cast %scan3A_444 : i32 to index
      %swap3A_446 = arith.constant 0 : index
      %swap3A_447 = tpu.vector_load %arg5[%swap3A_445, %swap3A_446] {strides = array<i32>} : memref<128x128xf32, #tpu.memory_space<vmem>>, vector<1x16xf32>,
      %swap3A_448 = vector.shape_cast %swap3A_447 : vector<1x16xf32> to vector<16xf32>
      %swap3A_449 = vector.shape_cast %select_n3A : vector<16xf32> to vector<1x16xf32>
      tpu.vector_store %arg5[%swap3A_445, %swap3A_446], %swap3A_449 {strides = array<i32>} : memref<128x128xf32, #tpu.memory_space<vmem>>, vector<1x16xf32>,
      %swap3A_450 = arith.index_cast %scan3A_444 : i32 to index
      %swap3A_451 = arith.constant 0 : index
      %swap3A_452 = tpu.vector_load %arg6[%swap3A_450, %swap3A_451] {strides = array<i32>} : memref<128x128xf32, #tpu.memory_space<vmem>>, vector<1x16xf32>,
      %swap3A_453 = vector.shape_cast %swap3A_452 : vector<1x16xf32> to vector<16xf32>
      %swap3A_454 = vector.shape_cast %broadcast_in_dim3A_6 : vector<16xf32> to vector<1x16xf32>
      tpu.vector_store %arg6[%swap3A_450, %swap3A_451], %swap3A_454 {strides = array<i32>} : memref<128x128xf32, #tpu.memory_space<vmem>>, vector<1x16xf32>,
      %swap3A_455 = arith.index_cast %scan3A_444 : i32 to index
      %swap3A_456 = arith.constant 16 : index
      %swap3A_457 = tpu.vector_load %arg5[%swap3A_455, %swap3A_456] {strides = array<i32>} : memref<128x128xf32, #tpu.memory_space<vmem>>, vector<1x16xf32>,
      %swap3A_458 = vector.shape_cast %swap3A_457 : vector<1x16xf32> to vector<16xf32>
      %swap3A_459 = vector.shape_cast %broadcast_in_dim3A_6 : vector<16xf32> to vector<1x16xf32>
      tpu.vector_store %arg5[%swap3A_455, %swap3A_456], %swap3A_459 {strides = array<i32>} : memref<128x128xf32, #tpu.memory_space<vmem>>, vector<1x16xf32>,
      %swap3A_460 = arith.index_cast %scan3A_444 : i32 to index
      %swap3A_461 = arith.constant 16 : index
      %swap3A_462 = tpu.vector_load %arg6[%swap3A_460, %swap3A_461] {strides = array<i32>} : memref<128x128xf32, #tpu.memory_space<vmem>>, vector<1x16xf32>,
      %swap3A_463 = vector.shape_cast %swap3A_462 : vector<1x16xf32> to vector<16xf32>
      %swap3A_464 = vector.shape_cast %broadcast_in_dim3A_6 : vector<16xf32> to vector<1x16xf32>
      tpu.vector_store %arg6[%swap3A_460, %swap3A_461], %swap3A_464 {strides = array<i32>} : memref<128x128xf32, #tpu.memory_space<vmem>>, vector<1x16xf32>,
      %swap3A_465 = arith.index_cast %scan3A_444 : i32 to index
      %swap3A_466 = arith.constant 32 : index
      %swap3A_467 = tpu.vector_load %arg5[%swap3A_465, %swap3A_466] {strides = array<i32>} : memref<128x128xf32, #tpu.memory_space<vmem>>, vector<1x16xf32>,
      %swap3A_468 = vector.shape_cast %swap3A_467 : vector<1x16xf32> to vector<16xf32>
      %swap3A_469 = vector.shape_cast %broadcast_in_dim3A_6 : vector<16xf32> to vector<1x16xf32>
      tpu.vector_store %arg5[%swap3A_465, %swap3A_466], %swap3A_469 {strides = array<i32>} : memref<128x128xf32, #tpu.memory_space<vmem>>, vector<1x16xf32>,
      %swap3A_470 = arith.index_cast %scan3A_444 : i32 to index
      %swap3A_471 = arith.constant 32 : index
      %swap3A_472 = tpu.vector_load %arg6[%swap3A_470, %swap3A_471] {strides = array<i32>} : memref<128x128xf32, #tpu.memory_space<vmem>>, vector<1x16xf32>,
      %swap3A_473 = vector.shape_cast %swap3A_472 : vector<1x16xf32> to vector<16xf32>
      %swap3A_474 = vector.shape_cast %broadcast_in_dim3A_6 : vector<16xf32> to vector<1x16xf32>
      tpu.vector_store %arg6[%swap3A_470, %swap3A_471], %swap3A_474 {strides = array<i32>} : memref<128x128xf32, #tpu.memory_space<vmem>>, vector<1x16xf32>,
      %swap3A_475 = arith.index_cast %scan3A_444 : i32 to index
      %swap3A_476 = arith.constant 48 : index
      %swap3A_477 = tpu.vector_load %arg5[%swap3A_475, %swap3A_476] {strides = array<i32>} : memref<128x128xf32, #tpu.memory_space<vmem>>, vector<1x16xf32>,
      %swap3A_478 = vector.shape_cast %swap3A_477 : vector<1x16xf32> to vector<16xf32>
      %swap3A_479 = vector.shape_cast %broadcast_in_dim3A_6 : vector<16xf32> to vector<1x16xf32>
      tpu.vector_store %arg5[%swap3A_475, %swap3A_476], %swap3A_479 {strides = array<i32>} : memref<128x128xf32, #tpu.memory_space<vmem>>, vector<1x16xf32>,
      %swap3A_480 = arith.index_cast %scan3A_444 : i32 to index
      %swap3A_481 = arith.constant 48 : index
      %swap3A_482 = tpu.vector_load %arg6[%swap3A_480, %swap3A_481] {strides = array<i32>} : memref<128x128xf32, #tpu.memory_space<vmem>>, vector<1x16xf32>,
      %swap3A_483 = vector.shape_cast %swap3A_482 : vector<1x16xf32> to vector<16xf32>
      %swap3A_484 = vector.shape_cast %broadcast_in_dim3A_6 : vector<16xf32> to vector<1x16xf32>
      tpu.vector_store %arg6[%swap3A_480, %swap3A_481], %swap3A_484 {strides = array<i32>} : memref<128x128xf32, #tpu.memory_space<vmem>>, vector<1x16xf32>,
      %swap3A_485 = arith.index_cast %scan3A_444 : i32 to index
      %swap3A_486 = arith.constant 64 : index
      %swap3A_487 = tpu.vector_load %arg5[%swap3A_485, %swap3A_486] {strides = array<i32>} : memref<128x128xf32, #tpu.memory_space<vmem>>, vector<1x16xf32>,
      %swap3A_488 = vector.shape_cast %swap3A_487 : vector<1x16xf32> to vector<16xf32>
      %swap3A_489 = vector.shape_cast %broadcast_in_dim3A_6 : vector<16xf32> to vector<1x16xf32>
      tpu.vector_store %arg5[%swap3A_485, %swap3A_486], %swap3A_489 {strides = array<i32>} : memref<128x128xf32, #tpu.memory_space<vmem>>, vector<1x16xf32>,
      %swap3A_490 = arith.index_cast %scan3A_444 : i32 to index
      %swap3A_491 = arith.constant 64 : index
      %swap3A_492 = tpu.vector_load %arg6[%swap3A_490, %swap3A_491] {strides = array<i32>} : memref<128x128xf32, #tpu.memory_space<vmem>>, vector<1x16xf32>,
      %swap3A_493 = vector.shape_cast %swap3A_492 : vector<1x16xf32> to vector<16xf32>
      %swap3A_494 = vector.shape_cast %broadcast_in_dim3A_6 : vector<16xf32> to vector<1x16xf32>
      tpu.vector_store %arg6[%swap3A_490, %swap3A_491], %swap3A_494 {strides = array<i32>} : memref<128x128xf32, #tpu.memory_space<vmem>>, vector<1x16xf32>,
      %swap3A_495 = arith.index_cast %scan3A_444 : i32 to index
      %swap3A_496 = arith.constant 80 : index
      %swap3A_497 = tpu.vector_load %arg5[%swap3A_495, %swap3A_496] {strides = array<i32>} : memref<128x128xf32, #tpu.memory_space<vmem>>, vector<1x16xf32>,
      %swap3A_498 = vector.shape_cast %swap3A_497 : vector<1x16xf32> to vector<16xf32>
      %swap3A_499 = vector.shape_cast %broadcast_in_dim3A_6 : vector<16xf32> to vector<1x16xf32>
      tpu.vector_store %arg5[%swap3A_495, %swap3A_496], %swap3A_499 {strides = array<i32>} : memref<128x128xf32, #tpu.memory_space<vmem>>, vector<1x16xf32>,
      %swap3A_500 = arith.index_cast %scan3A_444 : i32 to index
      %swap3A_501 = arith.constant 80 : index
      %swap3A_502 = tpu.vector_load %arg6[%swap3A_500, %swap3A_501] {strides = array<i32>} : memref<128x128xf32, #tpu.memory_space<vmem>>, vector<1x16xf32>,
      %swap3A_503 = vector.shape_cast %swap3A_502 : vector<1x16xf32> to vector<16xf32>
      %swap3A_504 = vector.shape_cast %broadcast_in_dim3A_6 : vector<16xf32> to vector<1x16xf32>
      tpu.vector_store %arg6[%swap3A_500, %swap3A_501], %swap3A_504 {strides = array<i32>} : memref<128x128xf32, #tpu.memory_space<vmem>>, vector<1x16xf32>,
      %swap3A_505 = arith.index_cast %scan3A_444 : i32 to index
      %swap3A_506 = arith.constant 96 : index
      %swap3A_507 = tpu.vector_load %arg5[%swap3A_505, %swap3A_506] {strides = array<i32>} : memref<128x128xf32, #tpu.memory_space<vmem>>, vector<1x16xf32>,
      %swap3A_508 = vector.shape_cast %swap3A_507 : vector<1x16xf32> to vector<16xf32>
      %swap3A_509 = vector.shape_cast %broadcast_in_dim3A_6 : vector<16xf32> to vector<1x16xf32>
      tpu.vector_store %arg5[%swap3A_505, %swap3A_506], %swap3A_509 {strides = array<i32>} : memref<128x128xf32, #tpu.memory_space<vmem>>, vector<1x16xf32>,
      %swap3A_510 = arith.index_cast %scan3A_444 : i32 to index
      %swap3A_511 = arith.constant 96 : index
      %swap3A_512 = tpu.vector_load %arg6[%swap3A_510, %swap3A_511] {strides = array<i32>} : memref<128x128xf32, #tpu.memory_space<vmem>>, vector<1x16xf32>,
      %swap3A_513 = vector.shape_cast %swap3A_512 : vector<1x16xf32> to vector<16xf32>
      %swap3A_514 = vector.shape_cast %broadcast_in_dim3A_6 : vector<16xf32> to vector<1x16xf32>
      tpu.vector_store %arg6[%swap3A_510, %swap3A_511], %swap3A_514 {strides = array<i32>} : memref<128x128xf32, #tpu.memory_space<vmem>>, vector<1x16xf32>,
      %swap3A_515 = arith.index_cast %scan3A_444 : i32 to index
      %swap3A_516 = arith.constant 112 : index
      %swap3A_517 = tpu.vector_load %arg5[%swap3A_515, %swap3A_516] {strides = array<i32>} : memref<128x128xf32, #tpu.memory_space<vmem>>, vector<1x16xf32>,
      %swap3A_518 = vector.shape_cast %swap3A_517 : vector<1x16xf32> to vector<16xf32>
      %swap3A_519 = vector.shape_cast %broadcast_in_dim3A_6 : vector<16xf32> to vector<1x16xf32>
      tpu.vector_store %arg5[%swap3A_515, %swap3A_516], %swap3A_519 {strides = array<i32>} : memref<128x128xf32, #tpu.memory_space<vmem>>, vector<1x16xf32>,
      %swap3A_520 = arith.index_cast %scan3A_444 : i32 to index
      %swap3A_521 = arith.constant 112 : index
      %swap3A_522 = tpu.vector_load %arg6[%swap3A_520, %swap3A_521] {strides = array<i32>} : memref<128x128xf32, #tpu.memory_space<vmem>>, vector<1x16xf32>,
      %swap3A_523 = vector.shape_cast %swap3A_522 : vector<1x16xf32> to vector<16xf32>
      %swap3A_524 = vector.shape_cast %broadcast_in_dim3A_6 : vector<16xf32> to vector<1x16xf32>
      tpu.vector_store %arg6[%swap3A_520, %swap3A_521], %swap3A_524 {strides = array<i32>} : memref<128x128xf32, #tpu.memory_space<vmem>>, vector<1x16xf32>,
    }
    %scan3A_11 = arith.constant 128 : i32
    %mul3A_12 = arith.constant 640 : i32
    %mul3A_13 = arith.muli %arg1, %mul3A_12 : i32
    %add3A_14 = arith.constant 0 : i32
    %add3A_15 = arith.addi %mul3A_13, %add3A_14 : i32
    %add3A_16 = vector.broadcast %add3A_15 : i32 to vector<16xi32>
    %add3A_17 = arith.addi %add3A_16, %iota3A : vector<16xi32>
    %swap3A = arith.constant 0 : i32
    %swap3A_18 = arith.index_cast %swap3A : i32 to index
    %swap3A_19 = arith.constant 0 : index
    %swap3A_20 = tpu.vector_load %arg7[%swap3A_18, %swap3A_19] {strides = array<i32>} : memref<5x128xi32, #tpu.memory_space<vmem>>, vector<1x16xi32>,
    %swap3A_21 = vector.shape_cast %swap3A_20 : vector<1x16xi32> to vector<16xi32>
    %swap3A_22 = vector.shape_cast %add3A_17 : vector<16xi32> to vector<1x16xi32>
    tpu.vector_store %arg7[%swap3A_18, %swap3A_19], %swap3A_22 {strides = array<i32>} : memref<5x128xi32, #tpu.memory_space<vmem>>, vector<1x16xi32>,
    %add3A_23 = arith.constant 16 : i32
    %add3A_24 = arith.addi %mul3A_13, %add3A_23 : i32
    %add3A_25 = vector.broadcast %add3A_24 : i32 to vector<16xi32>
    %add3A_26 = arith.addi %add3A_25, %iota3A : vector<16xi32>
    %swap3A_27 = arith.constant 0 : i32
    %swap3A_28 = arith.index_cast %swap3A_27 : i32 to index
    %swap3A_29 = arith.constant 16 : index
    %swap3A_30 = tpu.vector_load %arg7[%swap3A_28, %swap3A_29] {strides = array<i32>} : memref<5x128xi32, #tpu.memory_space<vmem>>, vector<1x16xi32>,
    %swap3A_31 = vector.shape_cast %swap3A_30 : vector<1x16xi32> to vector<16xi32>
    %swap3A_32 = vector.shape_cast %add3A_26 : vector<16xi32> to vector<1x16xi32>
    tpu.vector_store %arg7[%swap3A_28, %swap3A_29], %swap3A_32 {strides = array<i32>} : memref<5x128xi32, #tpu.memory_space<vmem>>, vector<1x16xi32>,
    %add3A_33 = arith.constant 32 : i32
    %add3A_34 = arith.addi %mul3A_13, %add3A_33 : i32
    %add3A_35 = vector.broadcast %add3A_34 : i32 to vector<16xi32>
    %add3A_36 = arith.addi %add3A_35, %iota3A : vector<16xi32>
    %swap3A_37 = arith.constant 0 : i32
    %swap3A_38 = arith.index_cast %swap3A_37 : i32 to index
    %swap3A_39 = arith.constant 32 : index
    %swap3A_40 = tpu.vector_load %arg7[%swap3A_38, %swap3A_39] {strides = array<i32>} : memref<5x128xi32, #tpu.memory_space<vmem>>, vector<1x16xi32>,
    %swap3A_41 = vector.shape_cast %swap3A_40 : vector<1x16xi32> to vector<16xi32>
    %swap3A_42 = vector.shape_cast %add3A_36 : vector<16xi32> to vector<1x16xi32>
    tpu.vector_store %arg7[%swap3A_38, %swap3A_39], %swap3A_42 {strides = array<i32>} : memref<5x128xi32, #tpu.memory_space<vmem>>, vector<1x16xi32>,
    %add3A_43 = arith.constant 48 : i32
    %add3A_44 = arith.addi %mul3A_13, %add3A_43 : i32
    %add3A_45 = vector.broadcast %add3A_44 : i32 to vector<16xi32>
    %add3A_46 = arith.addi %add3A_45, %iota3A : vector<16xi32>
    %swap3A_47 = arith.constant 0 : i32
    %swap3A_48 = arith.index_cast %swap3A_47 : i32 to index
    %swap3A_49 = arith.constant 48 : index
    %swap3A_50 = tpu.vector_load %arg7[%swap3A_48, %swap3A_49] {strides = array<i32>} : memref<5x128xi32, #tpu.memory_space<vmem>>, vector<1x16xi32>,
    %swap3A_51 = vector.shape_cast %swap3A_50 : vector<1x16xi32> to vector<16xi32>
    %swap3A_52 = vector.shape_cast %add3A_46 : vector<16xi32> to vector<1x16xi32>
    tpu.vector_store %arg7[%swap3A_48, %swap3A_49], %swap3A_52 {strides = array<i32>} : memref<5x128xi32, #tpu.memory_space<vmem>>, vector<1x16xi32>,
    %add3A_53 = arith.constant 64 : i32
    %add3A_54 = arith.addi %mul3A_13, %add3A_53 : i32
    %add3A_55 = vector.broadcast %add3A_54 : i32 to vector<16xi32>
    %add3A_56 = arith.addi %add3A_55, %iota3A : vector<16xi32>
    %swap3A_57 = arith.constant 0 : i32
    %swap3A_58 = arith.index_cast %swap3A_57 : i32 to index
    %swap3A_59 = arith.constant 64 : index
    %swap3A_60 = tpu.vector_load %arg7[%swap3A_58, %swap3A_59] {strides = array<i32>} : memref<5x128xi32, #tpu.memory_space<vmem>>, vector<1x16xi32>,
    %swap3A_61 = vector.shape_cast %swap3A_60 : vector<1x16xi32> to vector<16xi32>
    %swap3A_62 = vector.shape_cast %add3A_56 : vector<16xi32> to vector<1x16xi32>
    tpu.vector_store %arg7[%swap3A_58, %swap3A_59], %swap3A_62 {strides = array<i32>} : memref<5x128xi32, #tpu.memory_space<vmem>>, vector<1x16xi32>,
    %add3A_63 = arith.constant 80 : i32
    %add3A_64 = arith.addi %mul3A_13, %add3A_63 : i32
    %add3A_65 = vector.broadcast %add3A_64 : i32 to vector<16xi32>
    %add3A_66 = arith.addi %add3A_65, %iota3A : vector<16xi32>
    %swap3A_67 = arith.constant 0 : i32
    %swap3A_68 = arith.index_cast %swap3A_67 : i32 to index
    %swap3A_69 = arith.constant 80 : index
    %swap3A_70 = tpu.vector_load %arg7[%swap3A_68, %swap3A_69] {strides = array<i32>} : memref<5x128xi32, #tpu.memory_space<vmem>>, vector<1x16xi32>,
    %swap3A_71 = vector.shape_cast %swap3A_70 : vector<1x16xi32> to vector<16xi32>
    %swap3A_72 = vector.shape_cast %add3A_66 : vector<16xi32> to vector<1x16xi32>
    tpu.vector_store %arg7[%swap3A_68, %swap3A_69], %swap3A_72 {strides = array<i32>} : memref<5x128xi32, #tpu.memory_space<vmem>>, vector<1x16xi32>,
    %add3A_73 = arith.constant 96 : i32
    %add3A_74 = arith.addi %mul3A_13, %add3A_73 : i32
    %add3A_75 = vector.broadcast %add3A_74 : i32 to vector<16xi32>
    %add3A_76 = arith.addi %add3A_75, %iota3A : vector<16xi32>
    %swap3A_77 = arith.constant 0 : i32
    %swap3A_78 = arith.index_cast %swap3A_77 : i32 to index
    %swap3A_79 = arith.constant 96 : index
    %swap3A_80 = tpu.vector_load %arg7[%swap3A_78, %swap3A_79] {strides = array<i32>} : memref<5x128xi32, #tpu.memory_space<vmem>>, vector<1x16xi32>,
    %swap3A_81 = vector.shape_cast %swap3A_80 : vector<1x16xi32> to vector<16xi32>
    %swap3A_82 = vector.shape_cast %add3A_76 : vector<16xi32> to vector<1x16xi32>
    tpu.vector_store %arg7[%swap3A_78, %swap3A_79], %swap3A_82 {strides = array<i32>} : memref<5x128xi32, #tpu.memory_space<vmem>>, vector<1x16xi32>,
    %add3A_83 = arith.constant 112 : i32
    %add3A_84 = arith.addi %mul3A_13, %add3A_83 : i32
    %add3A_85 = vector.broadcast %add3A_84 : i32 to vector<16xi32>
    %add3A_86 = arith.addi %add3A_85, %iota3A : vector<16xi32>
    %swap3A_87 = arith.constant 0 : i32
    %swap3A_88 = arith.index_cast %swap3A_87 : i32 to index
    %swap3A_89 = arith.constant 112 : index
    %swap3A_90 = tpu.vector_load %arg7[%swap3A_88, %swap3A_89] {strides = array<i32>} : memref<5x128xi32, #tpu.memory_space<vmem>>, vector<1x16xi32>,
    %swap3A_91 = vector.shape_cast %swap3A_90 : vector<1x16xi32> to vector<16xi32>
    %swap3A_92 = vector.shape_cast %add3A_86 : vector<16xi32> to vector<1x16xi32>
    tpu.vector_store %arg7[%swap3A_88, %swap3A_89], %swap3A_92 {strides = array<i32>} : memref<5x128xi32, #tpu.memory_space<vmem>>, vector<1x16xi32>,
    %add3A_93 = arith.constant 128 : i32
    %add3A_94 = arith.addi %mul3A_13, %add3A_93 : i32
    %add3A_95 = vector.broadcast %add3A_94 : i32 to vector<16xi32>
    %add3A_96 = arith.addi %add3A_95, %iota3A : vector<16xi32>
    %swap3A_97 = arith.constant 1 : i32
    %swap3A_98 = arith.index_cast %swap3A_97 : i32 to index
    %swap3A_99 = arith.constant 0 : index
    %swap3A_100 = tpu.vector_load %arg7[%swap3A_98, %swap3A_99] {strides = array<i32>} : memref<5x128xi32, #tpu.memory_space<vmem>>, vector<1x16xi32>,
    %swap3A_101 = vector.shape_cast %swap3A_100 : vector<1x16xi32> to vector<16xi32>
    %swap3A_102 = vector.shape_cast %add3A_96 : vector<16xi32> to vector<1x16xi32>
    tpu.vector_store %arg7[%swap3A_98, %swap3A_99], %swap3A_102 {strides = array<i32>} : memref<5x128xi32, #tpu.memory_space<vmem>>, vector<1x16xi32>,
    %add3A_103 = arith.constant 144 : i32
    %add3A_104 = arith.addi %mul3A_13, %add3A_103 : i32
    %add3A_105 = vector.broadcast %add3A_104 : i32 to vector<16xi32>
    %add3A_106 = arith.addi %add3A_105, %iota3A : vector<16xi32>
    %swap3A_107 = arith.constant 1 : i32
    %swap3A_108 = arith.index_cast %swap3A_107 : i32 to index
    %swap3A_109 = arith.constant 16 : index
    %swap3A_110 = tpu.vector_load %arg7[%swap3A_108, %swap3A_109] {strides = array<i32>} : memref<5x128xi32, #tpu.memory_space<vmem>>, vector<1x16xi32>,
    %swap3A_111 = vector.shape_cast %swap3A_110 : vector<1x16xi32> to vector<16xi32>
    %swap3A_112 = vector.shape_cast %add3A_106 : vector<16xi32> to vector<1x16xi32>
    tpu.vector_store %arg7[%swap3A_108, %swap3A_109], %swap3A_112 {strides = array<i32>} : memref<5x128xi32, #tpu.memory_space<vmem>>, vector<1x16xi32>,
    %add3A_113 = arith.constant 160 : i32
    %add3A_114 = arith.addi %mul3A_13, %add3A_113 : i32
    %add3A_115 = vector.broadcast %add3A_114 : i32 to vector<16xi32>
    %add3A_116 = arith.addi %add3A_115, %iota3A : vector<16xi32>
    %swap3A_117 = arith.constant 1 : i32
    %swap3A_118 = arith.index_cast %swap3A_117 : i32 to index
    %swap3A_119 = arith.constant 32 : index
    %swap3A_120 = tpu.vector_load %arg7[%swap3A_118, %swap3A_119] {strides = array<i32>} : memref<5x128xi32, #tpu.memory_space<vmem>>, vector<1x16xi32>,
    %swap3A_121 = vector.shape_cast %swap3A_120 : vector<1x16xi32> to vector<16xi32>
    %swap3A_122 = vector.shape_cast %add3A_116 : vector<16xi32> to vector<1x16xi32>
    tpu.vector_store %arg7[%swap3A_118, %swap3A_119], %swap3A_122 {strides = array<i32>} : memref<5x128xi32, #tpu.memory_space<vmem>>, vector<1x16xi32>,
    %add3A_123 = arith.constant 176 : i32
    %add3A_124 = arith.addi %mul3A_13, %add3A_123 : i32
    %add3A_125 = vector.broadcast %add3A_124 : i32 to vector<16xi32>
    %add3A_126 = arith.addi %add3A_125, %iota3A : vector<16xi32>
    %swap3A_127 = arith.constant 1 : i32
    %swap3A_128 = arith.index_cast %swap3A_127 : i32 to index
    %swap3A_129 = arith.constant 48 : index
    %swap3A_130 = tpu.vector_load %arg7[%swap3A_128, %swap3A_129] {strides = array<i32>} : memref<5x128xi32, #tpu.memory_space<vmem>>, vector<1x16xi32>,
    %swap3A_131 = vector.shape_cast %swap3A_130 : vector<1x16xi32> to vector<16xi32>
    %swap3A_132 = vector.shape_cast %add3A_126 : vector<16xi32> to vector<1x16xi32>
    tpu.vector_store %arg7[%swap3A_128, %swap3A_129], %swap3A_132 {strides = array<i32>} : memref<5x128xi32, #tpu.memory_space<vmem>>, vector<1x16xi32>,
    %add3A_133 = arith.constant 192 : i32
    %add3A_134 = arith.addi %mul3A_13, %add3A_133 : i32
    %add3A_135 = vector.broadcast %add3A_134 : i32 to vector<16xi32>
    %add3A_136 = arith.addi %add3A_135, %iota3A : vector<16xi32>
    %swap3A_137 = arith.constant 1 : i32
    %swap3A_138 = arith.index_cast %swap3A_137 : i32 to index
    %swap3A_139 = arith.constant 64 : index
    %swap3A_140 = tpu.vector_load %arg7[%swap3A_138, %swap3A_139] {strides = array<i32>} : memref<5x128xi32, #tpu.memory_space<vmem>>, vector<1x16xi32>,
    %swap3A_141 = vector.shape_cast %swap3A_140 : vector<1x16xi32> to vector<16xi32>
    %swap3A_142 = vector.shape_cast %add3A_136 : vector<16xi32> to vector<1x16xi32>
    tpu.vector_store %arg7[%swap3A_138, %swap3A_139], %swap3A_142 {strides = array<i32>} : memref<5x128xi32, #tpu.memory_space<vmem>>, vector<1x16xi32>,
    %add3A_143 = arith.constant 208 : i32
    %add3A_144 = arith.addi %mul3A_13, %add3A_143 : i32
    %add3A_145 = vector.broadcast %add3A_144 : i32 to vector<16xi32>
    %add3A_146 = arith.addi %add3A_145, %iota3A : vector<16xi32>
    %swap3A_147 = arith.constant 1 : i32
    %swap3A_148 = arith.index_cast %swap3A_147 : i32 to index
    %swap3A_149 = arith.constant 80 : index
    %swap3A_150 = tpu.vector_load %arg7[%swap3A_148, %swap3A_149] {strides = array<i32>} : memref<5x128xi32, #tpu.memory_space<vmem>>, vector<1x16xi32>,
    %swap3A_151 = vector.shape_cast %swap3A_150 : vector<1x16xi32> to vector<16xi32>
    %swap3A_152 = vector.shape_cast %add3A_146 : vector<16xi32> to vector<1x16xi32>
    tpu.vector_store %arg7[%swap3A_148, %swap3A_149], %swap3A_152 {strides = array<i32>} : memref<5x128xi32, #tpu.memory_space<vmem>>, vector<1x16xi32>,
    %add3A_153 = arith.constant 224 : i32
    %add3A_154 = arith.addi %mul3A_13, %add3A_153 : i32
    %add3A_155 = vector.broadcast %add3A_154 : i32 to vector<16xi32>
    %add3A_156 = arith.addi %add3A_155, %iota3A : vector<16xi32>
    %swap3A_157 = arith.constant 1 : i32
    %swap3A_158 = arith.index_cast %swap3A_157 : i32 to index
    %swap3A_159 = arith.constant 96 : index
    %swap3A_160 = tpu.vector_load %arg7[%swap3A_158, %swap3A_159] {strides = array<i32>} : memref<5x128xi32, #tpu.memory_space<vmem>>, vector<1x16xi32>,
    %swap3A_161 = vector.shape_cast %swap3A_160 : vector<1x16xi32> to vector<16xi32>
    %swap3A_162 = vector.shape_cast %add3A_156 : vector<16xi32> to vector<1x16xi32>
    tpu.vector_store %arg7[%swap3A_158, %swap3A_159], %swap3A_162 {strides = array<i32>} : memref<5x128xi32, #tpu.memory_space<vmem>>, vector<1x16xi32>,
    %add3A_163 = arith.constant 240 : i32
    %add3A_164 = arith.addi %mul3A_13, %add3A_163 : i32
    %add3A_165 = vector.broadcast %add3A_164 : i32 to vector<16xi32>
    %add3A_166 = arith.addi %add3A_165, %iota3A : vector<16xi32>
    %swap3A_167 = arith.constant 1 : i32
    %swap3A_168 = arith.index_cast %swap3A_167 : i32 to index
    %swap3A_169 = arith.constant 112 : index
    %swap3A_170 = tpu.vector_load %arg7[%swap3A_168, %swap3A_169] {strides = array<i32>} : memref<5x128xi32, #tpu.memory_space<vmem>>, vector<1x16xi32>,
    %swap3A_171 = vector.shape_cast %swap3A_170 : vector<1x16xi32> to vector<16xi32>
    %swap3A_172 = vector.shape_cast %add3A_166 : vector<16xi32> to vector<1x16xi32>
    tpu.vector_store %arg7[%swap3A_168, %swap3A_169], %swap3A_172 {strides = array<i32>} : memref<5x128xi32, #tpu.memory_space<vmem>>, vector<1x16xi32>,
    %add3A_173 = arith.constant 256 : i32
    %add3A_174 = arith.addi %mul3A_13, %add3A_173 : i32
    %add3A_175 = vector.broadcast %add3A_174 : i32 to vector<16xi32>
    %add3A_176 = arith.addi %add3A_175, %iota3A : vector<16xi32>
    %swap3A_177 = arith.constant 2 : i32
    %swap3A_178 = arith.index_cast %swap3A_177 : i32 to index
    %swap3A_179 = arith.constant 0 : index
    %swap3A_180 = tpu.vector_load %arg7[%swap3A_178, %swap3A_179] {strides = array<i32>} : memref<5x128xi32, #tpu.memory_space<vmem>>, vector<1x16xi32>,
    %swap3A_181 = vector.shape_cast %swap3A_180 : vector<1x16xi32> to vector<16xi32>
    %swap3A_182 = vector.shape_cast %add3A_176 : vector<16xi32> to vector<1x16xi32>
    tpu.vector_store %arg7[%swap3A_178, %swap3A_179], %swap3A_182 {strides = array<i32>} : memref<5x128xi32, #tpu.memory_space<vmem>>, vector<1x16xi32>,
    %add3A_183 = arith.constant 272 : i32
    %add3A_184 = arith.addi %mul3A_13, %add3A_183 : i32
    %add3A_185 = vector.broadcast %add3A_184 : i32 to vector<16xi32>
    %add3A_186 = arith.addi %add3A_185, %iota3A : vector<16xi32>
    %swap3A_187 = arith.constant 2 : i32
    %swap3A_188 = arith.index_cast %swap3A_187 : i32 to index
    %swap3A_189 = arith.constant 16 : index
    %swap3A_190 = tpu.vector_load %arg7[%swap3A_188, %swap3A_189] {strides = array<i32>} : memref<5x128xi32, #tpu.memory_space<vmem>>, vector<1x16xi32>,
    %swap3A_191 = vector.shape_cast %swap3A_190 : vector<1x16xi32> to vector<16xi32>
    %swap3A_192 = vector.shape_cast %add3A_186 : vector<16xi32> to vector<1x16xi32>
    tpu.vector_store %arg7[%swap3A_188, %swap3A_189], %swap3A_192 {strides = array<i32>} : memref<5x128xi32, #tpu.memory_space<vmem>>, vector<1x16xi32>,
    %add3A_193 = arith.constant 288 : i32
    %add3A_194 = arith.addi %mul3A_13, %add3A_193 : i32
    %add3A_195 = vector.broadcast %add3A_194 : i32 to vector<16xi32>
    %add3A_196 = arith.addi %add3A_195, %iota3A : vector<16xi32>
    %swap3A_197 = arith.constant 2 : i32
    %swap3A_198 = arith.index_cast %swap3A_197 : i32 to index
    %swap3A_199 = arith.constant 32 : index
    %swap3A_200 = tpu.vector_load %arg7[%swap3A_198, %swap3A_199] {strides = array<i32>} : memref<5x128xi32, #tpu.memory_space<vmem>>, vector<1x16xi32>,
    %swap3A_201 = vector.shape_cast %swap3A_200 : vector<1x16xi32> to vector<16xi32>
    %swap3A_202 = vector.shape_cast %add3A_196 : vector<16xi32> to vector<1x16xi32>
    tpu.vector_store %arg7[%swap3A_198, %swap3A_199], %swap3A_202 {strides = array<i32>} : memref<5x128xi32, #tpu.memory_space<vmem>>, vector<1x16xi32>,
    %add3A_203 = arith.constant 304 : i32
    %add3A_204 = arith.addi %mul3A_13, %add3A_203 : i32
    %add3A_205 = vector.broadcast %add3A_204 : i32 to vector<16xi32>
    %add3A_206 = arith.addi %add3A_205, %iota3A : vector<16xi32>
    %swap3A_207 = arith.constant 2 : i32
    %swap3A_208 = arith.index_cast %swap3A_207 : i32 to index
    %swap3A_209 = arith.constant 48 : index
    %swap3A_210 = tpu.vector_load %arg7[%swap3A_208, %swap3A_209] {strides = array<i32>} : memref<5x128xi32, #tpu.memory_space<vmem>>, vector<1x16xi32>,
    %swap3A_211 = vector.shape_cast %swap3A_210 : vector<1x16xi32> to vector<16xi32>
    %swap3A_212 = vector.shape_cast %add3A_206 : vector<16xi32> to vector<1x16xi32>
    tpu.vector_store %arg7[%swap3A_208, %swap3A_209], %swap3A_212 {strides = array<i32>} : memref<5x128xi32, #tpu.memory_space<vmem>>, vector<1x16xi32>,
    %add3A_213 = arith.constant 320 : i32
    %add3A_214 = arith.addi %mul3A_13, %add3A_213 : i32
    %add3A_215 = vector.broadcast %add3A_214 : i32 to vector<16xi32>
    %add3A_216 = arith.addi %add3A_215, %iota3A : vector<16xi32>
    %swap3A_217 = arith.constant 2 : i32
    %swap3A_218 = arith.index_cast %swap3A_217 : i32 to index
    %swap3A_219 = arith.constant 64 : index
    %swap3A_220 = tpu.vector_load %arg7[%swap3A_218, %swap3A_219] {strides = array<i32>} : memref<5x128xi32, #tpu.memory_space<vmem>>, vector<1x16xi32>,
    %swap3A_221 = vector.shape_cast %swap3A_220 : vector<1x16xi32> to vector<16xi32>
    %swap3A_222 = vector.shape_cast %add3A_216 : vector<16xi32> to vector<1x16xi32>
    tpu.vector_store %arg7[%swap3A_218, %swap3A_219], %swap3A_222 {strides = array<i32>} : memref<5x128xi32, #tpu.memory_space<vmem>>, vector<1x16xi32>,
    %add3A_223 = arith.constant 336 : i32
    %add3A_224 = arith.addi %mul3A_13, %add3A_223 : i32
    %add3A_225 = vector.broadcast %add3A_224 : i32 to vector<16xi32>
    %add3A_226 = arith.addi %add3A_225, %iota3A : vector<16xi32>
    %swap3A_227 = arith.constant 2 : i32
    %swap3A_228 = arith.index_cast %swap3A_227 : i32 to index
    %swap3A_229 = arith.constant 80 : index
    %swap3A_230 = tpu.vector_load %arg7[%swap3A_228, %swap3A_229] {strides = array<i32>} : memref<5x128xi32, #tpu.memory_space<vmem>>, vector<1x16xi32>,
    %swap3A_231 = vector.shape_cast %swap3A_230 : vector<1x16xi32> to vector<16xi32>
    %swap3A_232 = vector.shape_cast %add3A_226 : vector<16xi32> to vector<1x16xi32>
    tpu.vector_store %arg7[%swap3A_228, %swap3A_229], %swap3A_232 {strides = array<i32>} : memref<5x128xi32, #tpu.memory_space<vmem>>, vector<1x16xi32>,
    %add3A_233 = arith.constant 352 : i32
    %add3A_234 = arith.addi %mul3A_13, %add3A_233 : i32
    %add3A_235 = vector.broadcast %add3A_234 : i32 to vector<16xi32>
    %add3A_236 = arith.addi %add3A_235, %iota3A : vector<16xi32>
    %swap3A_237 = arith.constant 2 : i32
    %swap3A_238 = arith.index_cast %swap3A_237 : i32 to index
    %swap3A_239 = arith.constant 96 : index
    %swap3A_240 = tpu.vector_load %arg7[%swap3A_238, %swap3A_239] {strides = array<i32>} : memref<5x128xi32, #tpu.memory_space<vmem>>, vector<1x16xi32>,
    %swap3A_241 = vector.shape_cast %swap3A_240 : vector<1x16xi32> to vector<16xi32>
    %swap3A_242 = vector.shape_cast %add3A_236 : vector<16xi32> to vector<1x16xi32>
    tpu.vector_store %arg7[%swap3A_238, %swap3A_239], %swap3A_242 {strides = array<i32>} : memref<5x128xi32, #tpu.memory_space<vmem>>, vector<1x16xi32>,
    %add3A_243 = arith.constant 368 : i32
    %add3A_244 = arith.addi %mul3A_13, %add3A_243 : i32
    %add3A_245 = vector.broadcast %add3A_244 : i32 to vector<16xi32>
    %add3A_246 = arith.addi %add3A_245, %iota3A : vector<16xi32>
    %swap3A_247 = arith.constant 2 : i32
    %swap3A_248 = arith.index_cast %swap3A_247 : i32 to index
    %swap3A_249 = arith.constant 112 : index
    %swap3A_250 = tpu.vector_load %arg7[%swap3A_248, %swap3A_249] {strides = array<i32>} : memref<5x128xi32, #tpu.memory_space<vmem>>, vector<1x16xi32>,
    %swap3A_251 = vector.shape_cast %swap3A_250 : vector<1x16xi32> to vector<16xi32>
    %swap3A_252 = vector.shape_cast %add3A_246 : vector<16xi32> to vector<1x16xi32>
    tpu.vector_store %arg7[%swap3A_248, %swap3A_249], %swap3A_252 {strides = array<i32>} : memref<5x128xi32, #tpu.memory_space<vmem>>, vector<1x16xi32>,
    %add3A_253 = arith.constant 384 : i32
    %add3A_254 = arith.addi %mul3A_13, %add3A_253 : i32
    %add3A_255 = vector.broadcast %add3A_254 : i32 to vector<16xi32>
    %add3A_256 = arith.addi %add3A_255, %iota3A : vector<16xi32>
    %swap3A_257 = arith.constant 3 : i32
    %swap3A_258 = arith.index_cast %swap3A_257 : i32 to index
    %swap3A_259 = arith.constant 0 : index
    %swap3A_260 = tpu.vector_load %arg7[%swap3A_258, %swap3A_259] {strides = array<i32>} : memref<5x128xi32, #tpu.memory_space<vmem>>, vector<1x16xi32>,
    %swap3A_261 = vector.shape_cast %swap3A_260 : vector<1x16xi32> to vector<16xi32>
    %swap3A_262 = vector.shape_cast %add3A_256 : vector<16xi32> to vector<1x16xi32>
    tpu.vector_store %arg7[%swap3A_258, %swap3A_259], %swap3A_262 {strides = array<i32>} : memref<5x128xi32, #tpu.memory_space<vmem>>, vector<1x16xi32>,
    %add3A_263 = arith.constant 400 : i32
    %add3A_264 = arith.addi %mul3A_13, %add3A_263 : i32
    %add3A_265 = vector.broadcast %add3A_264 : i32 to vector<16xi32>
    %add3A_266 = arith.addi %add3A_265, %iota3A : vector<16xi32>
    %swap3A_267 = arith.constant 3 : i32
    %swap3A_268 = arith.index_cast %swap3A_267 : i32 to index
    %swap3A_269 = arith.constant 16 : index
    %swap3A_270 = tpu.vector_load %arg7[%swap3A_268, %swap3A_269] {strides = array<i32>} : memref<5x128xi32, #tpu.memory_space<vmem>>, vector<1x16xi32>,
    %swap3A_271 = vector.shape_cast %swap3A_270 : vector<1x16xi32> to vector<16xi32>
    %swap3A_272 = vector.shape_cast %add3A_266 : vector<16xi32> to vector<1x16xi32>
    tpu.vector_store %arg7[%swap3A_268, %swap3A_269], %swap3A_272 {strides = array<i32>} : memref<5x128xi32, #tpu.memory_space<vmem>>, vector<1x16xi32>,
    %add3A_273 = arith.constant 416 : i32
    %add3A_274 = arith.addi %mul3A_13, %add3A_273 : i32
    %add3A_275 = vector.broadcast %add3A_274 : i32 to vector<16xi32>
    %add3A_276 = arith.addi %add3A_275, %iota3A : vector<16xi32>
    %swap3A_277 = arith.constant 3 : i32
    %swap3A_278 = arith.index_cast %swap3A_277 : i32 to index
    %swap3A_279 = arith.constant 32 : index
    %swap3A_280 = tpu.vector_load %arg7[%swap3A_278, %swap3A_279] {strides = array<i32>} : memref<5x128xi32, #tpu.memory_space<vmem>>, vector<1x16xi32>,
    %swap3A_281 = vector.shape_cast %swap3A_280 : vector<1x16xi32> to vector<16xi32>
    %swap3A_282 = vector.shape_cast %add3A_276 : vector<16xi32> to vector<1x16xi32>
    tpu.vector_store %arg7[%swap3A_278, %swap3A_279], %swap3A_282 {strides = array<i32>} : memref<5x128xi32, #tpu.memory_space<vmem>>, vector<1x16xi32>,
    %add3A_283 = arith.constant 432 : i32
    %add3A_284 = arith.addi %mul3A_13, %add3A_283 : i32
    %add3A_285 = vector.broadcast %add3A_284 : i32 to vector<16xi32>
    %add3A_286 = arith.addi %add3A_285, %iota3A : vector<16xi32>
    %swap3A_287 = arith.constant 3 : i32
    %swap3A_288 = arith.index_cast %swap3A_287 : i32 to index
    %swap3A_289 = arith.constant 48 : index
    %swap3A_290 = tpu.vector_load %arg7[%swap3A_288, %swap3A_289] {strides = array<i32>} : memref<5x128xi32, #tpu.memory_space<vmem>>, vector<1x16xi32>,
    %swap3A_291 = vector.shape_cast %swap3A_290 : vector<1x16xi32> to vector<16xi32>
    %swap3A_292 = vector.shape_cast %add3A_286 : vector<16xi32> to vector<1x16xi32>
    tpu.vector_store %arg7[%swap3A_288, %swap3A_289], %swap3A_292 {strides = array<i32>} : memref<5x128xi32, #tpu.memory_space<vmem>>, vector<1x16xi32>,
    %add3A_293 = arith.constant 448 : i32
    %add3A_294 = arith.addi %mul3A_13, %add3A_293 : i32
    %add3A_295 = vector.broadcast %add3A_294 : i32 to vector<16xi32>
    %add3A_296 = arith.addi %add3A_295, %iota3A : vector<16xi32>
    %swap3A_297 = arith.constant 3 : i32
    %swap3A_298 = arith.index_cast %swap3A_297 : i32 to index
    %swap3A_299 = arith.constant 64 : index
    %swap3A_300 = tpu.vector_load %arg7[%swap3A_298, %swap3A_299] {strides = array<i32>} : memref<5x128xi32, #tpu.memory_space<vmem>>, vector<1x16xi32>,
    %swap3A_301 = vector.shape_cast %swap3A_300 : vector<1x16xi32> to vector<16xi32>
    %swap3A_302 = vector.shape_cast %add3A_296 : vector<16xi32> to vector<1x16xi32>
    tpu.vector_store %arg7[%swap3A_298, %swap3A_299], %swap3A_302 {strides = array<i32>} : memref<5x128xi32, #tpu.memory_space<vmem>>, vector<1x16xi32>,
    %add3A_303 = arith.constant 464 : i32
    %add3A_304 = arith.addi %mul3A_13, %add3A_303 : i32
    %add3A_305 = vector.broadcast %add3A_304 : i32 to vector<16xi32>
    %add3A_306 = arith.addi %add3A_305, %iota3A : vector<16xi32>
    %swap3A_307 = arith.constant 3 : i32
    %swap3A_308 = arith.index_cast %swap3A_307 : i32 to index
    %swap3A_309 = arith.constant 80 : index
    %swap3A_310 = tpu.vector_load %arg7[%swap3A_308, %swap3A_309] {strides = array<i32>} : memref<5x128xi32, #tpu.memory_space<vmem>>, vector<1x16xi32>,
    %swap3A_311 = vector.shape_cast %swap3A_310 : vector<1x16xi32> to vector<16xi32>
    %swap3A_312 = vector.shape_cast %add3A_306 : vector<16xi32> to vector<1x16xi32>
    tpu.vector_store %arg7[%swap3A_308, %swap3A_309], %swap3A_312 {strides = array<i32>} : memref<5x128xi32, #tpu.memory_space<vmem>>, vector<1x16xi32>,
    %add3A_313 = arith.constant 480 : i32
    %add3A_314 = arith.addi %mul3A_13, %add3A_313 : i32
    %add3A_315 = vector.broadcast %add3A_314 : i32 to vector<16xi32>
    %add3A_316 = arith.addi %add3A_315, %iota3A : vector<16xi32>
    %swap3A_317 = arith.constant 3 : i32
    %swap3A_318 = arith.index_cast %swap3A_317 : i32 to index
    %swap3A_319 = arith.constant 96 : index
    %swap3A_320 = tpu.vector_load %arg7[%swap3A_318, %swap3A_319] {strides = array<i32>} : memref<5x128xi32, #tpu.memory_space<vmem>>, vector<1x16xi32>,
    %swap3A_321 = vector.shape_cast %swap3A_320 : vector<1x16xi32> to vector<16xi32>
    %swap3A_322 = vector.shape_cast %add3A_316 : vector<16xi32> to vector<1x16xi32>
    tpu.vector_store %arg7[%swap3A_318, %swap3A_319], %swap3A_322 {strides = array<i32>} : memref<5x128xi32, #tpu.memory_space<vmem>>, vector<1x16xi32>,
    %add3A_323 = arith.constant 496 : i32
    %add3A_324 = arith.addi %mul3A_13, %add3A_323 : i32
    %add3A_325 = vector.broadcast %add3A_324 : i32 to vector<16xi32>
    %add3A_326 = arith.addi %add3A_325, %iota3A : vector<16xi32>
    %swap3A_327 = arith.constant 3 : i32
    %swap3A_328 = arith.index_cast %swap3A_327 : i32 to index
    %swap3A_329 = arith.constant 112 : index
    %swap3A_330 = tpu.vector_load %arg7[%swap3A_328, %swap3A_329] {strides = array<i32>} : memref<5x128xi32, #tpu.memory_space<vmem>>, vector<1x16xi32>,
    %swap3A_331 = vector.shape_cast %swap3A_330 : vector<1x16xi32> to vector<16xi32>
    %swap3A_332 = vector.shape_cast %add3A_326 : vector<16xi32> to vector<1x16xi32>
    tpu.vector_store %arg7[%swap3A_328, %swap3A_329], %swap3A_332 {strides = array<i32>} : memref<5x128xi32, #tpu.memory_space<vmem>>, vector<1x16xi32>,
    %add3A_333 = arith.constant 512 : i32
    %add3A_334 = arith.addi %mul3A_13, %add3A_333 : i32
    %add3A_335 = vector.broadcast %add3A_334 : i32 to vector<16xi32>
    %add3A_336 = arith.addi %add3A_335, %iota3A : vector<16xi32>
    %swap3A_337 = arith.constant 4 : i32
    %swap3A_338 = arith.index_cast %swap3A_337 : i32 to index
    %swap3A_339 = arith.constant 0 : index
    %swap3A_340 = tpu.vector_load %arg7[%swap3A_338, %swap3A_339] {strides = array<i32>} : memref<5x128xi32, #tpu.memory_space<vmem>>, vector<1x16xi32>,
    %swap3A_341 = vector.shape_cast %swap3A_340 : vector<1x16xi32> to vector<16xi32>
    %swap3A_342 = vector.shape_cast %add3A_336 : vector<16xi32> to vector<1x16xi32>
    tpu.vector_store %arg7[%swap3A_338, %swap3A_339], %swap3A_342 {strides = array<i32>} : memref<5x128xi32, #tpu.memory_space<vmem>>, vector<1x16xi32>,
    %add3A_343 = arith.constant 528 : i32
    %add3A_344 = arith.addi %mul3A_13, %add3A_343 : i32
    %add3A_345 = vector.broadcast %add3A_344 : i32 to vector<16xi32>
    %add3A_346 = arith.addi %add3A_345, %iota3A : vector<16xi32>
    %swap3A_347 = arith.constant 4 : i32
    %swap3A_348 = arith.index_cast %swap3A_347 : i32 to index
    %swap3A_349 = arith.constant 16 : index
    %swap3A_350 = tpu.vector_load %arg7[%swap3A_348, %swap3A_349] {strides = array<i32>} : memref<5x128xi32, #tpu.memory_space<vmem>>, vector<1x16xi32>,
    %swap3A_351 = vector.shape_cast %swap3A_350 : vector<1x16xi32> to vector<16xi32>
    %swap3A_352 = vector.shape_cast %add3A_346 : vector<16xi32> to vector<1x16xi32>
    tpu.vector_store %arg7[%swap3A_348, %swap3A_349], %swap3A_352 {strides = array<i32>} : memref<5x128xi32, #tpu.memory_space<vmem>>, vector<1x16xi32>,
    %add3A_353 = arith.constant 544 : i32
    %add3A_354 = arith.addi %mul3A_13, %add3A_353 : i32
    %add3A_355 = vector.broadcast %add3A_354 : i32 to vector<16xi32>
    %add3A_356 = arith.addi %add3A_355, %iota3A : vector<16xi32>
    %swap3A_357 = arith.constant 4 : i32
    %swap3A_358 = arith.index_cast %swap3A_357 : i32 to index
    %swap3A_359 = arith.constant 32 : index
    %swap3A_360 = tpu.vector_load %arg7[%swap3A_358, %swap3A_359] {strides = array<i32>} : memref<5x128xi32, #tpu.memory_space<vmem>>, vector<1x16xi32>,
    %swap3A_361 = vector.shape_cast %swap3A_360 : vector<1x16xi32> to vector<16xi32>
    %swap3A_362 = vector.shape_cast %add3A_356 : vector<16xi32> to vector<1x16xi32>
    tpu.vector_store %arg7[%swap3A_358, %swap3A_359], %swap3A_362 {strides = array<i32>} : memref<5x128xi32, #tpu.memory_space<vmem>>, vector<1x16xi32>,
    %add3A_363 = arith.constant 560 : i32
    %add3A_364 = arith.addi %mul3A_13, %add3A_363 : i32
    %add3A_365 = vector.broadcast %add3A_364 : i32 to vector<16xi32>
    %add3A_366 = arith.addi %add3A_365, %iota3A : vector<16xi32>
    %swap3A_367 = arith.constant 4 : i32
    %swap3A_368 = arith.index_cast %swap3A_367 : i32 to index
    %swap3A_369 = arith.constant 48 : index
    %swap3A_370 = tpu.vector_load %arg7[%swap3A_368, %swap3A_369] {strides = array<i32>} : memref<5x128xi32, #tpu.memory_space<vmem>>, vector<1x16xi32>,
    %swap3A_371 = vector.shape_cast %swap3A_370 : vector<1x16xi32> to vector<16xi32>
    %swap3A_372 = vector.shape_cast %add3A_366 : vector<16xi32> to vector<1x16xi32>
    tpu.vector_store %arg7[%swap3A_368, %swap3A_369], %swap3A_372 {strides = array<i32>} : memref<5x128xi32, #tpu.memory_space<vmem>>, vector<1x16xi32>,
    %add3A_373 = arith.constant 576 : i32
    %add3A_374 = arith.addi %mul3A_13, %add3A_373 : i32
    %add3A_375 = vector.broadcast %add3A_374 : i32 to vector<16xi32>
    %add3A_376 = arith.addi %add3A_375, %iota3A : vector<16xi32>
    %swap3A_377 = arith.constant 4 : i32
    %swap3A_378 = arith.index_cast %swap3A_377 : i32 to index
    %swap3A_379 = arith.constant 64 : index
    %swap3A_380 = tpu.vector_load %arg7[%swap3A_378, %swap3A_379] {strides = array<i32>} : memref<5x128xi32, #tpu.memory_space<vmem>>, vector<1x16xi32>,
    %swap3A_381 = vector.shape_cast %swap3A_380 : vector<1x16xi32> to vector<16xi32>
    %swap3A_382 = vector.shape_cast %add3A_376 : vector<16xi32> to vector<1x16xi32>
    tpu.vector_store %arg7[%swap3A_378, %swap3A_379], %swap3A_382 {strides = array<i32>} : memref<5x128xi32, #tpu.memory_space<vmem>>, vector<1x16xi32>,
    %add3A_383 = arith.constant 592 : i32
    %add3A_384 = arith.addi %mul3A_13, %add3A_383 : i32
    %add3A_385 = vector.broadcast %add3A_384 : i32 to vector<16xi32>
    %add3A_386 = arith.addi %add3A_385, %iota3A : vector<16xi32>
    %swap3A_387 = arith.constant 4 : i32
    %swap3A_388 = arith.index_cast %swap3A_387 : i32 to index
    %swap3A_389 = arith.constant 80 : index
    %swap3A_390 = tpu.vector_load %arg7[%swap3A_388, %swap3A_389] {strides = array<i32>} : memref<5x128xi32, #tpu.memory_space<vmem>>, vector<1x16xi32>,
    %swap3A_391 = vector.shape_cast %swap3A_390 : vector<1x16xi32> to vector<16xi32>
    %swap3A_392 = vector.shape_cast %add3A_386 : vector<16xi32> to vector<1x16xi32>
    tpu.vector_store %arg7[%swap3A_388, %swap3A_389], %swap3A_392 {strides = array<i32>} : memref<5x128xi32, #tpu.memory_space<vmem>>, vector<1x16xi32>,
    %add3A_393 = arith.constant 608 : i32
    %add3A_394 = arith.addi %mul3A_13, %add3A_393 : i32
    %add3A_395 = vector.broadcast %add3A_394 : i32 to vector<16xi32>
    %add3A_396 = arith.addi %add3A_395, %iota3A : vector<16xi32>
    %swap3A_397 = arith.constant 4 : i32
    %swap3A_398 = arith.index_cast %swap3A_397 : i32 to index
    %swap3A_399 = arith.constant 96 : index
    %swap3A_400 = tpu.vector_load %arg7[%swap3A_398, %swap3A_399] {strides = array<i32>} : memref<5x128xi32, #tpu.memory_space<vmem>>, vector<1x16xi32>,
    %swap3A_401 = vector.shape_cast %swap3A_400 : vector<1x16xi32> to vector<16xi32>
    %swap3A_402 = vector.shape_cast %add3A_396 : vector<16xi32> to vector<1x16xi32>
    tpu.vector_store %arg7[%swap3A_398, %swap3A_399], %swap3A_402 {strides = array<i32>} : memref<5x128xi32, #tpu.memory_space<vmem>>, vector<1x16xi32>,
    %add3A_403 = arith.constant 624 : i32
    %add3A_404 = arith.addi %mul3A_13, %add3A_403 : i32
    %add3A_405 = vector.broadcast %add3A_404 : i32 to vector<16xi32>
    %add3A_406 = arith.addi %add3A_405, %iota3A : vector<16xi32>
    %swap3A_407 = arith.constant 4 : i32
    %swap3A_408 = arith.index_cast %swap3A_407 : i32 to index
    %swap3A_409 = arith.constant 112 : index
    %swap3A_410 = tpu.vector_load %arg7[%swap3A_408, %swap3A_409] {strides = array<i32>} : memref<5x128xi32, #tpu.memory_space<vmem>>, vector<1x16xi32>,
    %swap3A_411 = vector.shape_cast %swap3A_410 : vector<1x16xi32> to vector<16xi32>
    %swap3A_412 = vector.shape_cast %add3A_406 : vector<16xi32> to vector<1x16xi32>
    tpu.vector_store %arg7[%swap3A_408, %swap3A_409], %swap3A_412 {strides = array<i32>} : memref<5x128xi32, #tpu.memory_space<vmem>>, vector<1x16xi32>,
    %run_scoped3A = arith.constant 0 : i32
    "tpu.region"() ({
      %run_scoped3A_444 = tpu.sem_alloc : memref<!tpu.dma_semaphore, #tpu.memory_space<semaphore_mem>>
      %dma_start3A = arith.constant 0 : i32
      %dma_start3A_445 = tpu.memref_slice %arg7[%run_scoped3A, %dma_start3A] : memref<5x128xi32, #tpu.memory_space<vmem>> -> memref<1x128xi32, #tpu.memory_space<vmem>>
      %dma_start3A_446 = tpu.memref_squeeze %dma_start3A_445 : memref<1x128xi32, #tpu.memory_space<vmem>> -> memref<128xi32, #tpu.memory_space<vmem>>
      %dma_start3A_447 = arith.constant 0 : i32
      %dma_start3A_448 = arith.constant 0 : i32
      %dma_start3A_449 = tpu.memref_slice %arg8[%dma_start3A_447, %dma_start3A_448] : memref<10240x128xf32, #tpu.memory_space<vmem_shared>> -> memref<10240x128xf32, #tpu.memory_space<vmem_shared>>
      tpu.enqueue_indirect_dma source(%arg6 : memref<128x128xf32, #tpu.memory_space<vmem>>) target(%dma_start3A_449 : memref<10240x128xf32, #tpu.memory_space<vmem_shared>>) offsets(%dma_start3A_446 : memref<128xi32, #tpu.memory_space<vmem>>) semaphore(%run_scoped3A_444 : memref<!tpu.dma_semaphore, #tpu.memory_space<semaphore_mem>>)
      %dma_wait3A = arith.constant 0 : i32
      %dma_wait3A_450 = tpu.memref_slice %arg7[%run_scoped3A, %dma_wait3A] : memref<5x128xi32, #tpu.memory_space<vmem>> -> memref<1x128xi32, #tpu.memory_space<vmem>>
      %dma_wait3A_451 = tpu.memref_squeeze %dma_wait3A_450 : memref<1x128xi32, #tpu.memory_space<vmem>> -> memref<128xi32, #tpu.memory_space<vmem>>
      %dma_wait3A_452 = arith.constant 0 : i32
      %dma_wait3A_453 = arith.constant 0 : i32
      %dma_wait3A_454 = tpu.memref_slice %arg8[%dma_wait3A_452, %dma_wait3A_453] : memref<10240x128xf32, #tpu.memory_space<vmem_shared>> -> memref<10240x128xf32, #tpu.memory_space<vmem_shared>>
      tpu.wait_indirect_dma semaphore(%run_scoped3A_444 : memref<!tpu.dma_semaphore, #tpu.memory_space<semaphore_mem>>) src(%arg6 : memref<128x128xf32, #tpu.memory_space<vmem>>) dst(%dma_wait3A_454 : memref<10240x128xf32, #tpu.memory_space<vmem_shared>>)
      tpu.yield
    }) : () -> ()
    %run_scoped3A_413 = arith.constant 1 : i32
    "tpu.region"() ({
      %run_scoped3A_444 = tpu.sem_alloc : memref<!tpu.dma_semaphore, #tpu.memory_space<semaphore_mem>>
      %dma_start3A = arith.constant 0 : i32
      %dma_start3A_445 = tpu.memref_slice %arg7[%run_scoped3A_413, %dma_start3A] : memref<5x128xi32, #tpu.memory_space<vmem>> -> memref<1x128xi32, #tpu.memory_space<vmem>>
      %dma_start3A_446 = tpu.memref_squeeze %dma_start3A_445 : memref<1x128xi32, #tpu.memory_space<vmem>> -> memref<128xi32, #tpu.memory_space<vmem>>
      %dma_start3A_447 = arith.constant 0 : i32
      %dma_start3A_448 = arith.constant 0 : i32
      %dma_start3A_449 = tpu.memref_slice %arg8[%dma_start3A_447, %dma_start3A_448] : memref<10240x128xf32, #tpu.memory_space<vmem_shared>> -> memref<10240x128xf32, #tpu.memory_space<vmem_shared>>
      tpu.enqueue_indirect_dma source(%arg6 : memref<128x128xf32, #tpu.memory_space<vmem>>) target(%dma_start3A_449 : memref<10240x128xf32, #tpu.memory_space<vmem_shared>>) offsets(%dma_start3A_446 : memref<128xi32, #tpu.memory_space<vmem>>) semaphore(%run_scoped3A_444 : memref<!tpu.dma_semaphore, #tpu.memory_space<semaphore_mem>>)
      %dma_wait3A = arith.constant 0 : i32
      %dma_wait3A_450 = tpu.memref_slice %arg7[%run_scoped3A_413, %dma_wait3A] : memref<5x128xi32, #tpu.memory_space<vmem>> -> memref<1x128xi32, #tpu.memory_space<vmem>>
      %dma_wait3A_451 = tpu.memref_squeeze %dma_wait3A_450 : memref<1x128xi32, #tpu.memory_space<vmem>> -> memref<128xi32, #tpu.memory_space<vmem>>
      %dma_wait3A_452 = arith.constant 0 : i32
      %dma_wait3A_453 = arith.constant 0 : i32
      %dma_wait3A_454 = tpu.memref_slice %arg8[%dma_wait3A_452, %dma_wait3A_453] : memref<10240x128xf32, #tpu.memory_space<vmem_shared>> -> memref<10240x128xf32, #tpu.memory_space<vmem_shared>>
      tpu.wait_indirect_dma semaphore(%run_scoped3A_444 : memref<!tpu.dma_semaphore, #tpu.memory_space<semaphore_mem>>) src(%arg6 : memref<128x128xf32, #tpu.memory_space<vmem>>) dst(%dma_wait3A_454 : memref<10240x128xf32, #tpu.memory_space<vmem_shared>>)
      tpu.yield
    }) : () -> ()
    %run_scoped3A_414 = arith.constant 2 : i32
    "tpu.region"() ({
      %run_scoped3A_444 = tpu.sem_alloc : memref<!tpu.dma_semaphore, #tpu.memory_space<semaphore_mem>>
      %dma_start3A = arith.constant 0 : i32
      %dma_start3A_445 = tpu.memref_slice %arg7[%run_scoped3A_414, %dma_start3A] : memref<5x128xi32, #tpu.memory_space<vmem>> -> memref<1x128xi32, #tpu.memory_space<vmem>>
      %dma_start3A_446 = tpu.memref_squeeze %dma_start3A_445 : memref<1x128xi32, #tpu.memory_space<vmem>> -> memref<128xi32, #tpu.memory_space<vmem>>
      %dma_start3A_447 = arith.constant 0 : i32
      %dma_start3A_448 = arith.constant 0 : i32
      %dma_start3A_449 = tpu.memref_slice %arg8[%dma_start3A_447, %dma_start3A_448] : memref<10240x128xf32, #tpu.memory_space<vmem_shared>> -> memref<10240x128xf32, #tpu.memory_space<vmem_shared>>
      tpu.enqueue_indirect_dma source(%arg6 : memref<128x128xf32, #tpu.memory_space<vmem>>) target(%dma_start3A_449 : memref<10240x128xf32, #tpu.memory_space<vmem_shared>>) offsets(%dma_start3A_446 : memref<128xi32, #tpu.memory_space<vmem>>) semaphore(%run_scoped3A_444 : memref<!tpu.dma_semaphore, #tpu.memory_space<semaphore_mem>>)
      %dma_wait3A = arith.constant 0 : i32
      %dma_wait3A_450 = tpu.memref_slice %arg7[%run_scoped3A_414, %dma_wait3A] : memref<5x128xi32, #tpu.memory_space<vmem>> -> memref<1x128xi32, #tpu.memory_space<vmem>>
      %dma_wait3A_451 = tpu.memref_squeeze %dma_wait3A_450 : memref<1x128xi32, #tpu.memory_space<vmem>> -> memref<128xi32, #tpu.memory_space<vmem>>
      %dma_wait3A_452 = arith.constant 0 : i32
      %dma_wait3A_453 = arith.constant 0 : i32
      %dma_wait3A_454 = tpu.memref_slice %arg8[%dma_wait3A_452, %dma_wait3A_453] : memref<10240x128xf32, #tpu.memory_space<vmem_shared>> -> memref<10240x128xf32, #tpu.memory_space<vmem_shared>>
      tpu.wait_indirect_dma semaphore(%run_scoped3A_444 : memref<!tpu.dma_semaphore, #tpu.memory_space<semaphore_mem>>) src(%arg6 : memref<128x128xf32, #tpu.memory_space<vmem>>) dst(%dma_wait3A_454 : memref<10240x128xf32, #tpu.memory_space<vmem_shared>>)
      tpu.yield
    }) : () -> ()
    %run_scoped3A_415 = arith.constant 3 : i32
    "tpu.region"() ({
      %run_scoped3A_444 = tpu.sem_alloc : memref<!tpu.dma_semaphore, #tpu.memory_space<semaphore_mem>>
      %dma_start3A = arith.constant 0 : i32
      %dma_start3A_445 = tpu.memref_slice %arg7[%run_scoped3A_415, %dma_start3A] : memref<5x128xi32, #tpu.memory_space<vmem>> -> memref<1x128xi32, #tpu.memory_space<vmem>>
      %dma_start3A_446 = tpu.memref_squeeze %dma_start3A_445 : memref<1x128xi32, #tpu.memory_space<vmem>> -> memref<128xi32, #tpu.memory_space<vmem>>
      %dma_start3A_447 = arith.constant 0 : i32
      %dma_start3A_448 = arith.constant 0 : i32
      %dma_start3A_449 = tpu.memref_slice %arg8[%dma_start3A_447, %dma_start3A_448] : memref<10240x128xf32, #tpu.memory_space<vmem_shared>> -> memref<10240x128xf32, #tpu.memory_space<vmem_shared>>
      tpu.enqueue_indirect_dma source(%arg6 : memref<128x128xf32, #tpu.memory_space<vmem>>) target(%dma_start3A_449 : memref<10240x128xf32, #tpu.memory_space<vmem_shared>>) offsets(%dma_start3A_446 : memref<128xi32, #tpu.memory_space<vmem>>) semaphore(%run_scoped3A_444 : memref<!tpu.dma_semaphore, #tpu.memory_space<semaphore_mem>>)
      %dma_wait3A = arith.constant 0 : i32
      %dma_wait3A_450 = tpu.memref_slice %arg7[%run_scoped3A_415, %dma_wait3A] : memref<5x128xi32, #tpu.memory_space<vmem>> -> memref<1x128xi32, #tpu.memory_space<vmem>>
      %dma_wait3A_451 = tpu.memref_squeeze %dma_wait3A_450 : memref<1x128xi32, #tpu.memory_space<vmem>> -> memref<128xi32, #tpu.memory_space<vmem>>
      %dma_wait3A_452 = arith.constant 0 : i32
      %dma_wait3A_453 = arith.constant 0 : i32
      %dma_wait3A_454 = tpu.memref_slice %arg8[%dma_wait3A_452, %dma_wait3A_453] : memref<10240x128xf32, #tpu.memory_space<vmem_shared>> -> memref<10240x128xf32, #tpu.memory_space<vmem_shared>>
      tpu.wait_indirect_dma semaphore(%run_scoped3A_444 : memref<!tpu.dma_semaphore, #tpu.memory_space<semaphore_mem>>) src(%arg6 : memref<128x128xf32, #tpu.memory_space<vmem>>) dst(%dma_wait3A_454 : memref<10240x128xf32, #tpu.memory_space<vmem_shared>>)
      tpu.yield
    }) : () -> ()
    %run_scoped3A_416 = arith.constant 4 : i32
    "tpu.region"() ({
      %run_scoped3A_444 = tpu.sem_alloc : memref<!tpu.dma_semaphore, #tpu.memory_space<semaphore_mem>>
      %dma_start3A = arith.constant 0 : i32
      %dma_start3A_445 = tpu.memref_slice %arg7[%run_scoped3A_416, %dma_start3A] : memref<5x128xi32, #tpu.memory_space<vmem>> -> memref<1x128xi32, #tpu.memory_space<vmem>>
      %dma_start3A_446 = tpu.memref_squeeze %dma_start3A_445 : memref<1x128xi32, #tpu.memory_space<vmem>> -> memref<128xi32, #tpu.memory_space<vmem>>
      %dma_start3A_447 = arith.constant 0 : i32
      %dma_start3A_448 = arith.constant 0 : i32
      %dma_start3A_449 = tpu.memref_slice %arg8[%dma_start3A_447, %dma_start3A_448] : memref<10240x128xf32, #tpu.memory_space<vmem_shared>> -> memref<10240x128xf32, #tpu.memory_space<vmem_shared>>
      tpu.enqueue_indirect_dma source(%arg6 : memref<128x128xf32, #tpu.memory_space<vmem>>) target(%dma_start3A_449 : memref<10240x128xf32, #tpu.memory_space<vmem_shared>>) offsets(%dma_start3A_446 : memref<128xi32, #tpu.memory_space<vmem>>) semaphore(%run_scoped3A_444 : memref<!tpu.dma_semaphore, #tpu.memory_space<semaphore_mem>>)
      %dma_wait3A = arith.constant 0 : i32
      %dma_wait3A_450 = tpu.memref_slice %arg7[%run_scoped3A_416, %dma_wait3A] : memref<5x128xi32, #tpu.memory_space<vmem>> -> memref<1x128xi32, #tpu.memory_space<vmem>>
      %dma_wait3A_451 = tpu.memref_squeeze %dma_wait3A_450 : memref<1x128xi32, #tpu.memory_space<vmem>> -> memref<128xi32, #tpu.memory_space<vmem>>
      %dma_wait3A_452 = arith.constant 0 : i32
      %dma_wait3A_453 = arith.constant 0 : i32
      %dma_wait3A_454 = tpu.memref_slice %arg8[%dma_wait3A_452, %dma_wait3A_453] : memref<10240x128xf32, #tpu.memory_space<vmem_shared>> -> memref<10240x128xf32, #tpu.memory_space<vmem_shared>>
      tpu.wait_indirect_dma semaphore(%run_scoped3A_444 : memref<!tpu.dma_semaphore, #tpu.memory_space<semaphore_mem>>) src(%arg6 : memref<128x128xf32, #tpu.memory_space<vmem>>) dst(%dma_wait3A_454 : memref<10240x128xf32, #tpu.memory_space<vmem_shared>>)
      tpu.yield
    }) : () -> ()
    %barrier3A = arith.constant 0 : index
    tpu.barrier barrier_id(%barrier3A)
    "tpu.region"() ({
      %run_scoped3A_444 = tpu.sem_alloc : memref<!tpu.dma_semaphore, #tpu.memory_space<semaphore_mem>>
      %dma_start3A = arith.constant 0 : i32
      %dma_start3A_445 = arith.constant 0 : i32
      %dma_start3A_446 = tpu.memref_slice %arg2[%add3A, %dma_start3A, %dma_start3A_445] : memref<32x80x128xi32, #tpu.memory_space<hbm>> -> memref<1x80x128xi32, #tpu.memory_space<hbm>>
      %dma_start3A_447 = tpu.memref_squeeze %dma_start3A_446 : memref<1x80x128xi32, #tpu.memory_space<hbm>> -> memref<80x128xi32, #tpu.memory_space<hbm>>
      %dma_start3A_448 = arith.constant 0 : i32
      %dma_start3A_449 = arith.constant 0 : i32
      %dma_start3A_450 = tpu.memref_slice %arg2[%add3A, %dma_start3A_448, %dma_start3A_449] : memref<32x80x128xi32, #tpu.memory_space<hbm>> -> memref<1x80x128xi32, #tpu.memory_space<hbm>>
      %dma_start3A_451 = tpu.memref_squeeze %dma_start3A_450 : memref<1x80x128xi32, #tpu.memory_space<hbm>> -> memref<80x128xi32, #tpu.memory_space<hbm>>
      tpu.enqueue_dma source(%dma_start3A_451 : memref<80x128xi32, #tpu.memory_space<hbm>>) target(%arg4 : memref<80x128xi32, #tpu.memory_space<vmem>>) target_semaphore(%run_scoped3A_444 : memref<!tpu.dma_semaphore, #tpu.memory_space<semaphore_mem>>)
      %dma_wait3A = arith.constant 0 : i32
      %dma_wait3A_452 = arith.constant 0 : i32
      %dma_wait3A_453 = tpu.memref_slice %arg2[%add3A, %dma_wait3A, %dma_wait3A_452] : memref<32x80x128xi32, #tpu.memory_space<hbm>> -> memref<1x80x128xi32, #tpu.memory_space<hbm>>
      %dma_wait3A_454 = tpu.memref_squeeze %dma_wait3A_453 : memref<1x80x128xi32, #tpu.memory_space<hbm>> -> memref<80x128xi32, #tpu.memory_space<hbm>>
      %dma_wait3A_455 = arith.constant 0 : i32
      %dma_wait3A_456 = arith.constant 0 : i32
      %dma_wait3A_457 = tpu.memref_slice %arg2[%add3A, %dma_wait3A_455, %dma_wait3A_456] : memref<32x80x128xi32, #tpu.memory_space<hbm>> -> memref<1x80x128xi32, #tpu.memory_space<hbm>>
      %dma_wait3A_458 = tpu.memref_squeeze %dma_wait3A_457 : memref<1x80x128xi32, #tpu.memory_space<hbm>> -> memref<80x128xi32, #tpu.memory_space<hbm>>
      tpu.wait_dma2 semaphore(%run_scoped3A_444 : memref<!tpu.dma_semaphore, #tpu.memory_space<semaphore_mem>>) src(%dma_wait3A_458 : memref<80x128xi32, #tpu.memory_space<hbm>>) dst(%arg4 : memref<80x128xi32, #tpu.memory_space<vmem>>)
      tpu.yield
    }) : () -> ()
    %scan3A_417 = arith.constant 0 : i32
    %scan3A_418 = arith.constant 0 : i32
    %scan3A_419 = arith.constant 80 : i32
    %scan3A_420 = arith.addi %scan3A_418, %scan3A_419 : i32
    %scan3A_421 = arith.constant 1 : i32
    scf.for %scan3A_444 = %scan3A_418 to %scan3A_420 step %scan3A_421  : i32 {
      "tpu.region"() ({
        %run_scoped3A_445 = tpu.sem_alloc : memref<!tpu.dma_semaphore, #tpu.memory_space<semaphore_mem>>
        %dma_start3A = arith.constant 0 : i32
        %dma_start3A_446 = tpu.memref_slice %arg4[%scan3A_444, %dma_start3A] : memref<80x128xi32, #tpu.memory_space<vmem>> -> memref<1x128xi32, #tpu.memory_space<vmem>>
        %dma_start3A_447 = tpu.memref_squeeze %dma_start3A_446 : memref<1x128xi32, #tpu.memory_space<vmem>> -> memref<128xi32, #tpu.memory_space<vmem>>
        %dma_start3A_448 = arith.constant 0 : i32
        %dma_start3A_449 = arith.constant 0 : i32
        %dma_start3A_450 = tpu.memref_slice %arg8[%dma_start3A_448, %dma_start3A_449] : memref<10240x128xf32, #tpu.memory_space<vmem_shared>> -> memref<10240x128xf32, #tpu.memory_space<vmem_shared>>
        tpu.enqueue_indirect_dma source(%arg5 : memref<128x128xf32, #tpu.memory_space<vmem>>) target(%dma_start3A_450 : memref<10240x128xf32, #tpu.memory_space<vmem_shared>>) offsets(%dma_start3A_447 : memref<128xi32, #tpu.memory_space<vmem>>) semaphore(%run_scoped3A_445 : memref<!tpu.dma_semaphore, #tpu.memory_space<semaphore_mem>>) {add = true}
        %dma_wait3A = arith.constant 0 : i32
        %dma_wait3A_451 = tpu.memref_slice %arg4[%scan3A_444, %dma_wait3A] : memref<80x128xi32, #tpu.memory_space<vmem>> -> memref<1x128xi32, #tpu.memory_space<vmem>>
        %dma_wait3A_452 = tpu.memref_squeeze %dma_wait3A_451 : memref<1x128xi32, #tpu.memory_space<vmem>> -> memref<128xi32, #tpu.memory_space<vmem>>
        %dma_wait3A_453 = arith.constant 0 : i32
        %dma_wait3A_454 = arith.constant 0 : i32
        %dma_wait3A_455 = tpu.memref_slice %arg8[%dma_wait3A_453, %dma_wait3A_454] : memref<10240x128xf32, #tpu.memory_space<vmem_shared>> -> memref<10240x128xf32, #tpu.memory_space<vmem_shared>>
        tpu.wait_indirect_dma semaphore(%run_scoped3A_445 : memref<!tpu.dma_semaphore, #tpu.memory_space<semaphore_mem>>) src(%arg5 : memref<128x128xf32, #tpu.memory_space<vmem>>) dst(%dma_wait3A_455 : memref<10240x128xf32, #tpu.memory_space<vmem_shared>>)
        tpu.yield
      }) : () -> ()
    }
    %scan3A_422 = arith.constant 80 : i32
    %barrier3A_423 = arith.constant 0 : index
    tpu.barrier barrier_id(%barrier3A_423)
    %mul3A_424 = arith.constant 10240 : i32
    %mul3A_425 = arith.muli %arg0, %mul3A_424 : i32
    %mul3A_426 = arith.constant 640 : i32
    %mul3A_427 = arith.muli %arg1, %mul3A_426 : i32
    %add3A_428 = arith.addi %mul3A_425, %mul3A_427 : i32
    %run_scoped3A_429 = arith.constant 0 : i32
    "tpu.region"() ({
      %run_scoped3A_444 = tpu.sem_alloc : memref<!tpu.dma_semaphore, #tpu.memory_space<semaphore_mem>>
      %dma_start3A = arith.constant 0 : i32
      %dma_start3A_445 = tpu.memref_slice %arg7[%run_scoped3A_429, %dma_start3A] : memref<5x128xi32, #tpu.memory_space<vmem>> -> memref<1x128xi32, #tpu.memory_space<vmem>>
      %dma_start3A_446 = tpu.memref_squeeze %dma_start3A_445 : memref<1x128xi32, #tpu.memory_space<vmem>> -> memref<128xi32, #tpu.memory_space<vmem>>
      %dma_start3A_447 = arith.constant 0 : i32
      %dma_start3A_448 = arith.constant 0 : i32
      %dma_start3A_449 = tpu.memref_slice %arg8[%dma_start3A_447, %dma_start3A_448] : memref<10240x128xf32, #tpu.memory_space<vmem_shared>> -> memref<10240x128xf32, #tpu.memory_space<vmem_shared>>
      tpu.enqueue_indirect_dma source(%dma_start3A_449 : memref<10240x128xf32, #tpu.memory_space<vmem_shared>>) target(%arg6 : memref<128x128xf32, #tpu.memory_space<vmem>>) offsets(%dma_start3A_446 : memref<128xi32, #tpu.memory_space<vmem>>) semaphore(%run_scoped3A_444 : memref<!tpu.dma_semaphore, #tpu.memory_space<semaphore_mem>>)
      %dma_wait3A = arith.constant 0 : i32
      %dma_wait3A_450 = tpu.memref_slice %arg7[%run_scoped3A_429, %dma_wait3A] : memref<5x128xi32, #tpu.memory_space<vmem>> -> memref<1x128xi32, #tpu.memory_space<vmem>>
      %dma_wait3A_451 = tpu.memref_squeeze %dma_wait3A_450 : memref<1x128xi32, #tpu.memory_space<vmem>> -> memref<128xi32, #tpu.memory_space<vmem>>
      %dma_wait3A_452 = arith.constant 0 : i32
      %dma_wait3A_453 = arith.constant 0 : i32
      %dma_wait3A_454 = tpu.memref_slice %arg8[%dma_wait3A_452, %dma_wait3A_453] : memref<10240x128xf32, #tpu.memory_space<vmem_shared>> -> memref<10240x128xf32, #tpu.memory_space<vmem_shared>>
      tpu.wait_indirect_dma semaphore(%run_scoped3A_444 : memref<!tpu.dma_semaphore, #tpu.memory_space<semaphore_mem>>) src(%dma_wait3A_454 : memref<10240x128xf32, #tpu.memory_space<vmem_shared>>) dst(%arg6 : memref<128x128xf32, #tpu.memory_space<vmem>>)
      tpu.yield
    }) : () -> ()
    %add3A_430 = arith.constant 0 : i32
    %add3A_431 = arith.addi %add3A_428, %add3A_430 : i32
    "tpu.region"() ({
      %run_scoped3A_444 = tpu.sem_alloc : memref<!tpu.dma_semaphore, #tpu.memory_space<semaphore_mem>>
      %dma_start3A = arith.constant 0 : i32
      %dma_start3A_445 = tpu.memref_slice %arg3[%add3A_431, %dma_start3A] : memref<20480x128xf32, #tpu.memory_space<hbm>> -> memref<128x128xf32, #tpu.memory_space<hbm>>
      %dma_start3A_446 = arith.constant 0 : i32
      %dma_start3A_447 = tpu.memref_slice %arg3[%add3A_431, %dma_start3A_446] : memref<20480x128xf32, #tpu.memory_space<hbm>> -> memref<128x128xf32, #tpu.memory_space<hbm>>
      tpu.enqueue_dma source(%arg6 : memref<128x128xf32, #tpu.memory_space<vmem>>) target(%dma_start3A_447 : memref<128x128xf32, #tpu.memory_space<hbm>>) target_semaphore(%run_scoped3A_444 : memref<!tpu.dma_semaphore, #tpu.memory_space<semaphore_mem>>)
      %dma_wait3A = arith.constant 0 : i32
      %dma_wait3A_448 = tpu.memref_slice %arg3[%add3A_431, %dma_wait3A] : memref<20480x128xf32, #tpu.memory_space<hbm>> -> memref<128x128xf32, #tpu.memory_space<hbm>>
      %dma_wait3A_449 = arith.constant 0 : i32
      %dma_wait3A_450 = tpu.memref_slice %arg3[%add3A_431, %dma_wait3A_449] : memref<20480x128xf32, #tpu.memory_space<hbm>> -> memref<128x128xf32, #tpu.memory_space<hbm>>
      tpu.wait_dma2 semaphore(%run_scoped3A_444 : memref<!tpu.dma_semaphore, #tpu.memory_space<semaphore_mem>>) src(%arg6 : memref<128x128xf32, #tpu.memory_space<vmem>>) dst(%dma_wait3A_450 : memref<128x128xf32, #tpu.memory_space<hbm>>)
      tpu.yield
    }) : () -> ()
    %run_scoped3A_432 = arith.constant 1 : i32
    "tpu.region"() ({
      %run_scoped3A_444 = tpu.sem_alloc : memref<!tpu.dma_semaphore, #tpu.memory_space<semaphore_mem>>
      %dma_start3A = arith.constant 0 : i32
      %dma_start3A_445 = tpu.memref_slice %arg7[%run_scoped3A_432, %dma_start3A] : memref<5x128xi32, #tpu.memory_space<vmem>> -> memref<1x128xi32, #tpu.memory_space<vmem>>
      %dma_start3A_446 = tpu.memref_squeeze %dma_start3A_445 : memref<1x128xi32, #tpu.memory_space<vmem>> -> memref<128xi32, #tpu.memory_space<vmem>>
      %dma_start3A_447 = arith.constant 0 : i32
      %dma_start3A_448 = arith.constant 0 : i32
      %dma_start3A_449 = tpu.memref_slice %arg8[%dma_start3A_447, %dma_start3A_448] : memref<10240x128xf32, #tpu.memory_space<vmem_shared>> -> memref<10240x128xf32, #tpu.memory_space<vmem_shared>>
      tpu.enqueue_indirect_dma source(%dma_start3A_449 : memref<10240x128xf32, #tpu.memory_space<vmem_shared>>) target(%arg6 : memref<128x128xf32, #tpu.memory_space<vmem>>) offsets(%dma_start3A_446 : memref<128xi32, #tpu.memory_space<vmem>>) semaphore(%run_scoped3A_444 : memref<!tpu.dma_semaphore, #tpu.memory_space<semaphore_mem>>)
      %dma_wait3A = arith.constant 0 : i32
      %dma_wait3A_450 = tpu.memref_slice %arg7[%run_scoped3A_432, %dma_wait3A] : memref<5x128xi32, #tpu.memory_space<vmem>> -> memref<1x128xi32, #tpu.memory_space<vmem>>
      %dma_wait3A_451 = tpu.memref_squeeze %dma_wait3A_450 : memref<1x128xi32, #tpu.memory_space<vmem>> -> memref<128xi32, #tpu.memory_space<vmem>>
      %dma_wait3A_452 = arith.constant 0 : i32
      %dma_wait3A_453 = arith.constant 0 : i32
      %dma_wait3A_454 = tpu.memref_slice %arg8[%dma_wait3A_452, %dma_wait3A_453] : memref<10240x128xf32, #tpu.memory_space<vmem_shared>> -> memref<10240x128xf32, #tpu.memory_space<vmem_shared>>
      tpu.wait_indirect_dma semaphore(%run_scoped3A_444 : memref<!tpu.dma_semaphore, #tpu.memory_space<semaphore_mem>>) src(%dma_wait3A_454 : memref<10240x128xf32, #tpu.memory_space<vmem_shared>>) dst(%arg6 : memref<128x128xf32, #tpu.memory_space<vmem>>)
      tpu.yield
    }) : () -> ()
    %add3A_433 = arith.constant 128 : i32
    %add3A_434 = arith.addi %add3A_428, %add3A_433 : i32
    "tpu.region"() ({
      %run_scoped3A_444 = tpu.sem_alloc : memref<!tpu.dma_semaphore, #tpu.memory_space<semaphore_mem>>
      %dma_start3A = arith.constant 0 : i32
      %dma_start3A_445 = tpu.memref_slice %arg3[%add3A_434, %dma_start3A] : memref<20480x128xf32, #tpu.memory_space<hbm>> -> memref<128x128xf32, #tpu.memory_space<hbm>>
      %dma_start3A_446 = arith.constant 0 : i32
      %dma_start3A_447 = tpu.memref_slice %arg3[%add3A_434, %dma_start3A_446] : memref<20480x128xf32, #tpu.memory_space<hbm>> -> memref<128x128xf32, #tpu.memory_space<hbm>>
      tpu.enqueue_dma source(%arg6 : memref<128x128xf32, #tpu.memory_space<vmem>>) target(%dma_start3A_447 : memref<128x128xf32, #tpu.memory_space<hbm>>) target_semaphore(%run_scoped3A_444 : memref<!tpu.dma_semaphore, #tpu.memory_space<semaphore_mem>>)
      %dma_wait3A = arith.constant 0 : i32
      %dma_wait3A_448 = tpu.memref_slice %arg3[%add3A_434, %dma_wait3A] : memref<20480x128xf32, #tpu.memory_space<hbm>> -> memref<128x128xf32, #tpu.memory_space<hbm>>
      %dma_wait3A_449 = arith.constant 0 : i32
      %dma_wait3A_450 = tpu.memref_slice %arg3[%add3A_434, %dma_wait3A_449] : memref<20480x128xf32, #tpu.memory_space<hbm>> -> memref<128x128xf32, #tpu.memory_space<hbm>>
      tpu.wait_dma2 semaphore(%run_scoped3A_444 : memref<!tpu.dma_semaphore, #tpu.memory_space<semaphore_mem>>) src(%arg6 : memref<128x128xf32, #tpu.memory_space<vmem>>) dst(%dma_wait3A_450 : memref<128x128xf32, #tpu.memory_space<hbm>>)
      tpu.yield
    }) : () -> ()
    %run_scoped3A_435 = arith.constant 2 : i32
    "tpu.region"() ({
      %run_scoped3A_444 = tpu.sem_alloc : memref<!tpu.dma_semaphore, #tpu.memory_space<semaphore_mem>>
      %dma_start3A = arith.constant 0 : i32
      %dma_start3A_445 = tpu.memref_slice %arg7[%run_scoped3A_435, %dma_start3A] : memref<5x128xi32, #tpu.memory_space<vmem>> -> memref<1x128xi32, #tpu.memory_space<vmem>>
      %dma_start3A_446 = tpu.memref_squeeze %dma_start3A_445 : memref<1x128xi32, #tpu.memory_space<vmem>> -> memref<128xi32, #tpu.memory_space<vmem>>
      %dma_start3A_447 = arith.constant 0 : i32
      %dma_start3A_448 = arith.constant 0 : i32
      %dma_start3A_449 = tpu.memref_slice %arg8[%dma_start3A_447, %dma_start3A_448] : memref<10240x128xf32, #tpu.memory_space<vmem_shared>> -> memref<10240x128xf32, #tpu.memory_space<vmem_shared>>
      tpu.enqueue_indirect_dma source(%dma_start3A_449 : memref<10240x128xf32, #tpu.memory_space<vmem_shared>>) target(%arg6 : memref<128x128xf32, #tpu.memory_space<vmem>>) offsets(%dma_start3A_446 : memref<128xi32, #tpu.memory_space<vmem>>) semaphore(%run_scoped3A_444 : memref<!tpu.dma_semaphore, #tpu.memory_space<semaphore_mem>>)
      %dma_wait3A = arith.constant 0 : i32
      %dma_wait3A_450 = tpu.memref_slice %arg7[%run_scoped3A_435, %dma_wait3A] : memref<5x128xi32, #tpu.memory_space<vmem>> -> memref<1x128xi32, #tpu.memory_space<vmem>>
      %dma_wait3A_451 = tpu.memref_squeeze %dma_wait3A_450 : memref<1x128xi32, #tpu.memory_space<vmem>> -> memref<128xi32, #tpu.memory_space<vmem>>
      %dma_wait3A_452 = arith.constant 0 : i32
      %dma_wait3A_453 = arith.constant 0 : i32
      %dma_wait3A_454 = tpu.memref_slice %arg8[%dma_wait3A_452, %dma_wait3A_453] : memref<10240x128xf32, #tpu.memory_space<vmem_shared>> -> memref<10240x128xf32, #tpu.memory_space<vmem_shared>>
      tpu.wait_indirect_dma semaphore(%run_scoped3A_444 : memref<!tpu.dma_semaphore, #tpu.memory_space<semaphore_mem>>) src(%dma_wait3A_454 : memref<10240x128xf32, #tpu.memory_space<vmem_shared>>) dst(%arg6 : memref<128x128xf32, #tpu.memory_space<vmem>>)
      tpu.yield
    }) : () -> ()
    %add3A_436 = arith.constant 256 : i32
    %add3A_437 = arith.addi %add3A_428, %add3A_436 : i32
    "tpu.region"() ({
      %run_scoped3A_444 = tpu.sem_alloc : memref<!tpu.dma_semaphore, #tpu.memory_space<semaphore_mem>>
      %dma_start3A = arith.constant 0 : i32
      %dma_start3A_445 = tpu.memref_slice %arg3[%add3A_437, %dma_start3A] : memref<20480x128xf32, #tpu.memory_space<hbm>> -> memref<128x128xf32, #tpu.memory_space<hbm>>
      %dma_start3A_446 = arith.constant 0 : i32
      %dma_start3A_447 = tpu.memref_slice %arg3[%add3A_437, %dma_start3A_446] : memref<20480x128xf32, #tpu.memory_space<hbm>> -> memref<128x128xf32, #tpu.memory_space<hbm>>
      tpu.enqueue_dma source(%arg6 : memref<128x128xf32, #tpu.memory_space<vmem>>) target(%dma_start3A_447 : memref<128x128xf32, #tpu.memory_space<hbm>>) target_semaphore(%run_scoped3A_444 : memref<!tpu.dma_semaphore, #tpu.memory_space<semaphore_mem>>)
      %dma_wait3A = arith.constant 0 : i32
      %dma_wait3A_448 = tpu.memref_slice %arg3[%add3A_437, %dma_wait3A] : memref<20480x128xf32, #tpu.memory_space<hbm>> -> memref<128x128xf32, #tpu.memory_space<hbm>>
      %dma_wait3A_449 = arith.constant 0 : i32
      %dma_wait3A_450 = tpu.memref_slice %arg3[%add3A_437, %dma_wait3A_449] : memref<20480x128xf32, #tpu.memory_space<hbm>> -> memref<128x128xf32, #tpu.memory_space<hbm>>
      tpu.wait_dma2 semaphore(%run_scoped3A_444 : memref<!tpu.dma_semaphore, #tpu.memory_space<semaphore_mem>>) src(%arg6 : memref<128x128xf32, #tpu.memory_space<vmem>>) dst(%dma_wait3A_450 : memref<128x128xf32, #tpu.memory_space<hbm>>)
      tpu.yield
    }) : () -> ()
    %run_scoped3A_438 = arith.constant 3 : i32
    "tpu.region"() ({
      %run_scoped3A_444 = tpu.sem_alloc : memref<!tpu.dma_semaphore, #tpu.memory_space<semaphore_mem>>
      %dma_start3A = arith.constant 0 : i32
      %dma_start3A_445 = tpu.memref_slice %arg7[%run_scoped3A_438, %dma_start3A] : memref<5x128xi32, #tpu.memory_space<vmem>> -> memref<1x128xi32, #tpu.memory_space<vmem>>
      %dma_start3A_446 = tpu.memref_squeeze %dma_start3A_445 : memref<1x128xi32, #tpu.memory_space<vmem>> -> memref<128xi32, #tpu.memory_space<vmem>>
      %dma_start3A_447 = arith.constant 0 : i32
      %dma_start3A_448 = arith.constant 0 : i32
      %dma_start3A_449 = tpu.memref_slice %arg8[%dma_start3A_447, %dma_start3A_448] : memref<10240x128xf32, #tpu.memory_space<vmem_shared>> -> memref<10240x128xf32, #tpu.memory_space<vmem_shared>>
      tpu.enqueue_indirect_dma source(%dma_start3A_449 : memref<10240x128xf32, #tpu.memory_space<vmem_shared>>) target(%arg6 : memref<128x128xf32, #tpu.memory_space<vmem>>) offsets(%dma_start3A_446 : memref<128xi32, #tpu.memory_space<vmem>>) semaphore(%run_scoped3A_444 : memref<!tpu.dma_semaphore, #tpu.memory_space<semaphore_mem>>)
      %dma_wait3A = arith.constant 0 : i32
      %dma_wait3A_450 = tpu.memref_slice %arg7[%run_scoped3A_438, %dma_wait3A] : memref<5x128xi32, #tpu.memory_space<vmem>> -> memref<1x128xi32, #tpu.memory_space<vmem>>
      %dma_wait3A_451 = tpu.memref_squeeze %dma_wait3A_450 : memref<1x128xi32, #tpu.memory_space<vmem>> -> memref<128xi32, #tpu.memory_space<vmem>>
      %dma_wait3A_452 = arith.constant 0 : i32
      %dma_wait3A_453 = arith.constant 0 : i32
      %dma_wait3A_454 = tpu.memref_slice %arg8[%dma_wait3A_452, %dma_wait3A_453] : memref<10240x128xf32, #tpu.memory_space<vmem_shared>> -> memref<10240x128xf32, #tpu.memory_space<vmem_shared>>
      tpu.wait_indirect_dma semaphore(%run_scoped3A_444 : memref<!tpu.dma_semaphore, #tpu.memory_space<semaphore_mem>>) src(%dma_wait3A_454 : memref<10240x128xf32, #tpu.memory_space<vmem_shared>>) dst(%arg6 : memref<128x128xf32, #tpu.memory_space<vmem>>)
      tpu.yield
    }) : () -> ()
    %add3A_439 = arith.constant 384 : i32
    %add3A_440 = arith.addi %add3A_428, %add3A_439 : i32
    "tpu.region"() ({
      %run_scoped3A_444 = tpu.sem_alloc : memref<!tpu.dma_semaphore, #tpu.memory_space<semaphore_mem>>
      %dma_start3A = arith.constant 0 : i32
      %dma_start3A_445 = tpu.memref_slice %arg3[%add3A_440, %dma_start3A] : memref<20480x128xf32, #tpu.memory_space<hbm>> -> memref<128x128xf32, #tpu.memory_space<hbm>>
      %dma_start3A_446 = arith.constant 0 : i32
      %dma_start3A_447 = tpu.memref_slice %arg3[%add3A_440, %dma_start3A_446] : memref<20480x128xf32, #tpu.memory_space<hbm>> -> memref<128x128xf32, #tpu.memory_space<hbm>>
      tpu.enqueue_dma source(%arg6 : memref<128x128xf32, #tpu.memory_space<vmem>>) target(%dma_start3A_447 : memref<128x128xf32, #tpu.memory_space<hbm>>) target_semaphore(%run_scoped3A_444 : memref<!tpu.dma_semaphore, #tpu.memory_space<semaphore_mem>>)
      %dma_wait3A = arith.constant 0 : i32
      %dma_wait3A_448 = tpu.memref_slice %arg3[%add3A_440, %dma_wait3A] : memref<20480x128xf32, #tpu.memory_space<hbm>> -> memref<128x128xf32, #tpu.memory_space<hbm>>
      %dma_wait3A_449 = arith.constant 0 : i32
      %dma_wait3A_450 = tpu.memref_slice %arg3[%add3A_440, %dma_wait3A_449] : memref<20480x128xf32, #tpu.memory_space<hbm>> -> memref<128x128xf32, #tpu.memory_space<hbm>>
      tpu.wait_dma2 semaphore(%run_scoped3A_444 : memref<!tpu.dma_semaphore, #tpu.memory_space<semaphore_mem>>) src(%arg6 : memref<128x128xf32, #tpu.memory_space<vmem>>) dst(%dma_wait3A_450 : memref<128x128xf32, #tpu.memory_space<hbm>>)
      tpu.yield
    }) : () -> ()
    %run_scoped3A_441 = arith.constant 4 : i32
    "tpu.region"() ({
      %run_scoped3A_444 = tpu.sem_alloc : memref<!tpu.dma_semaphore, #tpu.memory_space<semaphore_mem>>
      %dma_start3A = arith.constant 0 : i32
      %dma_start3A_445 = tpu.memref_slice %arg7[%run_scoped3A_441, %dma_start3A] : memref<5x128xi32, #tpu.memory_space<vmem>> -> memref<1x128xi32, #tpu.memory_space<vmem>>
      %dma_start3A_446 = tpu.memref_squeeze %dma_start3A_445 : memref<1x128xi32, #tpu.memory_space<vmem>> -> memref<128xi32, #tpu.memory_space<vmem>>
      %dma_start3A_447 = arith.constant 0 : i32
      %dma_start3A_448 = arith.constant 0 : i32
      %dma_start3A_449 = tpu.memref_slice %arg8[%dma_start3A_447, %dma_start3A_448] : memref<10240x128xf32, #tpu.memory_space<vmem_shared>> -> memref<10240x128xf32, #tpu.memory_space<vmem_shared>>
      tpu.enqueue_indirect_dma source(%dma_start3A_449 : memref<10240x128xf32, #tpu.memory_space<vmem_shared>>) target(%arg6 : memref<128x128xf32, #tpu.memory_space<vmem>>) offsets(%dma_start3A_446 : memref<128xi32, #tpu.memory_space<vmem>>) semaphore(%run_scoped3A_444 : memref<!tpu.dma_semaphore, #tpu.memory_space<semaphore_mem>>)
      %dma_wait3A = arith.constant 0 : i32
      %dma_wait3A_450 = tpu.memref_slice %arg7[%run_scoped3A_441, %dma_wait3A] : memref<5x128xi32, #tpu.memory_space<vmem>> -> memref<1x128xi32, #tpu.memory_space<vmem>>
      %dma_wait3A_451 = tpu.memref_squeeze %dma_wait3A_450 : memref<1x128xi32, #tpu.memory_space<vmem>> -> memref<128xi32, #tpu.memory_space<vmem>>
      %dma_wait3A_452 = arith.constant 0 : i32
      %dma_wait3A_453 = arith.constant 0 : i32
      %dma_wait3A_454 = tpu.memref_slice %arg8[%dma_wait3A_452, %dma_wait3A_453] : memref<10240x128xf32, #tpu.memory_space<vmem_shared>> -> memref<10240x128xf32, #tpu.memory_space<vmem_shared>>
      tpu.wait_indirect_dma semaphore(%run_scoped3A_444 : memref<!tpu.dma_semaphore, #tpu.memory_space<semaphore_mem>>) src(%dma_wait3A_454 : memref<10240x128xf32, #tpu.memory_space<vmem_shared>>) dst(%arg6 : memref<128x128xf32, #tpu.memory_space<vmem>>)
      tpu.yield
    }) : () -> ()
    %add3A_442 = arith.constant 512 : i32
    %add3A_443 = arith.addi %add3A_428, %add3A_442 : i32
    "tpu.region"() ({
      %run_scoped3A_444 = tpu.sem_alloc : memref<!tpu.dma_semaphore, #tpu.memory_space<semaphore_mem>>
      %dma_start3A = arith.constant 0 : i32
      %dma_start3A_445 = tpu.memref_slice %arg3[%add3A_443, %dma_start3A] : memref<20480x128xf32, #tpu.memory_space<hbm>> -> memref<128x128xf32, #tpu.memory_space<hbm>>
      %dma_start3A_446 = arith.constant 0 : i32
      %dma_start3A_447 = tpu.memref_slice %arg3[%add3A_443, %dma_start3A_446] : memref<20480x128xf32, #tpu.memory_space<hbm>> -> memref<128x128xf32, #tpu.memory_space<hbm>>
      tpu.enqueue_dma source(%arg6 : memref<128x128xf32, #tpu.memory_space<vmem>>) target(%dma_start3A_447 : memref<128x128xf32, #tpu.memory_space<hbm>>) target_semaphore(%run_scoped3A_444 : memref<!tpu.dma_semaphore, #tpu.memory_space<semaphore_mem>>)
      %dma_wait3A = arith.constant 0 : i32
      %dma_wait3A_448 = tpu.memref_slice %arg3[%add3A_443, %dma_wait3A] : memref<20480x128xf32, #tpu.memory_space<hbm>> -> memref<128x128xf32, #tpu.memory_space<hbm>>
      %dma_wait3A_449 = arith.constant 0 : i32
      %dma_wait3A_450 = tpu.memref_slice %arg3[%add3A_443, %dma_wait3A_449] : memref<20480x128xf32, #tpu.memory_space<hbm>> -> memref<128x128xf32, #tpu.memory_space<hbm>>
      tpu.wait_dma2 semaphore(%run_scoped3A_444 : memref<!tpu.dma_semaphore, #tpu.memory_space<semaphore_mem>>) src(%arg6 : memref<128x128xf32, #tpu.memory_space<vmem>>) dst(%dma_wait3A_450 : memref<128x128xf32, #tpu.memory_space<hbm>>)
      tpu.yield
    }) : () -> ()
    return
  }
}

#map = affine_map<(d0, d1) -> (0, 0)>
#map1 = affine_map<(d0, d1) -> (0, 0, 0)>
module attributes {stable_mosaic.version = 14 : i64} {
  func.func @_agg_kernel(%arg0: i32, %arg1: i32, %arg2: memref<10240x128xf32, #tpu.memory_space<hbm>>, %arg3: memref<64x40x128xi32, #tpu.memory_space<hbm>>, %arg4: memref<64x40x128xi32, #tpu.memory_space<hbm>>, %arg5: memref<20480x128xf32, #tpu.memory_space<hbm>>, %arg6: memref<40x128xi32, #tpu.memory_space<vmem>>, %arg7: memref<40x128xi32, #tpu.memory_space<vmem>>, %arg8: memref<128x128xf32, #tpu.memory_space<vmem>>, %arg9: memref<128x128xf32, #tpu.memory_space<vmem>>, %arg10: memref<5x128xi32, #tpu.memory_space<vmem>>, %arg11: memref<10240x128xf32, #tpu.memory_space<vmem_shared>>, %arg12: memref<!tpu.dma_semaphore, #tpu.memory_space<semaphore_mem>>, %arg13: memref<!tpu.dma_semaphore, #tpu.memory_space<semaphore_mem>>) attributes {dimension_semantics = [#tpu.dimension_semantics<core_parallel>, #tpu.dimension_semantics<subcore_parallel>], iteration_bounds = array<i64: 2, 16>, scalar_prefetch = 0 : i64, scratch_operands = 8 : i64, tpu.core_type = #tpu.core_type<sc_vector_subcore>, window_params = [{transform_indices = #map}, {transform_indices = #map1}, {transform_indices = #map1}, {transform_indices = #map}]} {
    %mul3A = arith.constant 16 : i32
    %mul3A_0 = arith.muli %arg0, %mul3A : i32
    %add3A = arith.addi %mul3A_0, %arg1 : i32
    %iota3A = tpu.iota {dimensions = array<i32: 0>} : vector<16xi32>
    %broadcast_in_dim3A = arith.constant 0.000000e+00 : f32
    %broadcast_in_dim3A_1 = vector.broadcast %broadcast_in_dim3A : f32 to vector<16xf32>
    %scan3A = arith.constant 0 : i32
    %scan3A_2 = arith.constant 0 : i32
    %scan3A_3 = arith.constant 128 : i32
    %scan3A_4 = arith.addi %scan3A_2, %scan3A_3 : i32
    %scan3A_5 = arith.constant 1 : i32
    scf.for %scan3A_487 = %scan3A_2 to %scan3A_4 step %scan3A_5  : i32 {
      %swap3A_488 = arith.index_cast %scan3A_487 : i32 to index
      %swap3A_489 = arith.constant 0 : index
      %swap3A_490 = tpu.vector_load %arg8[%swap3A_488, %swap3A_489] {strides = array<i32>} : memref<128x128xf32, #tpu.memory_space<vmem>>, vector<1x16xf32>,
      %swap3A_491 = vector.shape_cast %swap3A_490 : vector<1x16xf32> to vector<16xf32>
      %swap3A_492 = vector.shape_cast %broadcast_in_dim3A_1 : vector<16xf32> to vector<1x16xf32>
      tpu.vector_store %arg8[%swap3A_488, %swap3A_489], %swap3A_492 {strides = array<i32>} : memref<128x128xf32, #tpu.memory_space<vmem>>, vector<1x16xf32>,
      %swap3A_493 = arith.index_cast %scan3A_487 : i32 to index
      %swap3A_494 = arith.constant 16 : index
      %swap3A_495 = tpu.vector_load %arg8[%swap3A_493, %swap3A_494] {strides = array<i32>} : memref<128x128xf32, #tpu.memory_space<vmem>>, vector<1x16xf32>,
      %swap3A_496 = vector.shape_cast %swap3A_495 : vector<1x16xf32> to vector<16xf32>
      %swap3A_497 = vector.shape_cast %broadcast_in_dim3A_1 : vector<16xf32> to vector<1x16xf32>
      tpu.vector_store %arg8[%swap3A_493, %swap3A_494], %swap3A_497 {strides = array<i32>} : memref<128x128xf32, #tpu.memory_space<vmem>>, vector<1x16xf32>,
      %swap3A_498 = arith.index_cast %scan3A_487 : i32 to index
      %swap3A_499 = arith.constant 32 : index
      %swap3A_500 = tpu.vector_load %arg8[%swap3A_498, %swap3A_499] {strides = array<i32>} : memref<128x128xf32, #tpu.memory_space<vmem>>, vector<1x16xf32>,
      %swap3A_501 = vector.shape_cast %swap3A_500 : vector<1x16xf32> to vector<16xf32>
      %swap3A_502 = vector.shape_cast %broadcast_in_dim3A_1 : vector<16xf32> to vector<1x16xf32>
      tpu.vector_store %arg8[%swap3A_498, %swap3A_499], %swap3A_502 {strides = array<i32>} : memref<128x128xf32, #tpu.memory_space<vmem>>, vector<1x16xf32>,
      %swap3A_503 = arith.index_cast %scan3A_487 : i32 to index
      %swap3A_504 = arith.constant 48 : index
      %swap3A_505 = tpu.vector_load %arg8[%swap3A_503, %swap3A_504] {strides = array<i32>} : memref<128x128xf32, #tpu.memory_space<vmem>>, vector<1x16xf32>,
      %swap3A_506 = vector.shape_cast %swap3A_505 : vector<1x16xf32> to vector<16xf32>
      %swap3A_507 = vector.shape_cast %broadcast_in_dim3A_1 : vector<16xf32> to vector<1x16xf32>
      tpu.vector_store %arg8[%swap3A_503, %swap3A_504], %swap3A_507 {strides = array<i32>} : memref<128x128xf32, #tpu.memory_space<vmem>>, vector<1x16xf32>,
      %swap3A_508 = arith.index_cast %scan3A_487 : i32 to index
      %swap3A_509 = arith.constant 64 : index
      %swap3A_510 = tpu.vector_load %arg8[%swap3A_508, %swap3A_509] {strides = array<i32>} : memref<128x128xf32, #tpu.memory_space<vmem>>, vector<1x16xf32>,
      %swap3A_511 = vector.shape_cast %swap3A_510 : vector<1x16xf32> to vector<16xf32>
      %swap3A_512 = vector.shape_cast %broadcast_in_dim3A_1 : vector<16xf32> to vector<1x16xf32>
      tpu.vector_store %arg8[%swap3A_508, %swap3A_509], %swap3A_512 {strides = array<i32>} : memref<128x128xf32, #tpu.memory_space<vmem>>, vector<1x16xf32>,
      %swap3A_513 = arith.index_cast %scan3A_487 : i32 to index
      %swap3A_514 = arith.constant 80 : index
      %swap3A_515 = tpu.vector_load %arg8[%swap3A_513, %swap3A_514] {strides = array<i32>} : memref<128x128xf32, #tpu.memory_space<vmem>>, vector<1x16xf32>,
      %swap3A_516 = vector.shape_cast %swap3A_515 : vector<1x16xf32> to vector<16xf32>
      %swap3A_517 = vector.shape_cast %broadcast_in_dim3A_1 : vector<16xf32> to vector<1x16xf32>
      tpu.vector_store %arg8[%swap3A_513, %swap3A_514], %swap3A_517 {strides = array<i32>} : memref<128x128xf32, #tpu.memory_space<vmem>>, vector<1x16xf32>,
      %swap3A_518 = arith.index_cast %scan3A_487 : i32 to index
      %swap3A_519 = arith.constant 96 : index
      %swap3A_520 = tpu.vector_load %arg8[%swap3A_518, %swap3A_519] {strides = array<i32>} : memref<128x128xf32, #tpu.memory_space<vmem>>, vector<1x16xf32>,
      %swap3A_521 = vector.shape_cast %swap3A_520 : vector<1x16xf32> to vector<16xf32>
      %swap3A_522 = vector.shape_cast %broadcast_in_dim3A_1 : vector<16xf32> to vector<1x16xf32>
      tpu.vector_store %arg8[%swap3A_518, %swap3A_519], %swap3A_522 {strides = array<i32>} : memref<128x128xf32, #tpu.memory_space<vmem>>, vector<1x16xf32>,
      %swap3A_523 = arith.index_cast %scan3A_487 : i32 to index
      %swap3A_524 = arith.constant 112 : index
      %swap3A_525 = tpu.vector_load %arg8[%swap3A_523, %swap3A_524] {strides = array<i32>} : memref<128x128xf32, #tpu.memory_space<vmem>>, vector<1x16xf32>,
      %swap3A_526 = vector.shape_cast %swap3A_525 : vector<1x16xf32> to vector<16xf32>
      %swap3A_527 = vector.shape_cast %broadcast_in_dim3A_1 : vector<16xf32> to vector<1x16xf32>
      tpu.vector_store %arg8[%swap3A_523, %swap3A_524], %swap3A_527 {strides = array<i32>} : memref<128x128xf32, #tpu.memory_space<vmem>>, vector<1x16xf32>,
    }
    %scan3A_6 = arith.constant 128 : i32
    %mul3A_7 = arith.constant 640 : i32
    %mul3A_8 = arith.muli %arg1, %mul3A_7 : i32
    %add3A_9 = arith.constant 0 : i32
    %add3A_10 = arith.addi %mul3A_8, %add3A_9 : i32
    %add3A_11 = vector.broadcast %add3A_10 : i32 to vector<16xi32>
    %add3A_12 = arith.addi %add3A_11, %iota3A : vector<16xi32>
    %swap3A = arith.constant 0 : i32
    %swap3A_13 = arith.index_cast %swap3A : i32 to index
    %swap3A_14 = arith.constant 0 : index
    %swap3A_15 = tpu.vector_load %arg10[%swap3A_13, %swap3A_14] {strides = array<i32>} : memref<5x128xi32, #tpu.memory_space<vmem>>, vector<1x16xi32>,
    %swap3A_16 = vector.shape_cast %swap3A_15 : vector<1x16xi32> to vector<16xi32>
    %swap3A_17 = vector.shape_cast %add3A_12 : vector<16xi32> to vector<1x16xi32>
    tpu.vector_store %arg10[%swap3A_13, %swap3A_14], %swap3A_17 {strides = array<i32>} : memref<5x128xi32, #tpu.memory_space<vmem>>, vector<1x16xi32>,
    %add3A_18 = arith.constant 16 : i32
    %add3A_19 = arith.addi %mul3A_8, %add3A_18 : i32
    %add3A_20 = vector.broadcast %add3A_19 : i32 to vector<16xi32>
    %add3A_21 = arith.addi %add3A_20, %iota3A : vector<16xi32>
    %swap3A_22 = arith.constant 0 : i32
    %swap3A_23 = arith.index_cast %swap3A_22 : i32 to index
    %swap3A_24 = arith.constant 16 : index
    %swap3A_25 = tpu.vector_load %arg10[%swap3A_23, %swap3A_24] {strides = array<i32>} : memref<5x128xi32, #tpu.memory_space<vmem>>, vector<1x16xi32>,
    %swap3A_26 = vector.shape_cast %swap3A_25 : vector<1x16xi32> to vector<16xi32>
    %swap3A_27 = vector.shape_cast %add3A_21 : vector<16xi32> to vector<1x16xi32>
    tpu.vector_store %arg10[%swap3A_23, %swap3A_24], %swap3A_27 {strides = array<i32>} : memref<5x128xi32, #tpu.memory_space<vmem>>, vector<1x16xi32>,
    %add3A_28 = arith.constant 32 : i32
    %add3A_29 = arith.addi %mul3A_8, %add3A_28 : i32
    %add3A_30 = vector.broadcast %add3A_29 : i32 to vector<16xi32>
    %add3A_31 = arith.addi %add3A_30, %iota3A : vector<16xi32>
    %swap3A_32 = arith.constant 0 : i32
    %swap3A_33 = arith.index_cast %swap3A_32 : i32 to index
    %swap3A_34 = arith.constant 32 : index
    %swap3A_35 = tpu.vector_load %arg10[%swap3A_33, %swap3A_34] {strides = array<i32>} : memref<5x128xi32, #tpu.memory_space<vmem>>, vector<1x16xi32>,
    %swap3A_36 = vector.shape_cast %swap3A_35 : vector<1x16xi32> to vector<16xi32>
    %swap3A_37 = vector.shape_cast %add3A_31 : vector<16xi32> to vector<1x16xi32>
    tpu.vector_store %arg10[%swap3A_33, %swap3A_34], %swap3A_37 {strides = array<i32>} : memref<5x128xi32, #tpu.memory_space<vmem>>, vector<1x16xi32>,
    %add3A_38 = arith.constant 48 : i32
    %add3A_39 = arith.addi %mul3A_8, %add3A_38 : i32
    %add3A_40 = vector.broadcast %add3A_39 : i32 to vector<16xi32>
    %add3A_41 = arith.addi %add3A_40, %iota3A : vector<16xi32>
    %swap3A_42 = arith.constant 0 : i32
    %swap3A_43 = arith.index_cast %swap3A_42 : i32 to index
    %swap3A_44 = arith.constant 48 : index
    %swap3A_45 = tpu.vector_load %arg10[%swap3A_43, %swap3A_44] {strides = array<i32>} : memref<5x128xi32, #tpu.memory_space<vmem>>, vector<1x16xi32>,
    %swap3A_46 = vector.shape_cast %swap3A_45 : vector<1x16xi32> to vector<16xi32>
    %swap3A_47 = vector.shape_cast %add3A_41 : vector<16xi32> to vector<1x16xi32>
    tpu.vector_store %arg10[%swap3A_43, %swap3A_44], %swap3A_47 {strides = array<i32>} : memref<5x128xi32, #tpu.memory_space<vmem>>, vector<1x16xi32>,
    %add3A_48 = arith.constant 64 : i32
    %add3A_49 = arith.addi %mul3A_8, %add3A_48 : i32
    %add3A_50 = vector.broadcast %add3A_49 : i32 to vector<16xi32>
    %add3A_51 = arith.addi %add3A_50, %iota3A : vector<16xi32>
    %swap3A_52 = arith.constant 0 : i32
    %swap3A_53 = arith.index_cast %swap3A_52 : i32 to index
    %swap3A_54 = arith.constant 64 : index
    %swap3A_55 = tpu.vector_load %arg10[%swap3A_53, %swap3A_54] {strides = array<i32>} : memref<5x128xi32, #tpu.memory_space<vmem>>, vector<1x16xi32>,
    %swap3A_56 = vector.shape_cast %swap3A_55 : vector<1x16xi32> to vector<16xi32>
    %swap3A_57 = vector.shape_cast %add3A_51 : vector<16xi32> to vector<1x16xi32>
    tpu.vector_store %arg10[%swap3A_53, %swap3A_54], %swap3A_57 {strides = array<i32>} : memref<5x128xi32, #tpu.memory_space<vmem>>, vector<1x16xi32>,
    %add3A_58 = arith.constant 80 : i32
    %add3A_59 = arith.addi %mul3A_8, %add3A_58 : i32
    %add3A_60 = vector.broadcast %add3A_59 : i32 to vector<16xi32>
    %add3A_61 = arith.addi %add3A_60, %iota3A : vector<16xi32>
    %swap3A_62 = arith.constant 0 : i32
    %swap3A_63 = arith.index_cast %swap3A_62 : i32 to index
    %swap3A_64 = arith.constant 80 : index
    %swap3A_65 = tpu.vector_load %arg10[%swap3A_63, %swap3A_64] {strides = array<i32>} : memref<5x128xi32, #tpu.memory_space<vmem>>, vector<1x16xi32>,
    %swap3A_66 = vector.shape_cast %swap3A_65 : vector<1x16xi32> to vector<16xi32>
    %swap3A_67 = vector.shape_cast %add3A_61 : vector<16xi32> to vector<1x16xi32>
    tpu.vector_store %arg10[%swap3A_63, %swap3A_64], %swap3A_67 {strides = array<i32>} : memref<5x128xi32, #tpu.memory_space<vmem>>, vector<1x16xi32>,
    %add3A_68 = arith.constant 96 : i32
    %add3A_69 = arith.addi %mul3A_8, %add3A_68 : i32
    %add3A_70 = vector.broadcast %add3A_69 : i32 to vector<16xi32>
    %add3A_71 = arith.addi %add3A_70, %iota3A : vector<16xi32>
    %swap3A_72 = arith.constant 0 : i32
    %swap3A_73 = arith.index_cast %swap3A_72 : i32 to index
    %swap3A_74 = arith.constant 96 : index
    %swap3A_75 = tpu.vector_load %arg10[%swap3A_73, %swap3A_74] {strides = array<i32>} : memref<5x128xi32, #tpu.memory_space<vmem>>, vector<1x16xi32>,
    %swap3A_76 = vector.shape_cast %swap3A_75 : vector<1x16xi32> to vector<16xi32>
    %swap3A_77 = vector.shape_cast %add3A_71 : vector<16xi32> to vector<1x16xi32>
    tpu.vector_store %arg10[%swap3A_73, %swap3A_74], %swap3A_77 {strides = array<i32>} : memref<5x128xi32, #tpu.memory_space<vmem>>, vector<1x16xi32>,
    %add3A_78 = arith.constant 112 : i32
    %add3A_79 = arith.addi %mul3A_8, %add3A_78 : i32
    %add3A_80 = vector.broadcast %add3A_79 : i32 to vector<16xi32>
    %add3A_81 = arith.addi %add3A_80, %iota3A : vector<16xi32>
    %swap3A_82 = arith.constant 0 : i32
    %swap3A_83 = arith.index_cast %swap3A_82 : i32 to index
    %swap3A_84 = arith.constant 112 : index
    %swap3A_85 = tpu.vector_load %arg10[%swap3A_83, %swap3A_84] {strides = array<i32>} : memref<5x128xi32, #tpu.memory_space<vmem>>, vector<1x16xi32>,
    %swap3A_86 = vector.shape_cast %swap3A_85 : vector<1x16xi32> to vector<16xi32>
    %swap3A_87 = vector.shape_cast %add3A_81 : vector<16xi32> to vector<1x16xi32>
    tpu.vector_store %arg10[%swap3A_83, %swap3A_84], %swap3A_87 {strides = array<i32>} : memref<5x128xi32, #tpu.memory_space<vmem>>, vector<1x16xi32>,
    %add3A_88 = arith.constant 128 : i32
    %add3A_89 = arith.addi %mul3A_8, %add3A_88 : i32
    %add3A_90 = vector.broadcast %add3A_89 : i32 to vector<16xi32>
    %add3A_91 = arith.addi %add3A_90, %iota3A : vector<16xi32>
    %swap3A_92 = arith.constant 1 : i32
    %swap3A_93 = arith.index_cast %swap3A_92 : i32 to index
    %swap3A_94 = arith.constant 0 : index
    %swap3A_95 = tpu.vector_load %arg10[%swap3A_93, %swap3A_94] {strides = array<i32>} : memref<5x128xi32, #tpu.memory_space<vmem>>, vector<1x16xi32>,
    %swap3A_96 = vector.shape_cast %swap3A_95 : vector<1x16xi32> to vector<16xi32>
    %swap3A_97 = vector.shape_cast %add3A_91 : vector<16xi32> to vector<1x16xi32>
    tpu.vector_store %arg10[%swap3A_93, %swap3A_94], %swap3A_97 {strides = array<i32>} : memref<5x128xi32, #tpu.memory_space<vmem>>, vector<1x16xi32>,
    %add3A_98 = arith.constant 144 : i32
    %add3A_99 = arith.addi %mul3A_8, %add3A_98 : i32
    %add3A_100 = vector.broadcast %add3A_99 : i32 to vector<16xi32>
    %add3A_101 = arith.addi %add3A_100, %iota3A : vector<16xi32>
    %swap3A_102 = arith.constant 1 : i32
    %swap3A_103 = arith.index_cast %swap3A_102 : i32 to index
    %swap3A_104 = arith.constant 16 : index
    %swap3A_105 = tpu.vector_load %arg10[%swap3A_103, %swap3A_104] {strides = array<i32>} : memref<5x128xi32, #tpu.memory_space<vmem>>, vector<1x16xi32>,
    %swap3A_106 = vector.shape_cast %swap3A_105 : vector<1x16xi32> to vector<16xi32>
    %swap3A_107 = vector.shape_cast %add3A_101 : vector<16xi32> to vector<1x16xi32>
    tpu.vector_store %arg10[%swap3A_103, %swap3A_104], %swap3A_107 {strides = array<i32>} : memref<5x128xi32, #tpu.memory_space<vmem>>, vector<1x16xi32>,
    %add3A_108 = arith.constant 160 : i32
    %add3A_109 = arith.addi %mul3A_8, %add3A_108 : i32
    %add3A_110 = vector.broadcast %add3A_109 : i32 to vector<16xi32>
    %add3A_111 = arith.addi %add3A_110, %iota3A : vector<16xi32>
    %swap3A_112 = arith.constant 1 : i32
    %swap3A_113 = arith.index_cast %swap3A_112 : i32 to index
    %swap3A_114 = arith.constant 32 : index
    %swap3A_115 = tpu.vector_load %arg10[%swap3A_113, %swap3A_114] {strides = array<i32>} : memref<5x128xi32, #tpu.memory_space<vmem>>, vector<1x16xi32>,
    %swap3A_116 = vector.shape_cast %swap3A_115 : vector<1x16xi32> to vector<16xi32>
    %swap3A_117 = vector.shape_cast %add3A_111 : vector<16xi32> to vector<1x16xi32>
    tpu.vector_store %arg10[%swap3A_113, %swap3A_114], %swap3A_117 {strides = array<i32>} : memref<5x128xi32, #tpu.memory_space<vmem>>, vector<1x16xi32>,
    %add3A_118 = arith.constant 176 : i32
    %add3A_119 = arith.addi %mul3A_8, %add3A_118 : i32
    %add3A_120 = vector.broadcast %add3A_119 : i32 to vector<16xi32>
    %add3A_121 = arith.addi %add3A_120, %iota3A : vector<16xi32>
    %swap3A_122 = arith.constant 1 : i32
    %swap3A_123 = arith.index_cast %swap3A_122 : i32 to index
    %swap3A_124 = arith.constant 48 : index
    %swap3A_125 = tpu.vector_load %arg10[%swap3A_123, %swap3A_124] {strides = array<i32>} : memref<5x128xi32, #tpu.memory_space<vmem>>, vector<1x16xi32>,
    %swap3A_126 = vector.shape_cast %swap3A_125 : vector<1x16xi32> to vector<16xi32>
    %swap3A_127 = vector.shape_cast %add3A_121 : vector<16xi32> to vector<1x16xi32>
    tpu.vector_store %arg10[%swap3A_123, %swap3A_124], %swap3A_127 {strides = array<i32>} : memref<5x128xi32, #tpu.memory_space<vmem>>, vector<1x16xi32>,
    %add3A_128 = arith.constant 192 : i32
    %add3A_129 = arith.addi %mul3A_8, %add3A_128 : i32
    %add3A_130 = vector.broadcast %add3A_129 : i32 to vector<16xi32>
    %add3A_131 = arith.addi %add3A_130, %iota3A : vector<16xi32>
    %swap3A_132 = arith.constant 1 : i32
    %swap3A_133 = arith.index_cast %swap3A_132 : i32 to index
    %swap3A_134 = arith.constant 64 : index
    %swap3A_135 = tpu.vector_load %arg10[%swap3A_133, %swap3A_134] {strides = array<i32>} : memref<5x128xi32, #tpu.memory_space<vmem>>, vector<1x16xi32>,
    %swap3A_136 = vector.shape_cast %swap3A_135 : vector<1x16xi32> to vector<16xi32>
    %swap3A_137 = vector.shape_cast %add3A_131 : vector<16xi32> to vector<1x16xi32>
    tpu.vector_store %arg10[%swap3A_133, %swap3A_134], %swap3A_137 {strides = array<i32>} : memref<5x128xi32, #tpu.memory_space<vmem>>, vector<1x16xi32>,
    %add3A_138 = arith.constant 208 : i32
    %add3A_139 = arith.addi %mul3A_8, %add3A_138 : i32
    %add3A_140 = vector.broadcast %add3A_139 : i32 to vector<16xi32>
    %add3A_141 = arith.addi %add3A_140, %iota3A : vector<16xi32>
    %swap3A_142 = arith.constant 1 : i32
    %swap3A_143 = arith.index_cast %swap3A_142 : i32 to index
    %swap3A_144 = arith.constant 80 : index
    %swap3A_145 = tpu.vector_load %arg10[%swap3A_143, %swap3A_144] {strides = array<i32>} : memref<5x128xi32, #tpu.memory_space<vmem>>, vector<1x16xi32>,
    %swap3A_146 = vector.shape_cast %swap3A_145 : vector<1x16xi32> to vector<16xi32>
    %swap3A_147 = vector.shape_cast %add3A_141 : vector<16xi32> to vector<1x16xi32>
    tpu.vector_store %arg10[%swap3A_143, %swap3A_144], %swap3A_147 {strides = array<i32>} : memref<5x128xi32, #tpu.memory_space<vmem>>, vector<1x16xi32>,
    %add3A_148 = arith.constant 224 : i32
    %add3A_149 = arith.addi %mul3A_8, %add3A_148 : i32
    %add3A_150 = vector.broadcast %add3A_149 : i32 to vector<16xi32>
    %add3A_151 = arith.addi %add3A_150, %iota3A : vector<16xi32>
    %swap3A_152 = arith.constant 1 : i32
    %swap3A_153 = arith.index_cast %swap3A_152 : i32 to index
    %swap3A_154 = arith.constant 96 : index
    %swap3A_155 = tpu.vector_load %arg10[%swap3A_153, %swap3A_154] {strides = array<i32>} : memref<5x128xi32, #tpu.memory_space<vmem>>, vector<1x16xi32>,
    %swap3A_156 = vector.shape_cast %swap3A_155 : vector<1x16xi32> to vector<16xi32>
    %swap3A_157 = vector.shape_cast %add3A_151 : vector<16xi32> to vector<1x16xi32>
    tpu.vector_store %arg10[%swap3A_153, %swap3A_154], %swap3A_157 {strides = array<i32>} : memref<5x128xi32, #tpu.memory_space<vmem>>, vector<1x16xi32>,
    %add3A_158 = arith.constant 240 : i32
    %add3A_159 = arith.addi %mul3A_8, %add3A_158 : i32
    %add3A_160 = vector.broadcast %add3A_159 : i32 to vector<16xi32>
    %add3A_161 = arith.addi %add3A_160, %iota3A : vector<16xi32>
    %swap3A_162 = arith.constant 1 : i32
    %swap3A_163 = arith.index_cast %swap3A_162 : i32 to index
    %swap3A_164 = arith.constant 112 : index
    %swap3A_165 = tpu.vector_load %arg10[%swap3A_163, %swap3A_164] {strides = array<i32>} : memref<5x128xi32, #tpu.memory_space<vmem>>, vector<1x16xi32>,
    %swap3A_166 = vector.shape_cast %swap3A_165 : vector<1x16xi32> to vector<16xi32>
    %swap3A_167 = vector.shape_cast %add3A_161 : vector<16xi32> to vector<1x16xi32>
    tpu.vector_store %arg10[%swap3A_163, %swap3A_164], %swap3A_167 {strides = array<i32>} : memref<5x128xi32, #tpu.memory_space<vmem>>, vector<1x16xi32>,
    %add3A_168 = arith.constant 256 : i32
    %add3A_169 = arith.addi %mul3A_8, %add3A_168 : i32
    %add3A_170 = vector.broadcast %add3A_169 : i32 to vector<16xi32>
    %add3A_171 = arith.addi %add3A_170, %iota3A : vector<16xi32>
    %swap3A_172 = arith.constant 2 : i32
    %swap3A_173 = arith.index_cast %swap3A_172 : i32 to index
    %swap3A_174 = arith.constant 0 : index
    %swap3A_175 = tpu.vector_load %arg10[%swap3A_173, %swap3A_174] {strides = array<i32>} : memref<5x128xi32, #tpu.memory_space<vmem>>, vector<1x16xi32>,
    %swap3A_176 = vector.shape_cast %swap3A_175 : vector<1x16xi32> to vector<16xi32>
    %swap3A_177 = vector.shape_cast %add3A_171 : vector<16xi32> to vector<1x16xi32>
    tpu.vector_store %arg10[%swap3A_173, %swap3A_174], %swap3A_177 {strides = array<i32>} : memref<5x128xi32, #tpu.memory_space<vmem>>, vector<1x16xi32>,
    %add3A_178 = arith.constant 272 : i32
    %add3A_179 = arith.addi %mul3A_8, %add3A_178 : i32
    %add3A_180 = vector.broadcast %add3A_179 : i32 to vector<16xi32>
    %add3A_181 = arith.addi %add3A_180, %iota3A : vector<16xi32>
    %swap3A_182 = arith.constant 2 : i32
    %swap3A_183 = arith.index_cast %swap3A_182 : i32 to index
    %swap3A_184 = arith.constant 16 : index
    %swap3A_185 = tpu.vector_load %arg10[%swap3A_183, %swap3A_184] {strides = array<i32>} : memref<5x128xi32, #tpu.memory_space<vmem>>, vector<1x16xi32>,
    %swap3A_186 = vector.shape_cast %swap3A_185 : vector<1x16xi32> to vector<16xi32>
    %swap3A_187 = vector.shape_cast %add3A_181 : vector<16xi32> to vector<1x16xi32>
    tpu.vector_store %arg10[%swap3A_183, %swap3A_184], %swap3A_187 {strides = array<i32>} : memref<5x128xi32, #tpu.memory_space<vmem>>, vector<1x16xi32>,
    %add3A_188 = arith.constant 288 : i32
    %add3A_189 = arith.addi %mul3A_8, %add3A_188 : i32
    %add3A_190 = vector.broadcast %add3A_189 : i32 to vector<16xi32>
    %add3A_191 = arith.addi %add3A_190, %iota3A : vector<16xi32>
    %swap3A_192 = arith.constant 2 : i32
    %swap3A_193 = arith.index_cast %swap3A_192 : i32 to index
    %swap3A_194 = arith.constant 32 : index
    %swap3A_195 = tpu.vector_load %arg10[%swap3A_193, %swap3A_194] {strides = array<i32>} : memref<5x128xi32, #tpu.memory_space<vmem>>, vector<1x16xi32>,
    %swap3A_196 = vector.shape_cast %swap3A_195 : vector<1x16xi32> to vector<16xi32>
    %swap3A_197 = vector.shape_cast %add3A_191 : vector<16xi32> to vector<1x16xi32>
    tpu.vector_store %arg10[%swap3A_193, %swap3A_194], %swap3A_197 {strides = array<i32>} : memref<5x128xi32, #tpu.memory_space<vmem>>, vector<1x16xi32>,
    %add3A_198 = arith.constant 304 : i32
    %add3A_199 = arith.addi %mul3A_8, %add3A_198 : i32
    %add3A_200 = vector.broadcast %add3A_199 : i32 to vector<16xi32>
    %add3A_201 = arith.addi %add3A_200, %iota3A : vector<16xi32>
    %swap3A_202 = arith.constant 2 : i32
    %swap3A_203 = arith.index_cast %swap3A_202 : i32 to index
    %swap3A_204 = arith.constant 48 : index
    %swap3A_205 = tpu.vector_load %arg10[%swap3A_203, %swap3A_204] {strides = array<i32>} : memref<5x128xi32, #tpu.memory_space<vmem>>, vector<1x16xi32>,
    %swap3A_206 = vector.shape_cast %swap3A_205 : vector<1x16xi32> to vector<16xi32>
    %swap3A_207 = vector.shape_cast %add3A_201 : vector<16xi32> to vector<1x16xi32>
    tpu.vector_store %arg10[%swap3A_203, %swap3A_204], %swap3A_207 {strides = array<i32>} : memref<5x128xi32, #tpu.memory_space<vmem>>, vector<1x16xi32>,
    %add3A_208 = arith.constant 320 : i32
    %add3A_209 = arith.addi %mul3A_8, %add3A_208 : i32
    %add3A_210 = vector.broadcast %add3A_209 : i32 to vector<16xi32>
    %add3A_211 = arith.addi %add3A_210, %iota3A : vector<16xi32>
    %swap3A_212 = arith.constant 2 : i32
    %swap3A_213 = arith.index_cast %swap3A_212 : i32 to index
    %swap3A_214 = arith.constant 64 : index
    %swap3A_215 = tpu.vector_load %arg10[%swap3A_213, %swap3A_214] {strides = array<i32>} : memref<5x128xi32, #tpu.memory_space<vmem>>, vector<1x16xi32>,
    %swap3A_216 = vector.shape_cast %swap3A_215 : vector<1x16xi32> to vector<16xi32>
    %swap3A_217 = vector.shape_cast %add3A_211 : vector<16xi32> to vector<1x16xi32>
    tpu.vector_store %arg10[%swap3A_213, %swap3A_214], %swap3A_217 {strides = array<i32>} : memref<5x128xi32, #tpu.memory_space<vmem>>, vector<1x16xi32>,
    %add3A_218 = arith.constant 336 : i32
    %add3A_219 = arith.addi %mul3A_8, %add3A_218 : i32
    %add3A_220 = vector.broadcast %add3A_219 : i32 to vector<16xi32>
    %add3A_221 = arith.addi %add3A_220, %iota3A : vector<16xi32>
    %swap3A_222 = arith.constant 2 : i32
    %swap3A_223 = arith.index_cast %swap3A_222 : i32 to index
    %swap3A_224 = arith.constant 80 : index
    %swap3A_225 = tpu.vector_load %arg10[%swap3A_223, %swap3A_224] {strides = array<i32>} : memref<5x128xi32, #tpu.memory_space<vmem>>, vector<1x16xi32>,
    %swap3A_226 = vector.shape_cast %swap3A_225 : vector<1x16xi32> to vector<16xi32>
    %swap3A_227 = vector.shape_cast %add3A_221 : vector<16xi32> to vector<1x16xi32>
    tpu.vector_store %arg10[%swap3A_223, %swap3A_224], %swap3A_227 {strides = array<i32>} : memref<5x128xi32, #tpu.memory_space<vmem>>, vector<1x16xi32>,
    %add3A_228 = arith.constant 352 : i32
    %add3A_229 = arith.addi %mul3A_8, %add3A_228 : i32
    %add3A_230 = vector.broadcast %add3A_229 : i32 to vector<16xi32>
    %add3A_231 = arith.addi %add3A_230, %iota3A : vector<16xi32>
    %swap3A_232 = arith.constant 2 : i32
    %swap3A_233 = arith.index_cast %swap3A_232 : i32 to index
    %swap3A_234 = arith.constant 96 : index
    %swap3A_235 = tpu.vector_load %arg10[%swap3A_233, %swap3A_234] {strides = array<i32>} : memref<5x128xi32, #tpu.memory_space<vmem>>, vector<1x16xi32>,
    %swap3A_236 = vector.shape_cast %swap3A_235 : vector<1x16xi32> to vector<16xi32>
    %swap3A_237 = vector.shape_cast %add3A_231 : vector<16xi32> to vector<1x16xi32>
    tpu.vector_store %arg10[%swap3A_233, %swap3A_234], %swap3A_237 {strides = array<i32>} : memref<5x128xi32, #tpu.memory_space<vmem>>, vector<1x16xi32>,
    %add3A_238 = arith.constant 368 : i32
    %add3A_239 = arith.addi %mul3A_8, %add3A_238 : i32
    %add3A_240 = vector.broadcast %add3A_239 : i32 to vector<16xi32>
    %add3A_241 = arith.addi %add3A_240, %iota3A : vector<16xi32>
    %swap3A_242 = arith.constant 2 : i32
    %swap3A_243 = arith.index_cast %swap3A_242 : i32 to index
    %swap3A_244 = arith.constant 112 : index
    %swap3A_245 = tpu.vector_load %arg10[%swap3A_243, %swap3A_244] {strides = array<i32>} : memref<5x128xi32, #tpu.memory_space<vmem>>, vector<1x16xi32>,
    %swap3A_246 = vector.shape_cast %swap3A_245 : vector<1x16xi32> to vector<16xi32>
    %swap3A_247 = vector.shape_cast %add3A_241 : vector<16xi32> to vector<1x16xi32>
    tpu.vector_store %arg10[%swap3A_243, %swap3A_244], %swap3A_247 {strides = array<i32>} : memref<5x128xi32, #tpu.memory_space<vmem>>, vector<1x16xi32>,
    %add3A_248 = arith.constant 384 : i32
    %add3A_249 = arith.addi %mul3A_8, %add3A_248 : i32
    %add3A_250 = vector.broadcast %add3A_249 : i32 to vector<16xi32>
    %add3A_251 = arith.addi %add3A_250, %iota3A : vector<16xi32>
    %swap3A_252 = arith.constant 3 : i32
    %swap3A_253 = arith.index_cast %swap3A_252 : i32 to index
    %swap3A_254 = arith.constant 0 : index
    %swap3A_255 = tpu.vector_load %arg10[%swap3A_253, %swap3A_254] {strides = array<i32>} : memref<5x128xi32, #tpu.memory_space<vmem>>, vector<1x16xi32>,
    %swap3A_256 = vector.shape_cast %swap3A_255 : vector<1x16xi32> to vector<16xi32>
    %swap3A_257 = vector.shape_cast %add3A_251 : vector<16xi32> to vector<1x16xi32>
    tpu.vector_store %arg10[%swap3A_253, %swap3A_254], %swap3A_257 {strides = array<i32>} : memref<5x128xi32, #tpu.memory_space<vmem>>, vector<1x16xi32>,
    %add3A_258 = arith.constant 400 : i32
    %add3A_259 = arith.addi %mul3A_8, %add3A_258 : i32
    %add3A_260 = vector.broadcast %add3A_259 : i32 to vector<16xi32>
    %add3A_261 = arith.addi %add3A_260, %iota3A : vector<16xi32>
    %swap3A_262 = arith.constant 3 : i32
    %swap3A_263 = arith.index_cast %swap3A_262 : i32 to index
    %swap3A_264 = arith.constant 16 : index
    %swap3A_265 = tpu.vector_load %arg10[%swap3A_263, %swap3A_264] {strides = array<i32>} : memref<5x128xi32, #tpu.memory_space<vmem>>, vector<1x16xi32>,
    %swap3A_266 = vector.shape_cast %swap3A_265 : vector<1x16xi32> to vector<16xi32>
    %swap3A_267 = vector.shape_cast %add3A_261 : vector<16xi32> to vector<1x16xi32>
    tpu.vector_store %arg10[%swap3A_263, %swap3A_264], %swap3A_267 {strides = array<i32>} : memref<5x128xi32, #tpu.memory_space<vmem>>, vector<1x16xi32>,
    %add3A_268 = arith.constant 416 : i32
    %add3A_269 = arith.addi %mul3A_8, %add3A_268 : i32
    %add3A_270 = vector.broadcast %add3A_269 : i32 to vector<16xi32>
    %add3A_271 = arith.addi %add3A_270, %iota3A : vector<16xi32>
    %swap3A_272 = arith.constant 3 : i32
    %swap3A_273 = arith.index_cast %swap3A_272 : i32 to index
    %swap3A_274 = arith.constant 32 : index
    %swap3A_275 = tpu.vector_load %arg10[%swap3A_273, %swap3A_274] {strides = array<i32>} : memref<5x128xi32, #tpu.memory_space<vmem>>, vector<1x16xi32>,
    %swap3A_276 = vector.shape_cast %swap3A_275 : vector<1x16xi32> to vector<16xi32>
    %swap3A_277 = vector.shape_cast %add3A_271 : vector<16xi32> to vector<1x16xi32>
    tpu.vector_store %arg10[%swap3A_273, %swap3A_274], %swap3A_277 {strides = array<i32>} : memref<5x128xi32, #tpu.memory_space<vmem>>, vector<1x16xi32>,
    %add3A_278 = arith.constant 432 : i32
    %add3A_279 = arith.addi %mul3A_8, %add3A_278 : i32
    %add3A_280 = vector.broadcast %add3A_279 : i32 to vector<16xi32>
    %add3A_281 = arith.addi %add3A_280, %iota3A : vector<16xi32>
    %swap3A_282 = arith.constant 3 : i32
    %swap3A_283 = arith.index_cast %swap3A_282 : i32 to index
    %swap3A_284 = arith.constant 48 : index
    %swap3A_285 = tpu.vector_load %arg10[%swap3A_283, %swap3A_284] {strides = array<i32>} : memref<5x128xi32, #tpu.memory_space<vmem>>, vector<1x16xi32>,
    %swap3A_286 = vector.shape_cast %swap3A_285 : vector<1x16xi32> to vector<16xi32>
    %swap3A_287 = vector.shape_cast %add3A_281 : vector<16xi32> to vector<1x16xi32>
    tpu.vector_store %arg10[%swap3A_283, %swap3A_284], %swap3A_287 {strides = array<i32>} : memref<5x128xi32, #tpu.memory_space<vmem>>, vector<1x16xi32>,
    %add3A_288 = arith.constant 448 : i32
    %add3A_289 = arith.addi %mul3A_8, %add3A_288 : i32
    %add3A_290 = vector.broadcast %add3A_289 : i32 to vector<16xi32>
    %add3A_291 = arith.addi %add3A_290, %iota3A : vector<16xi32>
    %swap3A_292 = arith.constant 3 : i32
    %swap3A_293 = arith.index_cast %swap3A_292 : i32 to index
    %swap3A_294 = arith.constant 64 : index
    %swap3A_295 = tpu.vector_load %arg10[%swap3A_293, %swap3A_294] {strides = array<i32>} : memref<5x128xi32, #tpu.memory_space<vmem>>, vector<1x16xi32>,
    %swap3A_296 = vector.shape_cast %swap3A_295 : vector<1x16xi32> to vector<16xi32>
    %swap3A_297 = vector.shape_cast %add3A_291 : vector<16xi32> to vector<1x16xi32>
    tpu.vector_store %arg10[%swap3A_293, %swap3A_294], %swap3A_297 {strides = array<i32>} : memref<5x128xi32, #tpu.memory_space<vmem>>, vector<1x16xi32>,
    %add3A_298 = arith.constant 464 : i32
    %add3A_299 = arith.addi %mul3A_8, %add3A_298 : i32
    %add3A_300 = vector.broadcast %add3A_299 : i32 to vector<16xi32>
    %add3A_301 = arith.addi %add3A_300, %iota3A : vector<16xi32>
    %swap3A_302 = arith.constant 3 : i32
    %swap3A_303 = arith.index_cast %swap3A_302 : i32 to index
    %swap3A_304 = arith.constant 80 : index
    %swap3A_305 = tpu.vector_load %arg10[%swap3A_303, %swap3A_304] {strides = array<i32>} : memref<5x128xi32, #tpu.memory_space<vmem>>, vector<1x16xi32>,
    %swap3A_306 = vector.shape_cast %swap3A_305 : vector<1x16xi32> to vector<16xi32>
    %swap3A_307 = vector.shape_cast %add3A_301 : vector<16xi32> to vector<1x16xi32>
    tpu.vector_store %arg10[%swap3A_303, %swap3A_304], %swap3A_307 {strides = array<i32>} : memref<5x128xi32, #tpu.memory_space<vmem>>, vector<1x16xi32>,
    %add3A_308 = arith.constant 480 : i32
    %add3A_309 = arith.addi %mul3A_8, %add3A_308 : i32
    %add3A_310 = vector.broadcast %add3A_309 : i32 to vector<16xi32>
    %add3A_311 = arith.addi %add3A_310, %iota3A : vector<16xi32>
    %swap3A_312 = arith.constant 3 : i32
    %swap3A_313 = arith.index_cast %swap3A_312 : i32 to index
    %swap3A_314 = arith.constant 96 : index
    %swap3A_315 = tpu.vector_load %arg10[%swap3A_313, %swap3A_314] {strides = array<i32>} : memref<5x128xi32, #tpu.memory_space<vmem>>, vector<1x16xi32>,
    %swap3A_316 = vector.shape_cast %swap3A_315 : vector<1x16xi32> to vector<16xi32>
    %swap3A_317 = vector.shape_cast %add3A_311 : vector<16xi32> to vector<1x16xi32>
    tpu.vector_store %arg10[%swap3A_313, %swap3A_314], %swap3A_317 {strides = array<i32>} : memref<5x128xi32, #tpu.memory_space<vmem>>, vector<1x16xi32>,
    %add3A_318 = arith.constant 496 : i32
    %add3A_319 = arith.addi %mul3A_8, %add3A_318 : i32
    %add3A_320 = vector.broadcast %add3A_319 : i32 to vector<16xi32>
    %add3A_321 = arith.addi %add3A_320, %iota3A : vector<16xi32>
    %swap3A_322 = arith.constant 3 : i32
    %swap3A_323 = arith.index_cast %swap3A_322 : i32 to index
    %swap3A_324 = arith.constant 112 : index
    %swap3A_325 = tpu.vector_load %arg10[%swap3A_323, %swap3A_324] {strides = array<i32>} : memref<5x128xi32, #tpu.memory_space<vmem>>, vector<1x16xi32>,
    %swap3A_326 = vector.shape_cast %swap3A_325 : vector<1x16xi32> to vector<16xi32>
    %swap3A_327 = vector.shape_cast %add3A_321 : vector<16xi32> to vector<1x16xi32>
    tpu.vector_store %arg10[%swap3A_323, %swap3A_324], %swap3A_327 {strides = array<i32>} : memref<5x128xi32, #tpu.memory_space<vmem>>, vector<1x16xi32>,
    %add3A_328 = arith.constant 512 : i32
    %add3A_329 = arith.addi %mul3A_8, %add3A_328 : i32
    %add3A_330 = vector.broadcast %add3A_329 : i32 to vector<16xi32>
    %add3A_331 = arith.addi %add3A_330, %iota3A : vector<16xi32>
    %swap3A_332 = arith.constant 4 : i32
    %swap3A_333 = arith.index_cast %swap3A_332 : i32 to index
    %swap3A_334 = arith.constant 0 : index
    %swap3A_335 = tpu.vector_load %arg10[%swap3A_333, %swap3A_334] {strides = array<i32>} : memref<5x128xi32, #tpu.memory_space<vmem>>, vector<1x16xi32>,
    %swap3A_336 = vector.shape_cast %swap3A_335 : vector<1x16xi32> to vector<16xi32>
    %swap3A_337 = vector.shape_cast %add3A_331 : vector<16xi32> to vector<1x16xi32>
    tpu.vector_store %arg10[%swap3A_333, %swap3A_334], %swap3A_337 {strides = array<i32>} : memref<5x128xi32, #tpu.memory_space<vmem>>, vector<1x16xi32>,
    %add3A_338 = arith.constant 528 : i32
    %add3A_339 = arith.addi %mul3A_8, %add3A_338 : i32
    %add3A_340 = vector.broadcast %add3A_339 : i32 to vector<16xi32>
    %add3A_341 = arith.addi %add3A_340, %iota3A : vector<16xi32>
    %swap3A_342 = arith.constant 4 : i32
    %swap3A_343 = arith.index_cast %swap3A_342 : i32 to index
    %swap3A_344 = arith.constant 16 : index
    %swap3A_345 = tpu.vector_load %arg10[%swap3A_343, %swap3A_344] {strides = array<i32>} : memref<5x128xi32, #tpu.memory_space<vmem>>, vector<1x16xi32>,
    %swap3A_346 = vector.shape_cast %swap3A_345 : vector<1x16xi32> to vector<16xi32>
    %swap3A_347 = vector.shape_cast %add3A_341 : vector<16xi32> to vector<1x16xi32>
    tpu.vector_store %arg10[%swap3A_343, %swap3A_344], %swap3A_347 {strides = array<i32>} : memref<5x128xi32, #tpu.memory_space<vmem>>, vector<1x16xi32>,
    %add3A_348 = arith.constant 544 : i32
    %add3A_349 = arith.addi %mul3A_8, %add3A_348 : i32
    %add3A_350 = vector.broadcast %add3A_349 : i32 to vector<16xi32>
    %add3A_351 = arith.addi %add3A_350, %iota3A : vector<16xi32>
    %swap3A_352 = arith.constant 4 : i32
    %swap3A_353 = arith.index_cast %swap3A_352 : i32 to index
    %swap3A_354 = arith.constant 32 : index
    %swap3A_355 = tpu.vector_load %arg10[%swap3A_353, %swap3A_354] {strides = array<i32>} : memref<5x128xi32, #tpu.memory_space<vmem>>, vector<1x16xi32>,
    %swap3A_356 = vector.shape_cast %swap3A_355 : vector<1x16xi32> to vector<16xi32>
    %swap3A_357 = vector.shape_cast %add3A_351 : vector<16xi32> to vector<1x16xi32>
    tpu.vector_store %arg10[%swap3A_353, %swap3A_354], %swap3A_357 {strides = array<i32>} : memref<5x128xi32, #tpu.memory_space<vmem>>, vector<1x16xi32>,
    %add3A_358 = arith.constant 560 : i32
    %add3A_359 = arith.addi %mul3A_8, %add3A_358 : i32
    %add3A_360 = vector.broadcast %add3A_359 : i32 to vector<16xi32>
    %add3A_361 = arith.addi %add3A_360, %iota3A : vector<16xi32>
    %swap3A_362 = arith.constant 4 : i32
    %swap3A_363 = arith.index_cast %swap3A_362 : i32 to index
    %swap3A_364 = arith.constant 48 : index
    %swap3A_365 = tpu.vector_load %arg10[%swap3A_363, %swap3A_364] {strides = array<i32>} : memref<5x128xi32, #tpu.memory_space<vmem>>, vector<1x16xi32>,
    %swap3A_366 = vector.shape_cast %swap3A_365 : vector<1x16xi32> to vector<16xi32>
    %swap3A_367 = vector.shape_cast %add3A_361 : vector<16xi32> to vector<1x16xi32>
    tpu.vector_store %arg10[%swap3A_363, %swap3A_364], %swap3A_367 {strides = array<i32>} : memref<5x128xi32, #tpu.memory_space<vmem>>, vector<1x16xi32>,
    %add3A_368 = arith.constant 576 : i32
    %add3A_369 = arith.addi %mul3A_8, %add3A_368 : i32
    %add3A_370 = vector.broadcast %add3A_369 : i32 to vector<16xi32>
    %add3A_371 = arith.addi %add3A_370, %iota3A : vector<16xi32>
    %swap3A_372 = arith.constant 4 : i32
    %swap3A_373 = arith.index_cast %swap3A_372 : i32 to index
    %swap3A_374 = arith.constant 64 : index
    %swap3A_375 = tpu.vector_load %arg10[%swap3A_373, %swap3A_374] {strides = array<i32>} : memref<5x128xi32, #tpu.memory_space<vmem>>, vector<1x16xi32>,
    %swap3A_376 = vector.shape_cast %swap3A_375 : vector<1x16xi32> to vector<16xi32>
    %swap3A_377 = vector.shape_cast %add3A_371 : vector<16xi32> to vector<1x16xi32>
    tpu.vector_store %arg10[%swap3A_373, %swap3A_374], %swap3A_377 {strides = array<i32>} : memref<5x128xi32, #tpu.memory_space<vmem>>, vector<1x16xi32>,
    %add3A_378 = arith.constant 592 : i32
    %add3A_379 = arith.addi %mul3A_8, %add3A_378 : i32
    %add3A_380 = vector.broadcast %add3A_379 : i32 to vector<16xi32>
    %add3A_381 = arith.addi %add3A_380, %iota3A : vector<16xi32>
    %swap3A_382 = arith.constant 4 : i32
    %swap3A_383 = arith.index_cast %swap3A_382 : i32 to index
    %swap3A_384 = arith.constant 80 : index
    %swap3A_385 = tpu.vector_load %arg10[%swap3A_383, %swap3A_384] {strides = array<i32>} : memref<5x128xi32, #tpu.memory_space<vmem>>, vector<1x16xi32>,
    %swap3A_386 = vector.shape_cast %swap3A_385 : vector<1x16xi32> to vector<16xi32>
    %swap3A_387 = vector.shape_cast %add3A_381 : vector<16xi32> to vector<1x16xi32>
    tpu.vector_store %arg10[%swap3A_383, %swap3A_384], %swap3A_387 {strides = array<i32>} : memref<5x128xi32, #tpu.memory_space<vmem>>, vector<1x16xi32>,
    %add3A_388 = arith.constant 608 : i32
    %add3A_389 = arith.addi %mul3A_8, %add3A_388 : i32
    %add3A_390 = vector.broadcast %add3A_389 : i32 to vector<16xi32>
    %add3A_391 = arith.addi %add3A_390, %iota3A : vector<16xi32>
    %swap3A_392 = arith.constant 4 : i32
    %swap3A_393 = arith.index_cast %swap3A_392 : i32 to index
    %swap3A_394 = arith.constant 96 : index
    %swap3A_395 = tpu.vector_load %arg10[%swap3A_393, %swap3A_394] {strides = array<i32>} : memref<5x128xi32, #tpu.memory_space<vmem>>, vector<1x16xi32>,
    %swap3A_396 = vector.shape_cast %swap3A_395 : vector<1x16xi32> to vector<16xi32>
    %swap3A_397 = vector.shape_cast %add3A_391 : vector<16xi32> to vector<1x16xi32>
    tpu.vector_store %arg10[%swap3A_393, %swap3A_394], %swap3A_397 {strides = array<i32>} : memref<5x128xi32, #tpu.memory_space<vmem>>, vector<1x16xi32>,
    %add3A_398 = arith.constant 624 : i32
    %add3A_399 = arith.addi %mul3A_8, %add3A_398 : i32
    %add3A_400 = vector.broadcast %add3A_399 : i32 to vector<16xi32>
    %add3A_401 = arith.addi %add3A_400, %iota3A : vector<16xi32>
    %swap3A_402 = arith.constant 4 : i32
    %swap3A_403 = arith.index_cast %swap3A_402 : i32 to index
    %swap3A_404 = arith.constant 112 : index
    %swap3A_405 = tpu.vector_load %arg10[%swap3A_403, %swap3A_404] {strides = array<i32>} : memref<5x128xi32, #tpu.memory_space<vmem>>, vector<1x16xi32>,
    %swap3A_406 = vector.shape_cast %swap3A_405 : vector<1x16xi32> to vector<16xi32>
    %swap3A_407 = vector.shape_cast %add3A_401 : vector<16xi32> to vector<1x16xi32>
    tpu.vector_store %arg10[%swap3A_403, %swap3A_404], %swap3A_407 {strides = array<i32>} : memref<5x128xi32, #tpu.memory_space<vmem>>, vector<1x16xi32>,
    %run_scoped3A = arith.constant 0 : i32
    "tpu.region"() ({
      %run_scoped3A_487 = tpu.sem_alloc : memref<!tpu.dma_semaphore, #tpu.memory_space<semaphore_mem>>
      %dma_start3A_488 = arith.constant 0 : i32
      %dma_start3A_489 = tpu.memref_slice %arg10[%run_scoped3A, %dma_start3A_488] : memref<5x128xi32, #tpu.memory_space<vmem>> -> memref<1x128xi32, #tpu.memory_space<vmem>>
      %dma_start3A_490 = tpu.memref_squeeze %dma_start3A_489 : memref<1x128xi32, #tpu.memory_space<vmem>> -> memref<128xi32, #tpu.memory_space<vmem>>
      %dma_start3A_491 = arith.constant 0 : i32
      %dma_start3A_492 = arith.constant 0 : i32
      %dma_start3A_493 = tpu.memref_slice %arg11[%dma_start3A_491, %dma_start3A_492] : memref<10240x128xf32, #tpu.memory_space<vmem_shared>> -> memref<10240x128xf32, #tpu.memory_space<vmem_shared>>
      tpu.enqueue_indirect_dma source(%arg8 : memref<128x128xf32, #tpu.memory_space<vmem>>) target(%dma_start3A_493 : memref<10240x128xf32, #tpu.memory_space<vmem_shared>>) offsets(%dma_start3A_490 : memref<128xi32, #tpu.memory_space<vmem>>) semaphore(%run_scoped3A_487 : memref<!tpu.dma_semaphore, #tpu.memory_space<semaphore_mem>>)
      %dma_wait3A_494 = arith.constant 0 : i32
      %dma_wait3A_495 = tpu.memref_slice %arg10[%run_scoped3A, %dma_wait3A_494] : memref<5x128xi32, #tpu.memory_space<vmem>> -> memref<1x128xi32, #tpu.memory_space<vmem>>
      %dma_wait3A_496 = tpu.memref_squeeze %dma_wait3A_495 : memref<1x128xi32, #tpu.memory_space<vmem>> -> memref<128xi32, #tpu.memory_space<vmem>>
      %dma_wait3A_497 = arith.constant 0 : i32
      %dma_wait3A_498 = arith.constant 0 : i32
      %dma_wait3A_499 = tpu.memref_slice %arg11[%dma_wait3A_497, %dma_wait3A_498] : memref<10240x128xf32, #tpu.memory_space<vmem_shared>> -> memref<10240x128xf32, #tpu.memory_space<vmem_shared>>
      tpu.wait_indirect_dma semaphore(%run_scoped3A_487 : memref<!tpu.dma_semaphore, #tpu.memory_space<semaphore_mem>>) src(%arg8 : memref<128x128xf32, #tpu.memory_space<vmem>>) dst(%dma_wait3A_499 : memref<10240x128xf32, #tpu.memory_space<vmem_shared>>)
      tpu.yield
    }) : () -> ()
    %run_scoped3A_408 = arith.constant 1 : i32
    "tpu.region"() ({
      %run_scoped3A_487 = tpu.sem_alloc : memref<!tpu.dma_semaphore, #tpu.memory_space<semaphore_mem>>
      %dma_start3A_488 = arith.constant 0 : i32
      %dma_start3A_489 = tpu.memref_slice %arg10[%run_scoped3A_408, %dma_start3A_488] : memref<5x128xi32, #tpu.memory_space<vmem>> -> memref<1x128xi32, #tpu.memory_space<vmem>>
      %dma_start3A_490 = tpu.memref_squeeze %dma_start3A_489 : memref<1x128xi32, #tpu.memory_space<vmem>> -> memref<128xi32, #tpu.memory_space<vmem>>
      %dma_start3A_491 = arith.constant 0 : i32
      %dma_start3A_492 = arith.constant 0 : i32
      %dma_start3A_493 = tpu.memref_slice %arg11[%dma_start3A_491, %dma_start3A_492] : memref<10240x128xf32, #tpu.memory_space<vmem_shared>> -> memref<10240x128xf32, #tpu.memory_space<vmem_shared>>
      tpu.enqueue_indirect_dma source(%arg8 : memref<128x128xf32, #tpu.memory_space<vmem>>) target(%dma_start3A_493 : memref<10240x128xf32, #tpu.memory_space<vmem_shared>>) offsets(%dma_start3A_490 : memref<128xi32, #tpu.memory_space<vmem>>) semaphore(%run_scoped3A_487 : memref<!tpu.dma_semaphore, #tpu.memory_space<semaphore_mem>>)
      %dma_wait3A_494 = arith.constant 0 : i32
      %dma_wait3A_495 = tpu.memref_slice %arg10[%run_scoped3A_408, %dma_wait3A_494] : memref<5x128xi32, #tpu.memory_space<vmem>> -> memref<1x128xi32, #tpu.memory_space<vmem>>
      %dma_wait3A_496 = tpu.memref_squeeze %dma_wait3A_495 : memref<1x128xi32, #tpu.memory_space<vmem>> -> memref<128xi32, #tpu.memory_space<vmem>>
      %dma_wait3A_497 = arith.constant 0 : i32
      %dma_wait3A_498 = arith.constant 0 : i32
      %dma_wait3A_499 = tpu.memref_slice %arg11[%dma_wait3A_497, %dma_wait3A_498] : memref<10240x128xf32, #tpu.memory_space<vmem_shared>> -> memref<10240x128xf32, #tpu.memory_space<vmem_shared>>
      tpu.wait_indirect_dma semaphore(%run_scoped3A_487 : memref<!tpu.dma_semaphore, #tpu.memory_space<semaphore_mem>>) src(%arg8 : memref<128x128xf32, #tpu.memory_space<vmem>>) dst(%dma_wait3A_499 : memref<10240x128xf32, #tpu.memory_space<vmem_shared>>)
      tpu.yield
    }) : () -> ()
    %run_scoped3A_409 = arith.constant 2 : i32
    "tpu.region"() ({
      %run_scoped3A_487 = tpu.sem_alloc : memref<!tpu.dma_semaphore, #tpu.memory_space<semaphore_mem>>
      %dma_start3A_488 = arith.constant 0 : i32
      %dma_start3A_489 = tpu.memref_slice %arg10[%run_scoped3A_409, %dma_start3A_488] : memref<5x128xi32, #tpu.memory_space<vmem>> -> memref<1x128xi32, #tpu.memory_space<vmem>>
      %dma_start3A_490 = tpu.memref_squeeze %dma_start3A_489 : memref<1x128xi32, #tpu.memory_space<vmem>> -> memref<128xi32, #tpu.memory_space<vmem>>
      %dma_start3A_491 = arith.constant 0 : i32
      %dma_start3A_492 = arith.constant 0 : i32
      %dma_start3A_493 = tpu.memref_slice %arg11[%dma_start3A_491, %dma_start3A_492] : memref<10240x128xf32, #tpu.memory_space<vmem_shared>> -> memref<10240x128xf32, #tpu.memory_space<vmem_shared>>
      tpu.enqueue_indirect_dma source(%arg8 : memref<128x128xf32, #tpu.memory_space<vmem>>) target(%dma_start3A_493 : memref<10240x128xf32, #tpu.memory_space<vmem_shared>>) offsets(%dma_start3A_490 : memref<128xi32, #tpu.memory_space<vmem>>) semaphore(%run_scoped3A_487 : memref<!tpu.dma_semaphore, #tpu.memory_space<semaphore_mem>>)
      %dma_wait3A_494 = arith.constant 0 : i32
      %dma_wait3A_495 = tpu.memref_slice %arg10[%run_scoped3A_409, %dma_wait3A_494] : memref<5x128xi32, #tpu.memory_space<vmem>> -> memref<1x128xi32, #tpu.memory_space<vmem>>
      %dma_wait3A_496 = tpu.memref_squeeze %dma_wait3A_495 : memref<1x128xi32, #tpu.memory_space<vmem>> -> memref<128xi32, #tpu.memory_space<vmem>>
      %dma_wait3A_497 = arith.constant 0 : i32
      %dma_wait3A_498 = arith.constant 0 : i32
      %dma_wait3A_499 = tpu.memref_slice %arg11[%dma_wait3A_497, %dma_wait3A_498] : memref<10240x128xf32, #tpu.memory_space<vmem_shared>> -> memref<10240x128xf32, #tpu.memory_space<vmem_shared>>
      tpu.wait_indirect_dma semaphore(%run_scoped3A_487 : memref<!tpu.dma_semaphore, #tpu.memory_space<semaphore_mem>>) src(%arg8 : memref<128x128xf32, #tpu.memory_space<vmem>>) dst(%dma_wait3A_499 : memref<10240x128xf32, #tpu.memory_space<vmem_shared>>)
      tpu.yield
    }) : () -> ()
    %run_scoped3A_410 = arith.constant 3 : i32
    "tpu.region"() ({
      %run_scoped3A_487 = tpu.sem_alloc : memref<!tpu.dma_semaphore, #tpu.memory_space<semaphore_mem>>
      %dma_start3A_488 = arith.constant 0 : i32
      %dma_start3A_489 = tpu.memref_slice %arg10[%run_scoped3A_410, %dma_start3A_488] : memref<5x128xi32, #tpu.memory_space<vmem>> -> memref<1x128xi32, #tpu.memory_space<vmem>>
      %dma_start3A_490 = tpu.memref_squeeze %dma_start3A_489 : memref<1x128xi32, #tpu.memory_space<vmem>> -> memref<128xi32, #tpu.memory_space<vmem>>
      %dma_start3A_491 = arith.constant 0 : i32
      %dma_start3A_492 = arith.constant 0 : i32
      %dma_start3A_493 = tpu.memref_slice %arg11[%dma_start3A_491, %dma_start3A_492] : memref<10240x128xf32, #tpu.memory_space<vmem_shared>> -> memref<10240x128xf32, #tpu.memory_space<vmem_shared>>
      tpu.enqueue_indirect_dma source(%arg8 : memref<128x128xf32, #tpu.memory_space<vmem>>) target(%dma_start3A_493 : memref<10240x128xf32, #tpu.memory_space<vmem_shared>>) offsets(%dma_start3A_490 : memref<128xi32, #tpu.memory_space<vmem>>) semaphore(%run_scoped3A_487 : memref<!tpu.dma_semaphore, #tpu.memory_space<semaphore_mem>>)
      %dma_wait3A_494 = arith.constant 0 : i32
      %dma_wait3A_495 = tpu.memref_slice %arg10[%run_scoped3A_410, %dma_wait3A_494] : memref<5x128xi32, #tpu.memory_space<vmem>> -> memref<1x128xi32, #tpu.memory_space<vmem>>
      %dma_wait3A_496 = tpu.memref_squeeze %dma_wait3A_495 : memref<1x128xi32, #tpu.memory_space<vmem>> -> memref<128xi32, #tpu.memory_space<vmem>>
      %dma_wait3A_497 = arith.constant 0 : i32
      %dma_wait3A_498 = arith.constant 0 : i32
      %dma_wait3A_499 = tpu.memref_slice %arg11[%dma_wait3A_497, %dma_wait3A_498] : memref<10240x128xf32, #tpu.memory_space<vmem_shared>> -> memref<10240x128xf32, #tpu.memory_space<vmem_shared>>
      tpu.wait_indirect_dma semaphore(%run_scoped3A_487 : memref<!tpu.dma_semaphore, #tpu.memory_space<semaphore_mem>>) src(%arg8 : memref<128x128xf32, #tpu.memory_space<vmem>>) dst(%dma_wait3A_499 : memref<10240x128xf32, #tpu.memory_space<vmem_shared>>)
      tpu.yield
    }) : () -> ()
    %run_scoped3A_411 = arith.constant 4 : i32
    "tpu.region"() ({
      %run_scoped3A_487 = tpu.sem_alloc : memref<!tpu.dma_semaphore, #tpu.memory_space<semaphore_mem>>
      %dma_start3A_488 = arith.constant 0 : i32
      %dma_start3A_489 = tpu.memref_slice %arg10[%run_scoped3A_411, %dma_start3A_488] : memref<5x128xi32, #tpu.memory_space<vmem>> -> memref<1x128xi32, #tpu.memory_space<vmem>>
      %dma_start3A_490 = tpu.memref_squeeze %dma_start3A_489 : memref<1x128xi32, #tpu.memory_space<vmem>> -> memref<128xi32, #tpu.memory_space<vmem>>
      %dma_start3A_491 = arith.constant 0 : i32
      %dma_start3A_492 = arith.constant 0 : i32
      %dma_start3A_493 = tpu.memref_slice %arg11[%dma_start3A_491, %dma_start3A_492] : memref<10240x128xf32, #tpu.memory_space<vmem_shared>> -> memref<10240x128xf32, #tpu.memory_space<vmem_shared>>
      tpu.enqueue_indirect_dma source(%arg8 : memref<128x128xf32, #tpu.memory_space<vmem>>) target(%dma_start3A_493 : memref<10240x128xf32, #tpu.memory_space<vmem_shared>>) offsets(%dma_start3A_490 : memref<128xi32, #tpu.memory_space<vmem>>) semaphore(%run_scoped3A_487 : memref<!tpu.dma_semaphore, #tpu.memory_space<semaphore_mem>>)
      %dma_wait3A_494 = arith.constant 0 : i32
      %dma_wait3A_495 = tpu.memref_slice %arg10[%run_scoped3A_411, %dma_wait3A_494] : memref<5x128xi32, #tpu.memory_space<vmem>> -> memref<1x128xi32, #tpu.memory_space<vmem>>
      %dma_wait3A_496 = tpu.memref_squeeze %dma_wait3A_495 : memref<1x128xi32, #tpu.memory_space<vmem>> -> memref<128xi32, #tpu.memory_space<vmem>>
      %dma_wait3A_497 = arith.constant 0 : i32
      %dma_wait3A_498 = arith.constant 0 : i32
      %dma_wait3A_499 = tpu.memref_slice %arg11[%dma_wait3A_497, %dma_wait3A_498] : memref<10240x128xf32, #tpu.memory_space<vmem_shared>> -> memref<10240x128xf32, #tpu.memory_space<vmem_shared>>
      tpu.wait_indirect_dma semaphore(%run_scoped3A_487 : memref<!tpu.dma_semaphore, #tpu.memory_space<semaphore_mem>>) src(%arg8 : memref<128x128xf32, #tpu.memory_space<vmem>>) dst(%dma_wait3A_499 : memref<10240x128xf32, #tpu.memory_space<vmem_shared>>)
      tpu.yield
    }) : () -> ()
    %barrier3A = arith.constant 0 : index
    tpu.barrier barrier_id(%barrier3A)
    %mul3A_412 = arith.constant 2 : i32
    %mul3A_413 = arith.muli %add3A, %mul3A_412 : i32
    %add3A_414 = arith.constant 0 : i32
    %add3A_415 = arith.addi %mul3A_413, %add3A_414 : i32
    "tpu.region"() ({
      %run_scoped3A_487 = tpu.sem_alloc : memref<!tpu.dma_semaphore, #tpu.memory_space<semaphore_mem>>
      %dma_start3A_488 = arith.constant 0 : i32
      %dma_start3A_489 = arith.constant 0 : i32
      %dma_start3A_490 = tpu.memref_slice %arg3[%add3A_415, %dma_start3A_488, %dma_start3A_489] : memref<64x40x128xi32, #tpu.memory_space<hbm>> -> memref<1x40x128xi32, #tpu.memory_space<hbm>>
      %dma_start3A_491 = tpu.memref_squeeze %dma_start3A_490 : memref<1x40x128xi32, #tpu.memory_space<hbm>> -> memref<40x128xi32, #tpu.memory_space<hbm>>
      %dma_start3A_492 = arith.constant 0 : i32
      %dma_start3A_493 = arith.constant 0 : i32
      %dma_start3A_494 = tpu.memref_slice %arg3[%add3A_415, %dma_start3A_492, %dma_start3A_493] : memref<64x40x128xi32, #tpu.memory_space<hbm>> -> memref<1x40x128xi32, #tpu.memory_space<hbm>>
      %dma_start3A_495 = tpu.memref_squeeze %dma_start3A_494 : memref<1x40x128xi32, #tpu.memory_space<hbm>> -> memref<40x128xi32, #tpu.memory_space<hbm>>
      tpu.enqueue_dma source(%dma_start3A_495 : memref<40x128xi32, #tpu.memory_space<hbm>>) target(%arg6 : memref<40x128xi32, #tpu.memory_space<vmem>>) target_semaphore(%run_scoped3A_487 : memref<!tpu.dma_semaphore, #tpu.memory_space<semaphore_mem>>)
      %dma_wait3A_496 = arith.constant 0 : i32
      %dma_wait3A_497 = arith.constant 0 : i32
      %dma_wait3A_498 = tpu.memref_slice %arg3[%add3A_415, %dma_wait3A_496, %dma_wait3A_497] : memref<64x40x128xi32, #tpu.memory_space<hbm>> -> memref<1x40x128xi32, #tpu.memory_space<hbm>>
      %dma_wait3A_499 = tpu.memref_squeeze %dma_wait3A_498 : memref<1x40x128xi32, #tpu.memory_space<hbm>> -> memref<40x128xi32, #tpu.memory_space<hbm>>
      %dma_wait3A_500 = arith.constant 0 : i32
      %dma_wait3A_501 = arith.constant 0 : i32
      %dma_wait3A_502 = tpu.memref_slice %arg3[%add3A_415, %dma_wait3A_500, %dma_wait3A_501] : memref<64x40x128xi32, #tpu.memory_space<hbm>> -> memref<1x40x128xi32, #tpu.memory_space<hbm>>
      %dma_wait3A_503 = tpu.memref_squeeze %dma_wait3A_502 : memref<1x40x128xi32, #tpu.memory_space<hbm>> -> memref<40x128xi32, #tpu.memory_space<hbm>>
      tpu.wait_dma2 semaphore(%run_scoped3A_487 : memref<!tpu.dma_semaphore, #tpu.memory_space<semaphore_mem>>) src(%dma_wait3A_503 : memref<40x128xi32, #tpu.memory_space<hbm>>) dst(%arg6 : memref<40x128xi32, #tpu.memory_space<vmem>>)
      tpu.yield
    }) : () -> ()
    %mul3A_416 = arith.constant 2 : i32
    %mul3A_417 = arith.muli %add3A, %mul3A_416 : i32
    %add3A_418 = arith.constant 0 : i32
    %add3A_419 = arith.addi %mul3A_417, %add3A_418 : i32
    "tpu.region"() ({
      %run_scoped3A_487 = tpu.sem_alloc : memref<!tpu.dma_semaphore, #tpu.memory_space<semaphore_mem>>
      %dma_start3A_488 = arith.constant 0 : i32
      %dma_start3A_489 = arith.constant 0 : i32
      %dma_start3A_490 = tpu.memref_slice %arg4[%add3A_419, %dma_start3A_488, %dma_start3A_489] : memref<64x40x128xi32, #tpu.memory_space<hbm>> -> memref<1x40x128xi32, #tpu.memory_space<hbm>>
      %dma_start3A_491 = tpu.memref_squeeze %dma_start3A_490 : memref<1x40x128xi32, #tpu.memory_space<hbm>> -> memref<40x128xi32, #tpu.memory_space<hbm>>
      %dma_start3A_492 = arith.constant 0 : i32
      %dma_start3A_493 = arith.constant 0 : i32
      %dma_start3A_494 = tpu.memref_slice %arg4[%add3A_419, %dma_start3A_492, %dma_start3A_493] : memref<64x40x128xi32, #tpu.memory_space<hbm>> -> memref<1x40x128xi32, #tpu.memory_space<hbm>>
      %dma_start3A_495 = tpu.memref_squeeze %dma_start3A_494 : memref<1x40x128xi32, #tpu.memory_space<hbm>> -> memref<40x128xi32, #tpu.memory_space<hbm>>
      tpu.enqueue_dma source(%dma_start3A_495 : memref<40x128xi32, #tpu.memory_space<hbm>>) target(%arg7 : memref<40x128xi32, #tpu.memory_space<vmem>>) target_semaphore(%run_scoped3A_487 : memref<!tpu.dma_semaphore, #tpu.memory_space<semaphore_mem>>)
      %dma_wait3A_496 = arith.constant 0 : i32
      %dma_wait3A_497 = arith.constant 0 : i32
      %dma_wait3A_498 = tpu.memref_slice %arg4[%add3A_419, %dma_wait3A_496, %dma_wait3A_497] : memref<64x40x128xi32, #tpu.memory_space<hbm>> -> memref<1x40x128xi32, #tpu.memory_space<hbm>>
      %dma_wait3A_499 = tpu.memref_squeeze %dma_wait3A_498 : memref<1x40x128xi32, #tpu.memory_space<hbm>> -> memref<40x128xi32, #tpu.memory_space<hbm>>
      %dma_wait3A_500 = arith.constant 0 : i32
      %dma_wait3A_501 = arith.constant 0 : i32
      %dma_wait3A_502 = tpu.memref_slice %arg4[%add3A_419, %dma_wait3A_500, %dma_wait3A_501] : memref<64x40x128xi32, #tpu.memory_space<hbm>> -> memref<1x40x128xi32, #tpu.memory_space<hbm>>
      %dma_wait3A_503 = tpu.memref_squeeze %dma_wait3A_502 : memref<1x40x128xi32, #tpu.memory_space<hbm>> -> memref<40x128xi32, #tpu.memory_space<hbm>>
      tpu.wait_dma2 semaphore(%run_scoped3A_487 : memref<!tpu.dma_semaphore, #tpu.memory_space<semaphore_mem>>) src(%dma_wait3A_503 : memref<40x128xi32, #tpu.memory_space<hbm>>) dst(%arg7 : memref<40x128xi32, #tpu.memory_space<vmem>>)
      tpu.yield
    }) : () -> ()
    %dma_start3A = arith.constant 0 : i32
    %dma_start3A_420 = arith.constant 0 : i32
    %dma_start3A_421 = tpu.memref_slice %arg6[%dma_start3A, %dma_start3A_420] : memref<40x128xi32, #tpu.memory_space<vmem>> -> memref<1x128xi32, #tpu.memory_space<vmem>>
    %dma_start3A_422 = tpu.memref_squeeze %dma_start3A_421 : memref<1x128xi32, #tpu.memory_space<vmem>> -> memref<128xi32, #tpu.memory_space<vmem>>
    %dma_start3A_423 = arith.constant 0 : i32
    %dma_start3A_424 = arith.constant 0 : i32
    %dma_start3A_425 = tpu.memref_slice %arg2[%dma_start3A_423, %dma_start3A_424] : memref<10240x128xf32, #tpu.memory_space<hbm>> -> memref<10240x128xf32, #tpu.memory_space<hbm>>
    tpu.enqueue_indirect_dma source(%dma_start3A_425 : memref<10240x128xf32, #tpu.memory_space<hbm>>) target(%arg8 : memref<128x128xf32, #tpu.memory_space<vmem>>) offsets(%dma_start3A_422 : memref<128xi32, #tpu.memory_space<vmem>>) semaphore(%arg12 : memref<!tpu.dma_semaphore, #tpu.memory_space<semaphore_mem>>)
    %scan3A_426 = arith.constant 0 : i32
    %scan3A_427 = arith.constant 0 : i32
    %scan3A_428 = arith.constant 20 : i32
    %scan3A_429 = arith.addi %scan3A_427, %scan3A_428 : i32
    %scan3A_430 = arith.constant 1 : i32
    scf.for %scan3A_487 = %scan3A_427 to %scan3A_429 step %scan3A_430  : i32 {
      %mul3A_488 = arith.constant 2 : i32
      %mul3A_489 = arith.muli %mul3A_488, %scan3A_487 : i32
      %add3A_490 = arith.constant 1 : i32
      %add3A_491 = arith.addi %mul3A_489, %add3A_490 : i32
      %dma_start3A_492 = arith.constant 0 : i32
      %dma_start3A_493 = tpu.memref_slice %arg6[%add3A_491, %dma_start3A_492] : memref<40x128xi32, #tpu.memory_space<vmem>> -> memref<1x128xi32, #tpu.memory_space<vmem>>
      %dma_start3A_494 = tpu.memref_squeeze %dma_start3A_493 : memref<1x128xi32, #tpu.memory_space<vmem>> -> memref<128xi32, #tpu.memory_space<vmem>>
      %dma_start3A_495 = arith.constant 0 : i32
      %dma_start3A_496 = arith.constant 0 : i32
      %dma_start3A_497 = tpu.memref_slice %arg2[%dma_start3A_495, %dma_start3A_496] : memref<10240x128xf32, #tpu.memory_space<hbm>> -> memref<10240x128xf32, #tpu.memory_space<hbm>>
      tpu.enqueue_indirect_dma source(%dma_start3A_497 : memref<10240x128xf32, #tpu.memory_space<hbm>>) target(%arg9 : memref<128x128xf32, #tpu.memory_space<vmem>>) offsets(%dma_start3A_494 : memref<128xi32, #tpu.memory_space<vmem>>) semaphore(%arg13 : memref<!tpu.dma_semaphore, #tpu.memory_space<semaphore_mem>>)
      %dma_wait3A_498 = arith.constant 0 : i32
      %dma_wait3A_499 = tpu.memref_slice %arg6[%mul3A_489, %dma_wait3A_498] : memref<40x128xi32, #tpu.memory_space<vmem>> -> memref<1x128xi32, #tpu.memory_space<vmem>>
      %dma_wait3A_500 = tpu.memref_squeeze %dma_wait3A_499 : memref<1x128xi32, #tpu.memory_space<vmem>> -> memref<128xi32, #tpu.memory_space<vmem>>
      %dma_wait3A_501 = arith.constant 0 : i32
      %dma_wait3A_502 = arith.constant 0 : i32
      %dma_wait3A_503 = tpu.memref_slice %arg2[%dma_wait3A_501, %dma_wait3A_502] : memref<10240x128xf32, #tpu.memory_space<hbm>> -> memref<10240x128xf32, #tpu.memory_space<hbm>>
      tpu.wait_indirect_dma semaphore(%arg12 : memref<!tpu.dma_semaphore, #tpu.memory_space<semaphore_mem>>) src(%dma_wait3A_503 : memref<10240x128xf32, #tpu.memory_space<hbm>>) dst(%arg8 : memref<128x128xf32, #tpu.memory_space<vmem>>)
      "tpu.region"() ({
        %run_scoped3A_521 = tpu.sem_alloc : memref<!tpu.dma_semaphore, #tpu.memory_space<semaphore_mem>>
        %dma_start3A_522 = arith.constant 0 : i32
        %dma_start3A_523 = tpu.memref_slice %arg7[%mul3A_489, %dma_start3A_522] : memref<40x128xi32, #tpu.memory_space<vmem>> -> memref<1x128xi32, #tpu.memory_space<vmem>>
        %dma_start3A_524 = tpu.memref_squeeze %dma_start3A_523 : memref<1x128xi32, #tpu.memory_space<vmem>> -> memref<128xi32, #tpu.memory_space<vmem>>
        %dma_start3A_525 = arith.constant 0 : i32
        %dma_start3A_526 = arith.constant 0 : i32
        %dma_start3A_527 = tpu.memref_slice %arg11[%dma_start3A_525, %dma_start3A_526] : memref<10240x128xf32, #tpu.memory_space<vmem_shared>> -> memref<10240x128xf32, #tpu.memory_space<vmem_shared>>
        tpu.enqueue_indirect_dma source(%arg8 : memref<128x128xf32, #tpu.memory_space<vmem>>) target(%dma_start3A_527 : memref<10240x128xf32, #tpu.memory_space<vmem_shared>>) offsets(%dma_start3A_524 : memref<128xi32, #tpu.memory_space<vmem>>) semaphore(%run_scoped3A_521 : memref<!tpu.dma_semaphore, #tpu.memory_space<semaphore_mem>>) {add = true}
        %dma_wait3A_528 = arith.constant 0 : i32
        %dma_wait3A_529 = tpu.memref_slice %arg7[%mul3A_489, %dma_wait3A_528] : memref<40x128xi32, #tpu.memory_space<vmem>> -> memref<1x128xi32, #tpu.memory_space<vmem>>
        %dma_wait3A_530 = tpu.memref_squeeze %dma_wait3A_529 : memref<1x128xi32, #tpu.memory_space<vmem>> -> memref<128xi32, #tpu.memory_space<vmem>>
        %dma_wait3A_531 = arith.constant 0 : i32
        %dma_wait3A_532 = arith.constant 0 : i32
        %dma_wait3A_533 = tpu.memref_slice %arg11[%dma_wait3A_531, %dma_wait3A_532] : memref<10240x128xf32, #tpu.memory_space<vmem_shared>> -> memref<10240x128xf32, #tpu.memory_space<vmem_shared>>
        tpu.wait_indirect_dma semaphore(%run_scoped3A_521 : memref<!tpu.dma_semaphore, #tpu.memory_space<semaphore_mem>>) src(%arg8 : memref<128x128xf32, #tpu.memory_space<vmem>>) dst(%dma_wait3A_533 : memref<10240x128xf32, #tpu.memory_space<vmem_shared>>)
        tpu.yield
      }) : () -> ()
      %add3A_504 = arith.constant 1 : i32
      %add3A_505 = arith.addi %add3A_491, %add3A_504 : i32
      %lt3A = arith.constant 40 : i32
      %lt3A_506 = arith.cmpi slt, %add3A_505, %lt3A : i32
      %add3A_507 = arith.constant 1 : i32
      %add3A_508 = arith.addi %add3A_491, %add3A_507 : i32
      %jit3A = arith.constant 0 : i32
      %select_n3A = arith.select %lt3A_506, %add3A_508, %jit3A : i32
      %dma_start3A_509 = arith.constant 0 : i32
      %dma_start3A_510 = tpu.memref_slice %arg6[%select_n3A, %dma_start3A_509] : memref<40x128xi32, #tpu.memory_space<vmem>> -> memref<1x128xi32, #tpu.memory_space<vmem>>
      %dma_start3A_511 = tpu.memref_squeeze %dma_start3A_510 : memref<1x128xi32, #tpu.memory_space<vmem>> -> memref<128xi32, #tpu.memory_space<vmem>>
      %dma_start3A_512 = arith.constant 0 : i32
      %dma_start3A_513 = arith.constant 0 : i32
      %dma_start3A_514 = tpu.memref_slice %arg2[%dma_start3A_512, %dma_start3A_513] : memref<10240x128xf32, #tpu.memory_space<hbm>> -> memref<10240x128xf32, #tpu.memory_space<hbm>>
      tpu.enqueue_indirect_dma source(%dma_start3A_514 : memref<10240x128xf32, #tpu.memory_space<hbm>>) target(%arg8 : memref<128x128xf32, #tpu.memory_space<vmem>>) offsets(%dma_start3A_511 : memref<128xi32, #tpu.memory_space<vmem>>) semaphore(%arg12 : memref<!tpu.dma_semaphore, #tpu.memory_space<semaphore_mem>>)
      %dma_wait3A_515 = arith.constant 0 : i32
      %dma_wait3A_516 = tpu.memref_slice %arg6[%add3A_491, %dma_wait3A_515] : memref<40x128xi32, #tpu.memory_space<vmem>> -> memref<1x128xi32, #tpu.memory_space<vmem>>
      %dma_wait3A_517 = tpu.memref_squeeze %dma_wait3A_516 : memref<1x128xi32, #tpu.memory_space<vmem>> -> memref<128xi32, #tpu.memory_space<vmem>>
      %dma_wait3A_518 = arith.constant 0 : i32
      %dma_wait3A_519 = arith.constant 0 : i32
      %dma_wait3A_520 = tpu.memref_slice %arg2[%dma_wait3A_518, %dma_wait3A_519] : memref<10240x128xf32, #tpu.memory_space<hbm>> -> memref<10240x128xf32, #tpu.memory_space<hbm>>
      tpu.wait_indirect_dma semaphore(%arg13 : memref<!tpu.dma_semaphore, #tpu.memory_space<semaphore_mem>>) src(%dma_wait3A_520 : memref<10240x128xf32, #tpu.memory_space<hbm>>) dst(%arg9 : memref<128x128xf32, #tpu.memory_space<vmem>>)
      "tpu.region"() ({
        %run_scoped3A_521 = tpu.sem_alloc : memref<!tpu.dma_semaphore, #tpu.memory_space<semaphore_mem>>
        %dma_start3A_522 = arith.constant 0 : i32
        %dma_start3A_523 = tpu.memref_slice %arg7[%add3A_491, %dma_start3A_522] : memref<40x128xi32, #tpu.memory_space<vmem>> -> memref<1x128xi32, #tpu.memory_space<vmem>>
        %dma_start3A_524 = tpu.memref_squeeze %dma_start3A_523 : memref<1x128xi32, #tpu.memory_space<vmem>> -> memref<128xi32, #tpu.memory_space<vmem>>
        %dma_start3A_525 = arith.constant 0 : i32
        %dma_start3A_526 = arith.constant 0 : i32
        %dma_start3A_527 = tpu.memref_slice %arg11[%dma_start3A_525, %dma_start3A_526] : memref<10240x128xf32, #tpu.memory_space<vmem_shared>> -> memref<10240x128xf32, #tpu.memory_space<vmem_shared>>
        tpu.enqueue_indirect_dma source(%arg9 : memref<128x128xf32, #tpu.memory_space<vmem>>) target(%dma_start3A_527 : memref<10240x128xf32, #tpu.memory_space<vmem_shared>>) offsets(%dma_start3A_524 : memref<128xi32, #tpu.memory_space<vmem>>) semaphore(%run_scoped3A_521 : memref<!tpu.dma_semaphore, #tpu.memory_space<semaphore_mem>>) {add = true}
        %dma_wait3A_528 = arith.constant 0 : i32
        %dma_wait3A_529 = tpu.memref_slice %arg7[%add3A_491, %dma_wait3A_528] : memref<40x128xi32, #tpu.memory_space<vmem>> -> memref<1x128xi32, #tpu.memory_space<vmem>>
        %dma_wait3A_530 = tpu.memref_squeeze %dma_wait3A_529 : memref<1x128xi32, #tpu.memory_space<vmem>> -> memref<128xi32, #tpu.memory_space<vmem>>
        %dma_wait3A_531 = arith.constant 0 : i32
        %dma_wait3A_532 = arith.constant 0 : i32
        %dma_wait3A_533 = tpu.memref_slice %arg11[%dma_wait3A_531, %dma_wait3A_532] : memref<10240x128xf32, #tpu.memory_space<vmem_shared>> -> memref<10240x128xf32, #tpu.memory_space<vmem_shared>>
        tpu.wait_indirect_dma semaphore(%run_scoped3A_521 : memref<!tpu.dma_semaphore, #tpu.memory_space<semaphore_mem>>) src(%arg9 : memref<128x128xf32, #tpu.memory_space<vmem>>) dst(%dma_wait3A_533 : memref<10240x128xf32, #tpu.memory_space<vmem_shared>>)
        tpu.yield
      }) : () -> ()
    }
    %scan3A_431 = arith.constant 20 : i32
    %dma_wait3A = arith.constant 0 : i32
    %dma_wait3A_432 = arith.constant 0 : i32
    %dma_wait3A_433 = tpu.memref_slice %arg6[%dma_wait3A, %dma_wait3A_432] : memref<40x128xi32, #tpu.memory_space<vmem>> -> memref<1x128xi32, #tpu.memory_space<vmem>>
    %dma_wait3A_434 = tpu.memref_squeeze %dma_wait3A_433 : memref<1x128xi32, #tpu.memory_space<vmem>> -> memref<128xi32, #tpu.memory_space<vmem>>
    %dma_wait3A_435 = arith.constant 0 : i32
    %dma_wait3A_436 = arith.constant 0 : i32
    %dma_wait3A_437 = tpu.memref_slice %arg2[%dma_wait3A_435, %dma_wait3A_436] : memref<10240x128xf32, #tpu.memory_space<hbm>> -> memref<10240x128xf32, #tpu.memory_space<hbm>>
    tpu.wait_indirect_dma semaphore(%arg12 : memref<!tpu.dma_semaphore, #tpu.memory_space<semaphore_mem>>) src(%dma_wait3A_437 : memref<10240x128xf32, #tpu.memory_space<hbm>>) dst(%arg8 : memref<128x128xf32, #tpu.memory_space<vmem>>)
    %mul3A_438 = arith.constant 2 : i32
    %mul3A_439 = arith.muli %add3A, %mul3A_438 : i32
    %add3A_440 = arith.constant 1 : i32
    %add3A_441 = arith.addi %mul3A_439, %add3A_440 : i32
    "tpu.region"() ({
      %run_scoped3A_487 = tpu.sem_alloc : memref<!tpu.dma_semaphore, #tpu.memory_space<semaphore_mem>>
      %dma_start3A_488 = arith.constant 0 : i32
      %dma_start3A_489 = arith.constant 0 : i32
      %dma_start3A_490 = tpu.memref_slice %arg3[%add3A_441, %dma_start3A_488, %dma_start3A_489] : memref<64x40x128xi32, #tpu.memory_space<hbm>> -> memref<1x40x128xi32, #tpu.memory_space<hbm>>
      %dma_start3A_491 = tpu.memref_squeeze %dma_start3A_490 : memref<1x40x128xi32, #tpu.memory_space<hbm>> -> memref<40x128xi32, #tpu.memory_space<hbm>>
      %dma_start3A_492 = arith.constant 0 : i32
      %dma_start3A_493 = arith.constant 0 : i32
      %dma_start3A_494 = tpu.memref_slice %arg3[%add3A_441, %dma_start3A_492, %dma_start3A_493] : memref<64x40x128xi32, #tpu.memory_space<hbm>> -> memref<1x40x128xi32, #tpu.memory_space<hbm>>
      %dma_start3A_495 = tpu.memref_squeeze %dma_start3A_494 : memref<1x40x128xi32, #tpu.memory_space<hbm>> -> memref<40x128xi32, #tpu.memory_space<hbm>>
      tpu.enqueue_dma source(%dma_start3A_495 : memref<40x128xi32, #tpu.memory_space<hbm>>) target(%arg6 : memref<40x128xi32, #tpu.memory_space<vmem>>) target_semaphore(%run_scoped3A_487 : memref<!tpu.dma_semaphore, #tpu.memory_space<semaphore_mem>>)
      %dma_wait3A_496 = arith.constant 0 : i32
      %dma_wait3A_497 = arith.constant 0 : i32
      %dma_wait3A_498 = tpu.memref_slice %arg3[%add3A_441, %dma_wait3A_496, %dma_wait3A_497] : memref<64x40x128xi32, #tpu.memory_space<hbm>> -> memref<1x40x128xi32, #tpu.memory_space<hbm>>
      %dma_wait3A_499 = tpu.memref_squeeze %dma_wait3A_498 : memref<1x40x128xi32, #tpu.memory_space<hbm>> -> memref<40x128xi32, #tpu.memory_space<hbm>>
      %dma_wait3A_500 = arith.constant 0 : i32
      %dma_wait3A_501 = arith.constant 0 : i32
      %dma_wait3A_502 = tpu.memref_slice %arg3[%add3A_441, %dma_wait3A_500, %dma_wait3A_501] : memref<64x40x128xi32, #tpu.memory_space<hbm>> -> memref<1x40x128xi32, #tpu.memory_space<hbm>>
      %dma_wait3A_503 = tpu.memref_squeeze %dma_wait3A_502 : memref<1x40x128xi32, #tpu.memory_space<hbm>> -> memref<40x128xi32, #tpu.memory_space<hbm>>
      tpu.wait_dma2 semaphore(%run_scoped3A_487 : memref<!tpu.dma_semaphore, #tpu.memory_space<semaphore_mem>>) src(%dma_wait3A_503 : memref<40x128xi32, #tpu.memory_space<hbm>>) dst(%arg6 : memref<40x128xi32, #tpu.memory_space<vmem>>)
      tpu.yield
    }) : () -> ()
    %mul3A_442 = arith.constant 2 : i32
    %mul3A_443 = arith.muli %add3A, %mul3A_442 : i32
    %add3A_444 = arith.constant 1 : i32
    %add3A_445 = arith.addi %mul3A_443, %add3A_444 : i32
    "tpu.region"() ({
      %run_scoped3A_487 = tpu.sem_alloc : memref<!tpu.dma_semaphore, #tpu.memory_space<semaphore_mem>>
      %dma_start3A_488 = arith.constant 0 : i32
      %dma_start3A_489 = arith.constant 0 : i32
      %dma_start3A_490 = tpu.memref_slice %arg4[%add3A_445, %dma_start3A_488, %dma_start3A_489] : memref<64x40x128xi32, #tpu.memory_space<hbm>> -> memref<1x40x128xi32, #tpu.memory_space<hbm>>
      %dma_start3A_491 = tpu.memref_squeeze %dma_start3A_490 : memref<1x40x128xi32, #tpu.memory_space<hbm>> -> memref<40x128xi32, #tpu.memory_space<hbm>>
      %dma_start3A_492 = arith.constant 0 : i32
      %dma_start3A_493 = arith.constant 0 : i32
      %dma_start3A_494 = tpu.memref_slice %arg4[%add3A_445, %dma_start3A_492, %dma_start3A_493] : memref<64x40x128xi32, #tpu.memory_space<hbm>> -> memref<1x40x128xi32, #tpu.memory_space<hbm>>
      %dma_start3A_495 = tpu.memref_squeeze %dma_start3A_494 : memref<1x40x128xi32, #tpu.memory_space<hbm>> -> memref<40x128xi32, #tpu.memory_space<hbm>>
      tpu.enqueue_dma source(%dma_start3A_495 : memref<40x128xi32, #tpu.memory_space<hbm>>) target(%arg7 : memref<40x128xi32, #tpu.memory_space<vmem>>) target_semaphore(%run_scoped3A_487 : memref<!tpu.dma_semaphore, #tpu.memory_space<semaphore_mem>>)
      %dma_wait3A_496 = arith.constant 0 : i32
      %dma_wait3A_497 = arith.constant 0 : i32
      %dma_wait3A_498 = tpu.memref_slice %arg4[%add3A_445, %dma_wait3A_496, %dma_wait3A_497] : memref<64x40x128xi32, #tpu.memory_space<hbm>> -> memref<1x40x128xi32, #tpu.memory_space<hbm>>
      %dma_wait3A_499 = tpu.memref_squeeze %dma_wait3A_498 : memref<1x40x128xi32, #tpu.memory_space<hbm>> -> memref<40x128xi32, #tpu.memory_space<hbm>>
      %dma_wait3A_500 = arith.constant 0 : i32
      %dma_wait3A_501 = arith.constant 0 : i32
      %dma_wait3A_502 = tpu.memref_slice %arg4[%add3A_445, %dma_wait3A_500, %dma_wait3A_501] : memref<64x40x128xi32, #tpu.memory_space<hbm>> -> memref<1x40x128xi32, #tpu.memory_space<hbm>>
      %dma_wait3A_503 = tpu.memref_squeeze %dma_wait3A_502 : memref<1x40x128xi32, #tpu.memory_space<hbm>> -> memref<40x128xi32, #tpu.memory_space<hbm>>
      tpu.wait_dma2 semaphore(%run_scoped3A_487 : memref<!tpu.dma_semaphore, #tpu.memory_space<semaphore_mem>>) src(%dma_wait3A_503 : memref<40x128xi32, #tpu.memory_space<hbm>>) dst(%arg7 : memref<40x128xi32, #tpu.memory_space<vmem>>)
      tpu.yield
    }) : () -> ()
    %dma_start3A_446 = arith.constant 0 : i32
    %dma_start3A_447 = arith.constant 0 : i32
    %dma_start3A_448 = tpu.memref_slice %arg6[%dma_start3A_446, %dma_start3A_447] : memref<40x128xi32, #tpu.memory_space<vmem>> -> memref<1x128xi32, #tpu.memory_space<vmem>>
    %dma_start3A_449 = tpu.memref_squeeze %dma_start3A_448 : memref<1x128xi32, #tpu.memory_space<vmem>> -> memref<128xi32, #tpu.memory_space<vmem>>
    %dma_start3A_450 = arith.constant 0 : i32
    %dma_start3A_451 = arith.constant 0 : i32
    %dma_start3A_452 = tpu.memref_slice %arg2[%dma_start3A_450, %dma_start3A_451] : memref<10240x128xf32, #tpu.memory_space<hbm>> -> memref<10240x128xf32, #tpu.memory_space<hbm>>
    tpu.enqueue_indirect_dma source(%dma_start3A_452 : memref<10240x128xf32, #tpu.memory_space<hbm>>) target(%arg8 : memref<128x128xf32, #tpu.memory_space<vmem>>) offsets(%dma_start3A_449 : memref<128xi32, #tpu.memory_space<vmem>>) semaphore(%arg12 : memref<!tpu.dma_semaphore, #tpu.memory_space<semaphore_mem>>)
    %scan3A_453 = arith.constant 0 : i32
    %scan3A_454 = arith.constant 0 : i32
    %scan3A_455 = arith.constant 20 : i32
    %scan3A_456 = arith.addi %scan3A_454, %scan3A_455 : i32
    %scan3A_457 = arith.constant 1 : i32
    scf.for %scan3A_487 = %scan3A_454 to %scan3A_456 step %scan3A_457  : i32 {
      %mul3A_488 = arith.constant 2 : i32
      %mul3A_489 = arith.muli %mul3A_488, %scan3A_487 : i32
      %add3A_490 = arith.constant 1 : i32
      %add3A_491 = arith.addi %mul3A_489, %add3A_490 : i32
      %dma_start3A_492 = arith.constant 0 : i32
      %dma_start3A_493 = tpu.memref_slice %arg6[%add3A_491, %dma_start3A_492] : memref<40x128xi32, #tpu.memory_space<vmem>> -> memref<1x128xi32, #tpu.memory_space<vmem>>
      %dma_start3A_494 = tpu.memref_squeeze %dma_start3A_493 : memref<1x128xi32, #tpu.memory_space<vmem>> -> memref<128xi32, #tpu.memory_space<vmem>>
      %dma_start3A_495 = arith.constant 0 : i32
      %dma_start3A_496 = arith.constant 0 : i32
      %dma_start3A_497 = tpu.memref_slice %arg2[%dma_start3A_495, %dma_start3A_496] : memref<10240x128xf32, #tpu.memory_space<hbm>> -> memref<10240x128xf32, #tpu.memory_space<hbm>>
      tpu.enqueue_indirect_dma source(%dma_start3A_497 : memref<10240x128xf32, #tpu.memory_space<hbm>>) target(%arg9 : memref<128x128xf32, #tpu.memory_space<vmem>>) offsets(%dma_start3A_494 : memref<128xi32, #tpu.memory_space<vmem>>) semaphore(%arg13 : memref<!tpu.dma_semaphore, #tpu.memory_space<semaphore_mem>>)
      %dma_wait3A_498 = arith.constant 0 : i32
      %dma_wait3A_499 = tpu.memref_slice %arg6[%mul3A_489, %dma_wait3A_498] : memref<40x128xi32, #tpu.memory_space<vmem>> -> memref<1x128xi32, #tpu.memory_space<vmem>>
      %dma_wait3A_500 = tpu.memref_squeeze %dma_wait3A_499 : memref<1x128xi32, #tpu.memory_space<vmem>> -> memref<128xi32, #tpu.memory_space<vmem>>
      %dma_wait3A_501 = arith.constant 0 : i32
      %dma_wait3A_502 = arith.constant 0 : i32
      %dma_wait3A_503 = tpu.memref_slice %arg2[%dma_wait3A_501, %dma_wait3A_502] : memref<10240x128xf32, #tpu.memory_space<hbm>> -> memref<10240x128xf32, #tpu.memory_space<hbm>>
      tpu.wait_indirect_dma semaphore(%arg12 : memref<!tpu.dma_semaphore, #tpu.memory_space<semaphore_mem>>) src(%dma_wait3A_503 : memref<10240x128xf32, #tpu.memory_space<hbm>>) dst(%arg8 : memref<128x128xf32, #tpu.memory_space<vmem>>)
      "tpu.region"() ({
        %run_scoped3A_521 = tpu.sem_alloc : memref<!tpu.dma_semaphore, #tpu.memory_space<semaphore_mem>>
        %dma_start3A_522 = arith.constant 0 : i32
        %dma_start3A_523 = tpu.memref_slice %arg7[%mul3A_489, %dma_start3A_522] : memref<40x128xi32, #tpu.memory_space<vmem>> -> memref<1x128xi32, #tpu.memory_space<vmem>>
        %dma_start3A_524 = tpu.memref_squeeze %dma_start3A_523 : memref<1x128xi32, #tpu.memory_space<vmem>> -> memref<128xi32, #tpu.memory_space<vmem>>
        %dma_start3A_525 = arith.constant 0 : i32
        %dma_start3A_526 = arith.constant 0 : i32
        %dma_start3A_527 = tpu.memref_slice %arg11[%dma_start3A_525, %dma_start3A_526] : memref<10240x128xf32, #tpu.memory_space<vmem_shared>> -> memref<10240x128xf32, #tpu.memory_space<vmem_shared>>
        tpu.enqueue_indirect_dma source(%arg8 : memref<128x128xf32, #tpu.memory_space<vmem>>) target(%dma_start3A_527 : memref<10240x128xf32, #tpu.memory_space<vmem_shared>>) offsets(%dma_start3A_524 : memref<128xi32, #tpu.memory_space<vmem>>) semaphore(%run_scoped3A_521 : memref<!tpu.dma_semaphore, #tpu.memory_space<semaphore_mem>>) {add = true}
        %dma_wait3A_528 = arith.constant 0 : i32
        %dma_wait3A_529 = tpu.memref_slice %arg7[%mul3A_489, %dma_wait3A_528] : memref<40x128xi32, #tpu.memory_space<vmem>> -> memref<1x128xi32, #tpu.memory_space<vmem>>
        %dma_wait3A_530 = tpu.memref_squeeze %dma_wait3A_529 : memref<1x128xi32, #tpu.memory_space<vmem>> -> memref<128xi32, #tpu.memory_space<vmem>>
        %dma_wait3A_531 = arith.constant 0 : i32
        %dma_wait3A_532 = arith.constant 0 : i32
        %dma_wait3A_533 = tpu.memref_slice %arg11[%dma_wait3A_531, %dma_wait3A_532] : memref<10240x128xf32, #tpu.memory_space<vmem_shared>> -> memref<10240x128xf32, #tpu.memory_space<vmem_shared>>
        tpu.wait_indirect_dma semaphore(%run_scoped3A_521 : memref<!tpu.dma_semaphore, #tpu.memory_space<semaphore_mem>>) src(%arg8 : memref<128x128xf32, #tpu.memory_space<vmem>>) dst(%dma_wait3A_533 : memref<10240x128xf32, #tpu.memory_space<vmem_shared>>)
        tpu.yield
      }) : () -> ()
      %add3A_504 = arith.constant 1 : i32
      %add3A_505 = arith.addi %add3A_491, %add3A_504 : i32
      %lt3A = arith.constant 40 : i32
      %lt3A_506 = arith.cmpi slt, %add3A_505, %lt3A : i32
      %add3A_507 = arith.constant 1 : i32
      %add3A_508 = arith.addi %add3A_491, %add3A_507 : i32
      %jit3A = arith.constant 0 : i32
      %select_n3A = arith.select %lt3A_506, %add3A_508, %jit3A : i32
      %dma_start3A_509 = arith.constant 0 : i32
      %dma_start3A_510 = tpu.memref_slice %arg6[%select_n3A, %dma_start3A_509] : memref<40x128xi32, #tpu.memory_space<vmem>> -> memref<1x128xi32, #tpu.memory_space<vmem>>
      %dma_start3A_511 = tpu.memref_squeeze %dma_start3A_510 : memref<1x128xi32, #tpu.memory_space<vmem>> -> memref<128xi32, #tpu.memory_space<vmem>>
      %dma_start3A_512 = arith.constant 0 : i32
      %dma_start3A_513 = arith.constant 0 : i32
      %dma_start3A_514 = tpu.memref_slice %arg2[%dma_start3A_512, %dma_start3A_513] : memref<10240x128xf32, #tpu.memory_space<hbm>> -> memref<10240x128xf32, #tpu.memory_space<hbm>>
      tpu.enqueue_indirect_dma source(%dma_start3A_514 : memref<10240x128xf32, #tpu.memory_space<hbm>>) target(%arg8 : memref<128x128xf32, #tpu.memory_space<vmem>>) offsets(%dma_start3A_511 : memref<128xi32, #tpu.memory_space<vmem>>) semaphore(%arg12 : memref<!tpu.dma_semaphore, #tpu.memory_space<semaphore_mem>>)
      %dma_wait3A_515 = arith.constant 0 : i32
      %dma_wait3A_516 = tpu.memref_slice %arg6[%add3A_491, %dma_wait3A_515] : memref<40x128xi32, #tpu.memory_space<vmem>> -> memref<1x128xi32, #tpu.memory_space<vmem>>
      %dma_wait3A_517 = tpu.memref_squeeze %dma_wait3A_516 : memref<1x128xi32, #tpu.memory_space<vmem>> -> memref<128xi32, #tpu.memory_space<vmem>>
      %dma_wait3A_518 = arith.constant 0 : i32
      %dma_wait3A_519 = arith.constant 0 : i32
      %dma_wait3A_520 = tpu.memref_slice %arg2[%dma_wait3A_518, %dma_wait3A_519] : memref<10240x128xf32, #tpu.memory_space<hbm>> -> memref<10240x128xf32, #tpu.memory_space<hbm>>
      tpu.wait_indirect_dma semaphore(%arg13 : memref<!tpu.dma_semaphore, #tpu.memory_space<semaphore_mem>>) src(%dma_wait3A_520 : memref<10240x128xf32, #tpu.memory_space<hbm>>) dst(%arg9 : memref<128x128xf32, #tpu.memory_space<vmem>>)
      "tpu.region"() ({
        %run_scoped3A_521 = tpu.sem_alloc : memref<!tpu.dma_semaphore, #tpu.memory_space<semaphore_mem>>
        %dma_start3A_522 = arith.constant 0 : i32
        %dma_start3A_523 = tpu.memref_slice %arg7[%add3A_491, %dma_start3A_522] : memref<40x128xi32, #tpu.memory_space<vmem>> -> memref<1x128xi32, #tpu.memory_space<vmem>>
        %dma_start3A_524 = tpu.memref_squeeze %dma_start3A_523 : memref<1x128xi32, #tpu.memory_space<vmem>> -> memref<128xi32, #tpu.memory_space<vmem>>
        %dma_start3A_525 = arith.constant 0 : i32
        %dma_start3A_526 = arith.constant 0 : i32
        %dma_start3A_527 = tpu.memref_slice %arg11[%dma_start3A_525, %dma_start3A_526] : memref<10240x128xf32, #tpu.memory_space<vmem_shared>> -> memref<10240x128xf32, #tpu.memory_space<vmem_shared>>
        tpu.enqueue_indirect_dma source(%arg9 : memref<128x128xf32, #tpu.memory_space<vmem>>) target(%dma_start3A_527 : memref<10240x128xf32, #tpu.memory_space<vmem_shared>>) offsets(%dma_start3A_524 : memref<128xi32, #tpu.memory_space<vmem>>) semaphore(%run_scoped3A_521 : memref<!tpu.dma_semaphore, #tpu.memory_space<semaphore_mem>>) {add = true}
        %dma_wait3A_528 = arith.constant 0 : i32
        %dma_wait3A_529 = tpu.memref_slice %arg7[%add3A_491, %dma_wait3A_528] : memref<40x128xi32, #tpu.memory_space<vmem>> -> memref<1x128xi32, #tpu.memory_space<vmem>>
        %dma_wait3A_530 = tpu.memref_squeeze %dma_wait3A_529 : memref<1x128xi32, #tpu.memory_space<vmem>> -> memref<128xi32, #tpu.memory_space<vmem>>
        %dma_wait3A_531 = arith.constant 0 : i32
        %dma_wait3A_532 = arith.constant 0 : i32
        %dma_wait3A_533 = tpu.memref_slice %arg11[%dma_wait3A_531, %dma_wait3A_532] : memref<10240x128xf32, #tpu.memory_space<vmem_shared>> -> memref<10240x128xf32, #tpu.memory_space<vmem_shared>>
        tpu.wait_indirect_dma semaphore(%run_scoped3A_521 : memref<!tpu.dma_semaphore, #tpu.memory_space<semaphore_mem>>) src(%arg9 : memref<128x128xf32, #tpu.memory_space<vmem>>) dst(%dma_wait3A_533 : memref<10240x128xf32, #tpu.memory_space<vmem_shared>>)
        tpu.yield
      }) : () -> ()
    }
    %scan3A_458 = arith.constant 20 : i32
    %dma_wait3A_459 = arith.constant 0 : i32
    %dma_wait3A_460 = arith.constant 0 : i32
    %dma_wait3A_461 = tpu.memref_slice %arg6[%dma_wait3A_459, %dma_wait3A_460] : memref<40x128xi32, #tpu.memory_space<vmem>> -> memref<1x128xi32, #tpu.memory_space<vmem>>
    %dma_wait3A_462 = tpu.memref_squeeze %dma_wait3A_461 : memref<1x128xi32, #tpu.memory_space<vmem>> -> memref<128xi32, #tpu.memory_space<vmem>>
    %dma_wait3A_463 = arith.constant 0 : i32
    %dma_wait3A_464 = arith.constant 0 : i32
    %dma_wait3A_465 = tpu.memref_slice %arg2[%dma_wait3A_463, %dma_wait3A_464] : memref<10240x128xf32, #tpu.memory_space<hbm>> -> memref<10240x128xf32, #tpu.memory_space<hbm>>
    tpu.wait_indirect_dma semaphore(%arg12 : memref<!tpu.dma_semaphore, #tpu.memory_space<semaphore_mem>>) src(%dma_wait3A_465 : memref<10240x128xf32, #tpu.memory_space<hbm>>) dst(%arg8 : memref<128x128xf32, #tpu.memory_space<vmem>>)
    %barrier3A_466 = arith.constant 0 : index
    tpu.barrier barrier_id(%barrier3A_466)
    %mul3A_467 = arith.constant 10240 : i32
    %mul3A_468 = arith.muli %arg0, %mul3A_467 : i32
    %mul3A_469 = arith.constant 640 : i32
    %mul3A_470 = arith.muli %arg1, %mul3A_469 : i32
    %add3A_471 = arith.addi %mul3A_468, %mul3A_470 : i32
    %run_scoped3A_472 = arith.constant 0 : i32
    "tpu.region"() ({
      %run_scoped3A_487 = tpu.sem_alloc : memref<!tpu.dma_semaphore, #tpu.memory_space<semaphore_mem>>
      %dma_start3A_488 = arith.constant 0 : i32
      %dma_start3A_489 = tpu.memref_slice %arg10[%run_scoped3A_472, %dma_start3A_488] : memref<5x128xi32, #tpu.memory_space<vmem>> -> memref<1x128xi32, #tpu.memory_space<vmem>>
      %dma_start3A_490 = tpu.memref_squeeze %dma_start3A_489 : memref<1x128xi32, #tpu.memory_space<vmem>> -> memref<128xi32, #tpu.memory_space<vmem>>
      %dma_start3A_491 = arith.constant 0 : i32
      %dma_start3A_492 = arith.constant 0 : i32
      %dma_start3A_493 = tpu.memref_slice %arg11[%dma_start3A_491, %dma_start3A_492] : memref<10240x128xf32, #tpu.memory_space<vmem_shared>> -> memref<10240x128xf32, #tpu.memory_space<vmem_shared>>
      tpu.enqueue_indirect_dma source(%dma_start3A_493 : memref<10240x128xf32, #tpu.memory_space<vmem_shared>>) target(%arg8 : memref<128x128xf32, #tpu.memory_space<vmem>>) offsets(%dma_start3A_490 : memref<128xi32, #tpu.memory_space<vmem>>) semaphore(%run_scoped3A_487 : memref<!tpu.dma_semaphore, #tpu.memory_space<semaphore_mem>>)
      %dma_wait3A_494 = arith.constant 0 : i32
      %dma_wait3A_495 = tpu.memref_slice %arg10[%run_scoped3A_472, %dma_wait3A_494] : memref<5x128xi32, #tpu.memory_space<vmem>> -> memref<1x128xi32, #tpu.memory_space<vmem>>
      %dma_wait3A_496 = tpu.memref_squeeze %dma_wait3A_495 : memref<1x128xi32, #tpu.memory_space<vmem>> -> memref<128xi32, #tpu.memory_space<vmem>>
      %dma_wait3A_497 = arith.constant 0 : i32
      %dma_wait3A_498 = arith.constant 0 : i32
      %dma_wait3A_499 = tpu.memref_slice %arg11[%dma_wait3A_497, %dma_wait3A_498] : memref<10240x128xf32, #tpu.memory_space<vmem_shared>> -> memref<10240x128xf32, #tpu.memory_space<vmem_shared>>
      tpu.wait_indirect_dma semaphore(%run_scoped3A_487 : memref<!tpu.dma_semaphore, #tpu.memory_space<semaphore_mem>>) src(%dma_wait3A_499 : memref<10240x128xf32, #tpu.memory_space<vmem_shared>>) dst(%arg8 : memref<128x128xf32, #tpu.memory_space<vmem>>)
      tpu.yield
    }) : () -> ()
    %add3A_473 = arith.constant 0 : i32
    %add3A_474 = arith.addi %add3A_471, %add3A_473 : i32
    "tpu.region"() ({
      %run_scoped3A_487 = tpu.sem_alloc : memref<!tpu.dma_semaphore, #tpu.memory_space<semaphore_mem>>
      %dma_start3A_488 = arith.constant 0 : i32
      %dma_start3A_489 = tpu.memref_slice %arg5[%add3A_474, %dma_start3A_488] : memref<20480x128xf32, #tpu.memory_space<hbm>> -> memref<128x128xf32, #tpu.memory_space<hbm>>
      %dma_start3A_490 = arith.constant 0 : i32
      %dma_start3A_491 = tpu.memref_slice %arg5[%add3A_474, %dma_start3A_490] : memref<20480x128xf32, #tpu.memory_space<hbm>> -> memref<128x128xf32, #tpu.memory_space<hbm>>
      tpu.enqueue_dma source(%arg8 : memref<128x128xf32, #tpu.memory_space<vmem>>) target(%dma_start3A_491 : memref<128x128xf32, #tpu.memory_space<hbm>>) target_semaphore(%run_scoped3A_487 : memref<!tpu.dma_semaphore, #tpu.memory_space<semaphore_mem>>)
      %dma_wait3A_492 = arith.constant 0 : i32
      %dma_wait3A_493 = tpu.memref_slice %arg5[%add3A_474, %dma_wait3A_492] : memref<20480x128xf32, #tpu.memory_space<hbm>> -> memref<128x128xf32, #tpu.memory_space<hbm>>
      %dma_wait3A_494 = arith.constant 0 : i32
      %dma_wait3A_495 = tpu.memref_slice %arg5[%add3A_474, %dma_wait3A_494] : memref<20480x128xf32, #tpu.memory_space<hbm>> -> memref<128x128xf32, #tpu.memory_space<hbm>>
      tpu.wait_dma2 semaphore(%run_scoped3A_487 : memref<!tpu.dma_semaphore, #tpu.memory_space<semaphore_mem>>) src(%arg8 : memref<128x128xf32, #tpu.memory_space<vmem>>) dst(%dma_wait3A_495 : memref<128x128xf32, #tpu.memory_space<hbm>>)
      tpu.yield
    }) : () -> ()
    %run_scoped3A_475 = arith.constant 1 : i32
    "tpu.region"() ({
      %run_scoped3A_487 = tpu.sem_alloc : memref<!tpu.dma_semaphore, #tpu.memory_space<semaphore_mem>>
      %dma_start3A_488 = arith.constant 0 : i32
      %dma_start3A_489 = tpu.memref_slice %arg10[%run_scoped3A_475, %dma_start3A_488] : memref<5x128xi32, #tpu.memory_space<vmem>> -> memref<1x128xi32, #tpu.memory_space<vmem>>
      %dma_start3A_490 = tpu.memref_squeeze %dma_start3A_489 : memref<1x128xi32, #tpu.memory_space<vmem>> -> memref<128xi32, #tpu.memory_space<vmem>>
      %dma_start3A_491 = arith.constant 0 : i32
      %dma_start3A_492 = arith.constant 0 : i32
      %dma_start3A_493 = tpu.memref_slice %arg11[%dma_start3A_491, %dma_start3A_492] : memref<10240x128xf32, #tpu.memory_space<vmem_shared>> -> memref<10240x128xf32, #tpu.memory_space<vmem_shared>>
      tpu.enqueue_indirect_dma source(%dma_start3A_493 : memref<10240x128xf32, #tpu.memory_space<vmem_shared>>) target(%arg8 : memref<128x128xf32, #tpu.memory_space<vmem>>) offsets(%dma_start3A_490 : memref<128xi32, #tpu.memory_space<vmem>>) semaphore(%run_scoped3A_487 : memref<!tpu.dma_semaphore, #tpu.memory_space<semaphore_mem>>)
      %dma_wait3A_494 = arith.constant 0 : i32
      %dma_wait3A_495 = tpu.memref_slice %arg10[%run_scoped3A_475, %dma_wait3A_494] : memref<5x128xi32, #tpu.memory_space<vmem>> -> memref<1x128xi32, #tpu.memory_space<vmem>>
      %dma_wait3A_496 = tpu.memref_squeeze %dma_wait3A_495 : memref<1x128xi32, #tpu.memory_space<vmem>> -> memref<128xi32, #tpu.memory_space<vmem>>
      %dma_wait3A_497 = arith.constant 0 : i32
      %dma_wait3A_498 = arith.constant 0 : i32
      %dma_wait3A_499 = tpu.memref_slice %arg11[%dma_wait3A_497, %dma_wait3A_498] : memref<10240x128xf32, #tpu.memory_space<vmem_shared>> -> memref<10240x128xf32, #tpu.memory_space<vmem_shared>>
      tpu.wait_indirect_dma semaphore(%run_scoped3A_487 : memref<!tpu.dma_semaphore, #tpu.memory_space<semaphore_mem>>) src(%dma_wait3A_499 : memref<10240x128xf32, #tpu.memory_space<vmem_shared>>) dst(%arg8 : memref<128x128xf32, #tpu.memory_space<vmem>>)
      tpu.yield
    }) : () -> ()
    %add3A_476 = arith.constant 128 : i32
    %add3A_477 = arith.addi %add3A_471, %add3A_476 : i32
    "tpu.region"() ({
      %run_scoped3A_487 = tpu.sem_alloc : memref<!tpu.dma_semaphore, #tpu.memory_space<semaphore_mem>>
      %dma_start3A_488 = arith.constant 0 : i32
      %dma_start3A_489 = tpu.memref_slice %arg5[%add3A_477, %dma_start3A_488] : memref<20480x128xf32, #tpu.memory_space<hbm>> -> memref<128x128xf32, #tpu.memory_space<hbm>>
      %dma_start3A_490 = arith.constant 0 : i32
      %dma_start3A_491 = tpu.memref_slice %arg5[%add3A_477, %dma_start3A_490] : memref<20480x128xf32, #tpu.memory_space<hbm>> -> memref<128x128xf32, #tpu.memory_space<hbm>>
      tpu.enqueue_dma source(%arg8 : memref<128x128xf32, #tpu.memory_space<vmem>>) target(%dma_start3A_491 : memref<128x128xf32, #tpu.memory_space<hbm>>) target_semaphore(%run_scoped3A_487 : memref<!tpu.dma_semaphore, #tpu.memory_space<semaphore_mem>>)
      %dma_wait3A_492 = arith.constant 0 : i32
      %dma_wait3A_493 = tpu.memref_slice %arg5[%add3A_477, %dma_wait3A_492] : memref<20480x128xf32, #tpu.memory_space<hbm>> -> memref<128x128xf32, #tpu.memory_space<hbm>>
      %dma_wait3A_494 = arith.constant 0 : i32
      %dma_wait3A_495 = tpu.memref_slice %arg5[%add3A_477, %dma_wait3A_494] : memref<20480x128xf32, #tpu.memory_space<hbm>> -> memref<128x128xf32, #tpu.memory_space<hbm>>
      tpu.wait_dma2 semaphore(%run_scoped3A_487 : memref<!tpu.dma_semaphore, #tpu.memory_space<semaphore_mem>>) src(%arg8 : memref<128x128xf32, #tpu.memory_space<vmem>>) dst(%dma_wait3A_495 : memref<128x128xf32, #tpu.memory_space<hbm>>)
      tpu.yield
    }) : () -> ()
    %run_scoped3A_478 = arith.constant 2 : i32
    "tpu.region"() ({
      %run_scoped3A_487 = tpu.sem_alloc : memref<!tpu.dma_semaphore, #tpu.memory_space<semaphore_mem>>
      %dma_start3A_488 = arith.constant 0 : i32
      %dma_start3A_489 = tpu.memref_slice %arg10[%run_scoped3A_478, %dma_start3A_488] : memref<5x128xi32, #tpu.memory_space<vmem>> -> memref<1x128xi32, #tpu.memory_space<vmem>>
      %dma_start3A_490 = tpu.memref_squeeze %dma_start3A_489 : memref<1x128xi32, #tpu.memory_space<vmem>> -> memref<128xi32, #tpu.memory_space<vmem>>
      %dma_start3A_491 = arith.constant 0 : i32
      %dma_start3A_492 = arith.constant 0 : i32
      %dma_start3A_493 = tpu.memref_slice %arg11[%dma_start3A_491, %dma_start3A_492] : memref<10240x128xf32, #tpu.memory_space<vmem_shared>> -> memref<10240x128xf32, #tpu.memory_space<vmem_shared>>
      tpu.enqueue_indirect_dma source(%dma_start3A_493 : memref<10240x128xf32, #tpu.memory_space<vmem_shared>>) target(%arg8 : memref<128x128xf32, #tpu.memory_space<vmem>>) offsets(%dma_start3A_490 : memref<128xi32, #tpu.memory_space<vmem>>) semaphore(%run_scoped3A_487 : memref<!tpu.dma_semaphore, #tpu.memory_space<semaphore_mem>>)
      %dma_wait3A_494 = arith.constant 0 : i32
      %dma_wait3A_495 = tpu.memref_slice %arg10[%run_scoped3A_478, %dma_wait3A_494] : memref<5x128xi32, #tpu.memory_space<vmem>> -> memref<1x128xi32, #tpu.memory_space<vmem>>
      %dma_wait3A_496 = tpu.memref_squeeze %dma_wait3A_495 : memref<1x128xi32, #tpu.memory_space<vmem>> -> memref<128xi32, #tpu.memory_space<vmem>>
      %dma_wait3A_497 = arith.constant 0 : i32
      %dma_wait3A_498 = arith.constant 0 : i32
      %dma_wait3A_499 = tpu.memref_slice %arg11[%dma_wait3A_497, %dma_wait3A_498] : memref<10240x128xf32, #tpu.memory_space<vmem_shared>> -> memref<10240x128xf32, #tpu.memory_space<vmem_shared>>
      tpu.wait_indirect_dma semaphore(%run_scoped3A_487 : memref<!tpu.dma_semaphore, #tpu.memory_space<semaphore_mem>>) src(%dma_wait3A_499 : memref<10240x128xf32, #tpu.memory_space<vmem_shared>>) dst(%arg8 : memref<128x128xf32, #tpu.memory_space<vmem>>)
      tpu.yield
    }) : () -> ()
    %add3A_479 = arith.constant 256 : i32
    %add3A_480 = arith.addi %add3A_471, %add3A_479 : i32
    "tpu.region"() ({
      %run_scoped3A_487 = tpu.sem_alloc : memref<!tpu.dma_semaphore, #tpu.memory_space<semaphore_mem>>
      %dma_start3A_488 = arith.constant 0 : i32
      %dma_start3A_489 = tpu.memref_slice %arg5[%add3A_480, %dma_start3A_488] : memref<20480x128xf32, #tpu.memory_space<hbm>> -> memref<128x128xf32, #tpu.memory_space<hbm>>
      %dma_start3A_490 = arith.constant 0 : i32
      %dma_start3A_491 = tpu.memref_slice %arg5[%add3A_480, %dma_start3A_490] : memref<20480x128xf32, #tpu.memory_space<hbm>> -> memref<128x128xf32, #tpu.memory_space<hbm>>
      tpu.enqueue_dma source(%arg8 : memref<128x128xf32, #tpu.memory_space<vmem>>) target(%dma_start3A_491 : memref<128x128xf32, #tpu.memory_space<hbm>>) target_semaphore(%run_scoped3A_487 : memref<!tpu.dma_semaphore, #tpu.memory_space<semaphore_mem>>)
      %dma_wait3A_492 = arith.constant 0 : i32
      %dma_wait3A_493 = tpu.memref_slice %arg5[%add3A_480, %dma_wait3A_492] : memref<20480x128xf32, #tpu.memory_space<hbm>> -> memref<128x128xf32, #tpu.memory_space<hbm>>
      %dma_wait3A_494 = arith.constant 0 : i32
      %dma_wait3A_495 = tpu.memref_slice %arg5[%add3A_480, %dma_wait3A_494] : memref<20480x128xf32, #tpu.memory_space<hbm>> -> memref<128x128xf32, #tpu.memory_space<hbm>>
      tpu.wait_dma2 semaphore(%run_scoped3A_487 : memref<!tpu.dma_semaphore, #tpu.memory_space<semaphore_mem>>) src(%arg8 : memref<128x128xf32, #tpu.memory_space<vmem>>) dst(%dma_wait3A_495 : memref<128x128xf32, #tpu.memory_space<hbm>>)
      tpu.yield
    }) : () -> ()
    %run_scoped3A_481 = arith.constant 3 : i32
    "tpu.region"() ({
      %run_scoped3A_487 = tpu.sem_alloc : memref<!tpu.dma_semaphore, #tpu.memory_space<semaphore_mem>>
      %dma_start3A_488 = arith.constant 0 : i32
      %dma_start3A_489 = tpu.memref_slice %arg10[%run_scoped3A_481, %dma_start3A_488] : memref<5x128xi32, #tpu.memory_space<vmem>> -> memref<1x128xi32, #tpu.memory_space<vmem>>
      %dma_start3A_490 = tpu.memref_squeeze %dma_start3A_489 : memref<1x128xi32, #tpu.memory_space<vmem>> -> memref<128xi32, #tpu.memory_space<vmem>>
      %dma_start3A_491 = arith.constant 0 : i32
      %dma_start3A_492 = arith.constant 0 : i32
      %dma_start3A_493 = tpu.memref_slice %arg11[%dma_start3A_491, %dma_start3A_492] : memref<10240x128xf32, #tpu.memory_space<vmem_shared>> -> memref<10240x128xf32, #tpu.memory_space<vmem_shared>>
      tpu.enqueue_indirect_dma source(%dma_start3A_493 : memref<10240x128xf32, #tpu.memory_space<vmem_shared>>) target(%arg8 : memref<128x128xf32, #tpu.memory_space<vmem>>) offsets(%dma_start3A_490 : memref<128xi32, #tpu.memory_space<vmem>>) semaphore(%run_scoped3A_487 : memref<!tpu.dma_semaphore, #tpu.memory_space<semaphore_mem>>)
      %dma_wait3A_494 = arith.constant 0 : i32
      %dma_wait3A_495 = tpu.memref_slice %arg10[%run_scoped3A_481, %dma_wait3A_494] : memref<5x128xi32, #tpu.memory_space<vmem>> -> memref<1x128xi32, #tpu.memory_space<vmem>>
      %dma_wait3A_496 = tpu.memref_squeeze %dma_wait3A_495 : memref<1x128xi32, #tpu.memory_space<vmem>> -> memref<128xi32, #tpu.memory_space<vmem>>
      %dma_wait3A_497 = arith.constant 0 : i32
      %dma_wait3A_498 = arith.constant 0 : i32
      %dma_wait3A_499 = tpu.memref_slice %arg11[%dma_wait3A_497, %dma_wait3A_498] : memref<10240x128xf32, #tpu.memory_space<vmem_shared>> -> memref<10240x128xf32, #tpu.memory_space<vmem_shared>>
      tpu.wait_indirect_dma semaphore(%run_scoped3A_487 : memref<!tpu.dma_semaphore, #tpu.memory_space<semaphore_mem>>) src(%dma_wait3A_499 : memref<10240x128xf32, #tpu.memory_space<vmem_shared>>) dst(%arg8 : memref<128x128xf32, #tpu.memory_space<vmem>>)
      tpu.yield
    }) : () -> ()
    %add3A_482 = arith.constant 384 : i32
    %add3A_483 = arith.addi %add3A_471, %add3A_482 : i32
    "tpu.region"() ({
      %run_scoped3A_487 = tpu.sem_alloc : memref<!tpu.dma_semaphore, #tpu.memory_space<semaphore_mem>>
      %dma_start3A_488 = arith.constant 0 : i32
      %dma_start3A_489 = tpu.memref_slice %arg5[%add3A_483, %dma_start3A_488] : memref<20480x128xf32, #tpu.memory_space<hbm>> -> memref<128x128xf32, #tpu.memory_space<hbm>>
      %dma_start3A_490 = arith.constant 0 : i32
      %dma_start3A_491 = tpu.memref_slice %arg5[%add3A_483, %dma_start3A_490] : memref<20480x128xf32, #tpu.memory_space<hbm>> -> memref<128x128xf32, #tpu.memory_space<hbm>>
      tpu.enqueue_dma source(%arg8 : memref<128x128xf32, #tpu.memory_space<vmem>>) target(%dma_start3A_491 : memref<128x128xf32, #tpu.memory_space<hbm>>) target_semaphore(%run_scoped3A_487 : memref<!tpu.dma_semaphore, #tpu.memory_space<semaphore_mem>>)
      %dma_wait3A_492 = arith.constant 0 : i32
      %dma_wait3A_493 = tpu.memref_slice %arg5[%add3A_483, %dma_wait3A_492] : memref<20480x128xf32, #tpu.memory_space<hbm>> -> memref<128x128xf32, #tpu.memory_space<hbm>>
      %dma_wait3A_494 = arith.constant 0 : i32
      %dma_wait3A_495 = tpu.memref_slice %arg5[%add3A_483, %dma_wait3A_494] : memref<20480x128xf32, #tpu.memory_space<hbm>> -> memref<128x128xf32, #tpu.memory_space<hbm>>
      tpu.wait_dma2 semaphore(%run_scoped3A_487 : memref<!tpu.dma_semaphore, #tpu.memory_space<semaphore_mem>>) src(%arg8 : memref<128x128xf32, #tpu.memory_space<vmem>>) dst(%dma_wait3A_495 : memref<128x128xf32, #tpu.memory_space<hbm>>)
      tpu.yield
    }) : () -> ()
    %run_scoped3A_484 = arith.constant 4 : i32
    "tpu.region"() ({
      %run_scoped3A_487 = tpu.sem_alloc : memref<!tpu.dma_semaphore, #tpu.memory_space<semaphore_mem>>
      %dma_start3A_488 = arith.constant 0 : i32
      %dma_start3A_489 = tpu.memref_slice %arg10[%run_scoped3A_484, %dma_start3A_488] : memref<5x128xi32, #tpu.memory_space<vmem>> -> memref<1x128xi32, #tpu.memory_space<vmem>>
      %dma_start3A_490 = tpu.memref_squeeze %dma_start3A_489 : memref<1x128xi32, #tpu.memory_space<vmem>> -> memref<128xi32, #tpu.memory_space<vmem>>
      %dma_start3A_491 = arith.constant 0 : i32
      %dma_start3A_492 = arith.constant 0 : i32
      %dma_start3A_493 = tpu.memref_slice %arg11[%dma_start3A_491, %dma_start3A_492] : memref<10240x128xf32, #tpu.memory_space<vmem_shared>> -> memref<10240x128xf32, #tpu.memory_space<vmem_shared>>
      tpu.enqueue_indirect_dma source(%dma_start3A_493 : memref<10240x128xf32, #tpu.memory_space<vmem_shared>>) target(%arg8 : memref<128x128xf32, #tpu.memory_space<vmem>>) offsets(%dma_start3A_490 : memref<128xi32, #tpu.memory_space<vmem>>) semaphore(%run_scoped3A_487 : memref<!tpu.dma_semaphore, #tpu.memory_space<semaphore_mem>>)
      %dma_wait3A_494 = arith.constant 0 : i32
      %dma_wait3A_495 = tpu.memref_slice %arg10[%run_scoped3A_484, %dma_wait3A_494] : memref<5x128xi32, #tpu.memory_space<vmem>> -> memref<1x128xi32, #tpu.memory_space<vmem>>
      %dma_wait3A_496 = tpu.memref_squeeze %dma_wait3A_495 : memref<1x128xi32, #tpu.memory_space<vmem>> -> memref<128xi32, #tpu.memory_space<vmem>>
      %dma_wait3A_497 = arith.constant 0 : i32
      %dma_wait3A_498 = arith.constant 0 : i32
      %dma_wait3A_499 = tpu.memref_slice %arg11[%dma_wait3A_497, %dma_wait3A_498] : memref<10240x128xf32, #tpu.memory_space<vmem_shared>> -> memref<10240x128xf32, #tpu.memory_space<vmem_shared>>
      tpu.wait_indirect_dma semaphore(%run_scoped3A_487 : memref<!tpu.dma_semaphore, #tpu.memory_space<semaphore_mem>>) src(%dma_wait3A_499 : memref<10240x128xf32, #tpu.memory_space<vmem_shared>>) dst(%arg8 : memref<128x128xf32, #tpu.memory_space<vmem>>)
      tpu.yield
    }) : () -> ()
    %add3A_485 = arith.constant 512 : i32
    %add3A_486 = arith.addi %add3A_471, %add3A_485 : i32
    "tpu.region"() ({
      %run_scoped3A_487 = tpu.sem_alloc : memref<!tpu.dma_semaphore, #tpu.memory_space<semaphore_mem>>
      %dma_start3A_488 = arith.constant 0 : i32
      %dma_start3A_489 = tpu.memref_slice %arg5[%add3A_486, %dma_start3A_488] : memref<20480x128xf32, #tpu.memory_space<hbm>> -> memref<128x128xf32, #tpu.memory_space<hbm>>
      %dma_start3A_490 = arith.constant 0 : i32
      %dma_start3A_491 = tpu.memref_slice %arg5[%add3A_486, %dma_start3A_490] : memref<20480x128xf32, #tpu.memory_space<hbm>> -> memref<128x128xf32, #tpu.memory_space<hbm>>
      tpu.enqueue_dma source(%arg8 : memref<128x128xf32, #tpu.memory_space<vmem>>) target(%dma_start3A_491 : memref<128x128xf32, #tpu.memory_space<hbm>>) target_semaphore(%run_scoped3A_487 : memref<!tpu.dma_semaphore, #tpu.memory_space<semaphore_mem>>)
      %dma_wait3A_492 = arith.constant 0 : i32
      %dma_wait3A_493 = tpu.memref_slice %arg5[%add3A_486, %dma_wait3A_492] : memref<20480x128xf32, #tpu.memory_space<hbm>> -> memref<128x128xf32, #tpu.memory_space<hbm>>
      %dma_wait3A_494 = arith.constant 0 : i32
      %dma_wait3A_495 = tpu.memref_slice %arg5[%add3A_486, %dma_wait3A_494] : memref<20480x128xf32, #tpu.memory_space<hbm>> -> memref<128x128xf32, #tpu.memory_space<hbm>>
      tpu.wait_dma2 semaphore(%run_scoped3A_487 : memref<!tpu.dma_semaphore, #tpu.memory_space<semaphore_mem>>) src(%arg8 : memref<128x128xf32, #tpu.memory_space<vmem>>) dst(%dma_wait3A_495 : memref<128x128xf32, #tpu.memory_space<hbm>>)
      tpu.yield
    }) : () -> ()
    return
  }
}

module attributes {stable_mosaic.version = 14 : i64} {
  func.func @_h2_body(%arg0: i32, %arg1: memref<2x1024x128xf32, #tpu.memory_space<vmem>>, %arg2: memref<1024x128xf32, #tpu.memory_space<vmem>>, %arg3: memref<128x128xf32, #tpu.memory_space<vmem>>, %arg4: memref<1024x128xf32, #tpu.memory_space<vmem>>) attributes {dimension_semantics = [#tpu.dimension_semantics<arbitrary>], iteration_bounds = array<i64: 10>, scalar_prefetch = 0 : i64, scratch_operands = 0 : i64, tpu.core_type = #tpu.core_type<tc>, window_params = [{transform_indices = @transform_0, window_bounds = array<i64: 2, 1024, 128>}, {transform_indices = @transform_1, window_bounds = array<i64: 1024, 128>}, {pipeline_mode = #tpu.pipeline_mode<synchronous>, transform_indices = @transform_2, window_bounds = array<i64: 128, 128>}, {transform_indices = @transform_3, window_bounds = array<i64: 1024, 128>}]} {
    %get3A = arith.constant 0 : index
    %get3A_0 = arith.constant 0 : index
    %get3A_1 = arith.constant 0 : index
    %get3A_2 = vector.load %arg1[%get3A, %get3A_0, %get3A_1] : memref<2x1024x128xf32, #tpu.memory_space<vmem>>, vector<1x1024x1xf32>
    %get3A_3 = vector.shape_cast %get3A_2 : vector<1x1024x1xf32> to vector<1024xf32>
    %get3A_4 = arith.constant 1 : index
    %get3A_5 = arith.constant 0 : index
    %get3A_6 = arith.constant 0 : index
    %get3A_7 = vector.load %arg1[%get3A_4, %get3A_5, %get3A_6] : memref<2x1024x128xf32, #tpu.memory_space<vmem>>, vector<1x1024x1xf32>
    %get3A_8 = vector.shape_cast %get3A_7 : vector<1x1024x1xf32> to vector<1024xf32>
    %add3A = arith.addf %get3A_3, %get3A_8 : vector<1024xf32>
    %add3A_9 = arith.constant 1.000000e+00 : f32
    %add3A_10 = vector.broadcast %add3A_9 : f32 to vector<1024xf32>
    %add3A_11 = arith.addf %add3A, %add3A_10 : vector<1024xf32>
    %rsqrt3A = math.rsqrt %add3A_11 : vector<1024xf32>
    %get3A_12 = arith.constant 0 : index
    %get3A_13 = arith.constant 0 : index
    %get3A_14 = vector.load %arg2[%get3A_12, %get3A_13] : memref<1024x128xf32, #tpu.memory_space<vmem>>, vector<1024x128xf32>
    %get3A_15 = arith.constant 0 : index
    %get3A_16 = arith.constant 0 : index
    %get3A_17 = vector.load %arg3[%get3A_15, %get3A_16] : memref<128x128xf32, #tpu.memory_space<vmem>>, vector<128x128xf32>
    %dot_general3A = arith.constant dense<0.000000e+00> : vector<1024x128xf32>
    %dot_general3A_18 = tpu.matmul %get3A_14, %get3A_17, %dot_general3A {dimension_numbers = #tpu.dot_dimension_numbers<[1], [0], [0], [1], [0, 0, 1, 1], [], []>, transpose_lhs_hint = false} : vector<1024x128xf32>, vector<128x128xf32>, vector<1024x128xf32> -> vector<1024x128xf32>
    %broadcast_in_dim3A = vector.shape_cast %rsqrt3A : vector<1024xf32> to vector<1024x1xf32>
    %mul3A = vector.broadcast %broadcast_in_dim3A : vector<1024x1xf32> to vector<1024x128xf32>
    %mul3A_19 = arith.mulf %dot_general3A_18, %mul3A : vector<1024x128xf32>
    %swap3A = arith.constant 0 : index
    %swap3A_20 = arith.constant 0 : index
    %swap3A_21 = vector.load %arg4[%swap3A, %swap3A_20] : memref<1024x128xf32, #tpu.memory_space<vmem>>, vector<1024x128xf32>
    tpu.vector_store %arg4[%swap3A, %swap3A_20], %mul3A_19 {strides = array<i32>} : memref<1024x128xf32, #tpu.memory_space<vmem>>, vector<1024x128xf32>,
    return
  }
  func.func @transform_0(%arg0: i32) -> (i32, i32, i32) {
    %c0_i32 = arith.constant 0 : i32
    %c0_i32_0 = arith.constant 0 : i32
    %c0_i32_1 = arith.constant 0 : i32
    return %c0_i32, %arg0, %c0_i32_0 : i32, i32, i32
  }
  func.func @transform_1(%arg0: i32) -> (i32, i32) {
    %c0_i32 = arith.constant 0 : i32
    %c0_i32_0 = arith.constant 0 : i32
    return %arg0, %c0_i32 : i32, i32
  }
  func.func @transform_2(%arg0: i32) -> (i32, i32) {
    %c0_i32 = arith.constant 0 : i32
    %c0_i32_0 = arith.constant 0 : i32
    %c0_i32_1 = arith.constant 0 : i32
    return %c0_i32, %c0_i32_0 : i32, i32
  }
  func.func @transform_3(%arg0: i32) -> (i32, i32) {
    %c0_i32 = arith.constant 0 : i32
    %c0_i32_0 = arith.constant 0 : i32
    return %arg0, %c0_i32 : i32, i32
  }
}

module attributes {stable_mosaic.version = 14 : i64} {
  func.func @_fin_body(%arg0: i32, %arg1: memref<2x1024x128xf32, #tpu.memory_space<vmem>>, %arg2: memref<2x1024x128xf32, #tpu.memory_space<vmem>>, %arg3: memref<1024x128xf32, #tpu.memory_space<vmem>>, %arg4: memref<1x128xf32, #tpu.memory_space<vmem>>, %arg5: memref<1024x128xf32, #tpu.memory_space<vmem>>) attributes {dimension_semantics = [#tpu.dimension_semantics<arbitrary>], iteration_bounds = array<i64: 10>, scalar_prefetch = 0 : i64, scratch_operands = 0 : i64, tpu.core_type = #tpu.core_type<tc>, window_params = [{transform_indices = @transform_0, window_bounds = array<i64: 2, 1024, 128>}, {transform_indices = @transform_1, window_bounds = array<i64: 2, 1024, 128>}, {transform_indices = @transform_2, window_bounds = array<i64: 1024, 128>}, {pipeline_mode = #tpu.pipeline_mode<synchronous>, transform_indices = @transform_3, window_bounds = array<i64: 1, 128>}, {transform_indices = @transform_4, window_bounds = array<i64: 1024, 128>}]} {
    %get3A = arith.constant 0 : index
    %get3A_0 = arith.constant 0 : index
    %get3A_1 = arith.constant 0 : index
    %get3A_2 = vector.load %arg1[%get3A, %get3A_0, %get3A_1] : memref<2x1024x128xf32, #tpu.memory_space<vmem>>, vector<1x1024x1xf32>
    %get3A_3 = vector.shape_cast %get3A_2 : vector<1x1024x1xf32> to vector<1024xf32>
    %get3A_4 = arith.constant 1 : index
    %get3A_5 = arith.constant 0 : index
    %get3A_6 = arith.constant 0 : index
    %get3A_7 = vector.load %arg1[%get3A_4, %get3A_5, %get3A_6] : memref<2x1024x128xf32, #tpu.memory_space<vmem>>, vector<1x1024x1xf32>
    %get3A_8 = vector.shape_cast %get3A_7 : vector<1x1024x1xf32> to vector<1024xf32>
    %add3A = arith.addf %get3A_3, %get3A_8 : vector<1024xf32>
    %add3A_9 = arith.constant 1.000000e+00 : f32
    %add3A_10 = vector.broadcast %add3A_9 : f32 to vector<1024xf32>
    %add3A_11 = arith.addf %add3A, %add3A_10 : vector<1024xf32>
    %rsqrt3A = math.rsqrt %add3A_11 : vector<1024xf32>
    %get3A_12 = arith.constant 0 : index
    %get3A_13 = arith.constant 0 : index
    %get3A_14 = arith.constant 0 : index
    %get3A_15 = vector.load %arg2[%get3A_12, %get3A_13, %get3A_14] : memref<2x1024x128xf32, #tpu.memory_space<vmem>>, vector<1x1024x128xf32>
    %get3A_16 = vector.shape_cast %get3A_15 : vector<1x1024x128xf32> to vector<1024x128xf32>
    %get3A_17 = arith.constant 1 : index
    %get3A_18 = arith.constant 0 : index
    %get3A_19 = arith.constant 0 : index
    %get3A_20 = vector.load %arg2[%get3A_17, %get3A_18, %get3A_19] : memref<2x1024x128xf32, #tpu.memory_space<vmem>>, vector<1x1024x128xf32>
    %get3A_21 = vector.shape_cast %get3A_20 : vector<1x1024x128xf32> to vector<1024x128xf32>
    %add3A_22 = arith.addf %get3A_16, %get3A_21 : vector<1024x128xf32>
    %get3A_23 = arith.constant 0 : index
    %get3A_24 = arith.constant 0 : index
    %get3A_25 = vector.load %arg3[%get3A_23, %get3A_24] : memref<1024x128xf32, #tpu.memory_space<vmem>>, vector<1024x128xf32>
    %add3A_26 = arith.addf %add3A_22, %get3A_25 : vector<1024x128xf32>
    %broadcast_in_dim3A = vector.shape_cast %rsqrt3A : vector<1024xf32> to vector<1024x1xf32>
    %mul3A = vector.broadcast %broadcast_in_dim3A : vector<1024x1xf32> to vector<1024x128xf32>
    %mul3A_27 = arith.mulf %add3A_26, %mul3A : vector<1024x128xf32>
    %get3A_28 = arith.constant 0 : index
    %get3A_29 = arith.constant 0 : index
    %get3A_30 = vector.load %arg4[%get3A_28, %get3A_29] : memref<1x128xf32, #tpu.memory_space<vmem>>, vector<1x128xf32>
    %add3A_31 = vector.broadcast %get3A_30 : vector<1x128xf32> to vector<1024x128xf32>
    %add3A_32 = arith.addf %mul3A_27, %add3A_31 : vector<1024x128xf32>
    %max3A = arith.constant 0.000000e+00 : f32
    %max3A_33 = vector.broadcast %max3A : f32 to vector<1024x128xf32>
    %max3A_34 = arith.maximumf %add3A_32, %max3A_33 : vector<1024x128xf32>
    %swap3A = arith.constant 0 : index
    %swap3A_35 = arith.constant 0 : index
    %swap3A_36 = vector.load %arg5[%swap3A, %swap3A_35] : memref<1024x128xf32, #tpu.memory_space<vmem>>, vector<1024x128xf32>
    tpu.vector_store %arg5[%swap3A, %swap3A_35], %max3A_34 {strides = array<i32>} : memref<1024x128xf32, #tpu.memory_space<vmem>>, vector<1024x128xf32>,
    return
  }
  func.func @transform_0(%arg0: i32) -> (i32, i32, i32) {
    %c0_i32 = arith.constant 0 : i32
    %c0_i32_0 = arith.constant 0 : i32
    %c0_i32_1 = arith.constant 0 : i32
    return %c0_i32, %arg0, %c0_i32_0 : i32, i32, i32
  }
  func.func @transform_1(%arg0: i32) -> (i32, i32, i32) {
    %c0_i32 = arith.constant 0 : i32
    %c0_i32_0 = arith.constant 0 : i32
    %c0_i32_1 = arith.constant 0 : i32
    return %c0_i32, %arg0, %c0_i32_0 : i32, i32, i32
  }
  func.func @transform_2(%arg0: i32) -> (i32, i32) {
    %c0_i32 = arith.constant 0 : i32
    %c0_i32_0 = arith.constant 0 : i32
    return %arg0, %c0_i32 : i32, i32
  }
  func.func @transform_3(%arg0: i32) -> (i32, i32) {
    %c0_i32 = arith.constant 0 : i32
    %c0_i32_0 = arith.constant 0 : i32
    %c0_i32_1 = arith.constant 0 : i32
    return %c0_i32, %c0_i32_0 : i32, i32
  }
  func.func @transform_4(%arg0: i32) -> (i32, i32) {
    %c0_i32 = arith.constant 0 : i32
    %c0_i32_0 = arith.constant 0 : i32
    return %arg0, %c0_i32 : i32, i32
  }
}

</mosaic_0001>

<sc_bundles>
// kernel: kernel.6.cloned.1.call-start
scs
__scs_entry_jumppad:
0x0: {  	(pc) =	sbr.rel $0x88, $3  }
0x1: {  	(tag) =	ssettag $0x0;
	lr =	simm.s32 $0x1  }
0x2: {  	[smem:$0x3F9D] =	sst lr;
	_ =	strace $0xD0000000  }
0x3: {  	_ = 	snop  }
0x4: {  	_ = 	snop  }
0x5: {  	_ = 	snop  }
0x6: {  	_ = 	snop  }
0x7: {  	_ = 	snop  }
__scs_overlays_trampoline_lowered:
0x8: {  	[smem:$0x3FAC] =	sst s0  }
0x9: {  	[smem:$0x3FAD] =	sst s1  }
0xa: {  	[smem:$0x3FAE] =	sst s2  }
0xb: {  	[smem:$0x3FAF] =	sst s3  }
0xc: {  	[smem:$0x3FB0] =	sst s4  }
0xd: {  	[smem:$0x3FB1] =	sst s5  }
0xe: {  	[smem:$0x3FB2] =	sst s6  }
0xf: {  	[smem:$0x3FB3] =	sst s7  }
0x10: {  	[smem:$0x3FB4] =	sst s8  }
0x11: {  	[smem:$0x3FB5] =	sst s9;
	s0 =	simm.s32 @!p0 $0x0  }
0x12: {  	s1 =	sld [smem:$0x3F9B];
	s0 =	simm.s32 @p0 $0x1  }
0x13: {  	[smem:$0x3FB6] =	sst s0;
	s0 =	simm.s32 @!p1 $0x0  }
0x14: {  	s2 =	sld [smem:$0x3F9A];
	s0 =	simm.s32 @p1 $0x1  }
0x15: {  	[smem:$0x3FB7] =	sst s0;
	s0 =	simm.s32 @!p2 $0x0  }
0x16: {  	s3 =	sld [smem:$0x3FDB];
	s0 =	simm.s32 @p2 $0x1  }
0x17: {  	s4 =	simm.s32 $0x1BF5;
	[smem:$0x3FB9] =	sst s0  }
0x18: {  	s0 =	sld [smem:$0x3F9C];
	_ =	swait.ge [sflag:s4], $0x0  }
0x19: {  	s7 =	sld [smem:$0x3F9D]  }
0x1a: {  	s8 =	sadd.s32 $0xFFFFE003, lr  }
0x1b: {  	s9 =	sadd.s32 $0xFFFFFEF7, lr;
	s5 =	simm.s32 $0xFFFFFFFF;
	p2 =	slt.u32 s8, $0xFFFFF086  }
0x1c: {  	p1 =	slt.u32 s9, $0xF7A;
	s5 =	simm.s32 @!p2 $0x0  }
0x1d: {  	s5 =	simm.s32 @p1 $0x1;
	p0 =	seq.s32 s7, s2  }
0x1e: {  	s7 =	smul.u32 @!p0 $0xF7A, s2;
	p2 =	seq.s32 @!p0 s5, $0x0  }
0x1f: {  	s9 =	smul.u32 $0xF7A, s1;
	s8 =	simm.s32 @!p0 $0x1BF5;
	p2 =	por !p2, p0  }
0x20: {  	[sflag:s8] =	ssyncset.s32 @!p0 $0xFFFFF086;
	s6 =	sadd.s32 @!p0 s3, s7;
	s7 =	simm.s32 @!p0 $0x108  }
0x21: {  	s3 =	sadd.s32 s3, s9;
	s6 =	sadd.s32 @!p0 $0x88, s6;
	s7 =	simm.s32 @p2 $0x1082  }
0x22: {  	[simem:s7], [sflag:s8] =	dma.local @!p0 [hbm:s6], $0xF7A  }
0x23: {  	s9 =	sor.u32 $0xD0000000, s2;
	s6 =	simm.s32 $0x108;
	_ =	swait.ge @!p0 [sflag:s8], $0x0  }
0x24: {  	s3 =	sadd.s32 $0x88, s3;
	s6 =	simm.s32 @!p1 $0x1082;
	[sflag:s4] =	ssyncset.s32 $0xFFFFF086  }
0x25: {  	[simem:s6], [sflag:s4] =	dma.local [hbm:s3], $0xF7A  }
0x26: {  	[smem:$0x3F9D] =	sst s1;
	(tag) =	ssettag s2;
	_ =	strace s9  }
0x27: {  	s1 =	sld [smem:$0x3FAD]  }
0x28: {  	s2 =	sld [smem:$0x3FAE]  }
0x29: {  	s4 =	sld [smem:$0x3FB0]  }
0x2a: {  	p0 =	seq.s32 s5, $0x0;
	s5 =	sld [smem:$0x3FB1]  }
0x2b: {  	s6 =	sld [smem:$0x3FB2]  }
0x2c: {  	s7 =	sld [smem:$0x3FB3]  }
0x2d: {  	s3 =	simm.s32 $0x108;
	s8 =	sld [smem:$0x3FB4]  }
0x2e: {  	s3 =	simm.s32 @!p0 $0x1082;
	s9 =	sld [smem:$0x3FB5]  }
0x2f: {  	lr =	sadd.s32 s0, s3;
	s0 =	sld [smem:$0x3FAC]  }
0x30: {  	s3 =	sld [smem:$0x3FAF]  }
0x31: {  	[smem:$0x3FB8] =	sst s10  }
0x32: {  	s10 =	sld [smem:$0x3FB6];
	_ =	sdelay $0x3  }
0x33: {  	p0 =	seq.s32 s10, $0x1;
	s10 =	sld [smem:$0x3FB8];
	_ =	sdelay $0x3  }
0x34: {  	[smem:$0x3FB8] =	sst s10  }
0x35: {  	s10 =	sld [smem:$0x3FB7];
	_ =	sdelay $0x3  }
0x36: {  	p1 =	seq.s32 s10, $0x1;
	s10 =	sld [smem:$0x3FB8];
	_ =	sdelay $0x3  }
0x37: {  	[smem:$0x3FB8] =	sst s10  }
0x38: {  	s10 =	sld [smem:$0x3FB9]  }
0x39: {  	_ = 	snop;
	(pc) =	sbr.ind lr, $3  }
0x3a: {  	_ = 	snop  }
0x3b: {  	_ = 	snop  }
0x3c: {  	p2 =	seq.s32 s10, $0x1;
	s10 =	sld [smem:$0x3FB8]  }
0x3d: {  	_ =	shalt  }
0x3e: {  	_ =	shalt  }
0x3f: {  	_ =	shalt  }
0x40: {  	_ =	shalt  }
0x41: {  	_ =	shalt  }
0x42: {  	_ =	shalt  }
0x43: {  	_ =	shalt  }
0x44: {  	_ =	shalt  }
0x45: {  	_ =	shalt  }
0x46: {  	_ =	shalt  }
0x47: {  	_ =	shalt  }
0x48: {  	_ =	shalt  }
0x49: {  	_ =	shalt  }
0x4a: {  	_ =	shalt  }
0x4b: {  	_ =	shalt  }
0x4c: {  	_ =	shalt  }
0x4d: {  	_ =	shalt  }
0x4e: {  	_ =	shalt  }
0x4f: {  	_ =	shalt  }
0x50: {  	_ =	shalt  }
0x51: {  	_ =	shalt  }
0x52: {  	_ =	shalt  }
0x53: {  	_ =	shalt  }
0x54: {  	_ =	shalt  }
0x55: {  	_ =	shalt  }
0x56: {  	_ =	shalt  }
0x57: {  	_ =	shalt  }
0x58: {  	_ =	shalt  }
0x59: {  	_ =	shalt  }
0x5a: {  	_ =	shalt  }
0x5b: {  	_ =	shalt  }
0x5c: {  	_ =	shalt  }
0x5d: {  	_ =	shalt  }
0x5e: {  	_ =	shalt  }
0x5f: {  	_ =	shalt  }
0x60: {  	_ =	shalt  }
0x61: {  	_ =	shalt  }
0x62: {  	_ =	shalt  }
0x63: {  	_ =	shalt  }
0x64: {  	_ =	shalt  }
0x65: {  	_ =	shalt  }
0x66: {  	_ =	shalt  }
0x67: {  	_ =	shalt  }
0x68: {  	_ =	shalt  }
0x69: {  	_ =	shalt  }
0x6a: {  	_ =	shalt  }
0x6b: {  	_ =	shalt  }
0x6c: {  	_ =	shalt  }
0x6d: {  	_ =	shalt  }
0x6e: {  	_ =	shalt  }
0x6f: {  	_ =	shalt  }
0x70: {  	_ =	shalt  }
0x71: {  	_ =	shalt  }
0x72: {  	_ =	shalt  }
0x73: {  	_ =	shalt  }
0x74: {  	_ =	shalt  }
0x75: {  	_ =	shalt  }
0x76: {  	_ =	shalt  }
0x77: {  	_ =	shalt  }
0x78: {  	_ =	shalt  }
0x79: {  	_ =	shalt  }
0x7a: {  	_ =	shalt  }
0x7b: {  	_ =	shalt  }
0x7c: {  	_ =	shalt  }
0x7d: {  	_ =	shalt  }
0x7e: {  	_ =	shalt  }
0x7f: {  	_ =	shalt  }
0x80: {  	_ =	shalt  }
0x81: {  	_ =	shalt  }
0x82: {  	_ =	shalt  }
0x83: {  	_ =	shalt  }
0x84: {  	_ =	shalt  }
0x85: {  	_ =	shalt  }
0x86: {  	_ =	shalt  }
0x87: {  	_ =	shalt  }
.Lfunc_end0:
.L_simem_size_0:
called_computation_lowered:
.L_overlay_start_0:
0x88: {  	s2 =	sld [smem:$0x3FD9]  }
0x89: {  	s3 =	sld [smem:$0x3FFE];
	_ =	sdelay $0x1  }
0x8a: {  	s1 =	srdreg.scid  }
0x8b: {  	s0 =	sand.u32 $0x1, s1  }
0x8c: {  	s17 =	sshll.u32 s0, $0xA;
	s2 =	sadd.s32 s3, s2  }
0x8d: {  	s2 =	sadd.s32 s2, s17  }
0x8e: {  	[smem:$0x3FC4] =	sst s2  }
0x8f: {  	_ = 	snop  }
0x90: {  	s2 =	sld [smem:$0x3FD0];
	(tm) =	ssettm $0x1  }
0x91: {  	s18 =	sld [smem:$0x3FFB];
	_ =	sdelay $0x3  }
0x92: {  	_ =	strace s18  }
0x93: {  	s3 =	sld [smem:$0x3FFC];
	_ =	sdelay $0x3  }
0x94: {  	_ =	strace s3  }
0x95: {  	s3 =	sld [smem:$0x3FFD];
	_ =	sdelay $0x3  }
0x96: {  	_ =	strace s3  }
0x97: {  	_ =	strace $0x8FFFFFFF  }
0x98: {  	s19 =	sld [smem:$0x3FDB];
	_ =	sdelay $0x1  }
0x99: {  	s4 =	simm.s32 $_scs_section_size  }
0x9a: {  	s5 =	simm.s32 $_size__tile_overlayer_lowered;
	s6 =	simm.s32 $_tile_overlayer_lowered  }
0x9b: {  	s22 =	simm.s32 $0x1BFF;
	s21 =	sshll.u32 s6, $0x1;
	s3 =	sadd.s32 s4, s19  }
0x9c: {  	s7 =	simm.s32 $0x0;
	s20 =	sshll.u32 s5, $0x1;
	s5 =	sadd.s32 s21, s3  }
0x9d: {  	[timem:s7], [sflag:s22] =	dma.local [hbm:s5], s20  }
0x9e: {  	_ =	swait.ge [sflag:s22], s20  }
0x9f: {  	s4 =	ssub.s32 $0x0, s20;
	[sflag:s22] =	ssyncset.done $0x0  }
0xa0: {  	[sflag:s22] =	ssyncadd.s32 s4;
	_ =	sdelay $0x1  }
0xa1: {  	s23 =	simm.s32 $0x1B8B  }
0xa2: {  	_ =	swait.ge [sflag:s23], $0x1  }
0xa3: {  	[sflag:s23] =	ssyncset.done $0x0  }
0xa4: {  	s25 =	simm.s32 $0x1B8E;
	s24 =	sld [smem:$0x3FFE];
	[sflag:s23] =	ssyncadd.s32 $0xFFFFFFFF  }
0xa5: {  	s26 =	simm.s32 $execute0_lowered;
	[smem:$0x3FD2] =	sst s25  }
0xa6: {  	s5 =	sshll.u32 s26, $0x1;
	_ =	strace $0x80000046;
	[dreg:$0x1] =	wrdreg $0xFFFFFFFF  }
0xa7: {  	s28 =	simm.s32 $_size_execute0_lowered;
	s3 =	sadd.s32 s3, s5;
	[dreg:$0x0] =	wrdreg $0x0  }
0xa8: {  	s5 =	sshll.u32 s28, $0x1;
	[dreg:$0x2] =	wrdreg s3  }
0xa9: {  	[dreg:$0x3] =	wrdreg s5  }
0xaa: {  	[dreg:$0x4] =	wrdreg $0xC0  }
0xab: {  	_ =	task [dreg:s7], $0x5FFFF  }
0xac: {  	[dreg:$0x1] =	wrdreg $0xFFFFFFFF  }
0xad: {  	[dreg:$0x0] =	wrdreg $0x60  }
0xae: {  	[dreg:$0x2] =	wrdreg s2  }
0xaf: {  	[dreg:$0x3] =	wrdreg s24  }
0xb0: {  	[dreg:$0x4] =	wrdreg $0xAC000  }
0xb1: {  	[dreg:$0x5] =	wrdreg $0x9  }
0xb2: {  	_ =	task.clear_ibuf [dreg:s7], $0x6FFFF;
	_ =	strace $0x90000046  }
0xb3: {  	s29 =	simm.s32 $0x9;
	_ =	strace $0x80000048  }
0xb4: {  	_ =	swait.ge [sflag:s29], $0x1  }
0xb5: {  	[sflag:s29] =	ssyncadd.s32 $0xFFFFFFFF  }
0xb6: {  	_ =	strace $0x90000048  }
0xb7: {  	_ =	sfence  }
0xb8: {  	s30 =	sld [smem:$0x0];
	_ =	sdelay $0x2  }
0xb9: {  	s31 =	sshll.u32 s1, $0xD;
	s1 =	sshrl.u32 s1, $0x2  }
0xba: {  	s3 =	sand.u32 $0x4000, s31;
	s1 =	sadd.s32 s1, s30  }
0xbb: {  	s0 =	sor.u32 s3, s0;
	s1 =	sshll.u32 s1, $0x11  }
0xbc: {  	s0 =	sor.u32 s1, s0  }
0xbd: {  	s0 =	sadd.s32 $0x8F2B, s0  }
0xbe: {  	[sflag:s0] =	ssyncadd.remote.s32 $0x1  }
0xbf: {  	_ =	sfence.sel $0xFFFF  }
0xc0: {  	[dreg:$0x0] =	wrdreg $0xFFFFFFFF;
	(pc) =	sbr.abs _section_cstart, $3  }
0xc1: {  	[dreg:$0x1] =	wrdreg $0xFFFFFFFF  }
0xc2: {  	_ =	task.clear_ibuf [dreg:s7], $0x2FFFF;
	_ =	strace $0x9FFFFFFF  }
0xc3: {  	(tm) =	ssettm $0x7FFFFFFF  }
tec
execute0_lowered:
.L_overlay_start_1:
0x0: {  	(tag) =	ssettag $0x1  }
0x1: {  	s4 =	rddreg [dreg:$0x0]  }
0x2: {  	s6 =	rddreg [dreg:$0x1];
	s1 =	srdreg.scid  }
0x3: {  	s0 =	stileid.u32;
	s2 =	rddreg [dreg:$0x2];
	s3 =	simm.s32 $0x0  }
0x4: {  	s7 =	sand.u32 $0x1, s1;
	s5 =	smul.u32 $0x280, s0;
	s1 =	rddreg [dreg:$0x3]  }
0x5: {  	[smem:$0x7FF] =	sst s3;
	s8 =	smul.u32 $0x2800, s7  }
0x6: {  	_ =	strace $0x80000047;
	s10 =	ssub.s32 $0x2, s7;
	s7 =	sshll.u32 s7, $0x4  }
0x7: {  	s11 =	sshrl.u32 s10, $0x1;
	s28 =	sor.u32 $0x10, s5;
	s29 =	sor.u32 $0x20, s5  }
0x8: {  	s30 =	sor.u32 $0x30, s5;
	s12 =	sor.u32 $0x40, s5;
	s13 =	sor.u32 $0x50, s5  }
0x9: {  	s14 =	sor.u32 $0x60, s5;
	s15 =	sor.u32 $0x70, s5;
	s16 =	sadd.s32 $0x80, s5  }
0xa: {  	s17 =	sadd.s32 $0x90, s5;
	s18 =	sadd.s32 $0xA0, s5;
	s19 =	sadd.s32 $0xB0, s5  }
0xb: {  	s20 =	sadd.s32 $0xC0, s5;
	s31 =	sadd.s32 $0xD0, s5;
	s21 =	sadd.s32 $0xE0, s5  }
0xc: {  	s22 =	sadd.s32 $0xF0, s5;
	s23 =	sadd.s32 $0x120, s5;
	s24 =	sadd.s32 $0x130, s5  }
0xd: {  	v40 =	vlaneseq.u32;
	vm0 =	vcmask $0x300;
	v38 =	vimm.f32 $0.0e+00;
	s25 =	sadd.s32 $0x140, s5;
	s26 =	sadd.s32 $0x150, s5;
	s8 =	sadd.s32 s5, s8  }
0xe: {  	v41 =	vsel vm0, $0x3F800000, v38;
	s10 =	ssub.s32 s10, s11;
	v3 =	vor.u32 s12, v40;
	s11 =	sadd.s32 $0x100, s5;
	s12 =	sadd.s32 $0x110, s5  }
0xf: {  	v0 =	vor.u32 s28, v40;
	v1 =	vor.u32 s29, v40;
	v2 =	vor.u32 s30, v40;
	s28 =	sadd.s32 $0x160, s5;
	s29 =	sadd.s32 $0x170, s5;
	s30 =	sadd.s32 $0x180, s5  }
0x10: {  	v10 =	vor.u32 s19, v40;
	v11 =	vor.u32 s20, v40;
	v12 =	vor.u32 s31, v40;
	s19 =	sadd.s32 $0x190, s5;
	s20 =	sadd.s32 $0x1A0, s5;
	s31 =	sadd.s32 $0x1B0, s5  }
0x11: {  	v4 =	vor.u32 s13, v40;
	v13 =	vor.u32 s21, v40;
	v14 =	vor.u32 s22, v40;
	s21 =	sadd.s32 $0x1D0, s5;
	s22 =	sadd.s32 $0x1E0, s5;
	s13 =	sadd.s32 $0x1F0, s5  }
0x12: {  	v17 =	vor.u32 s23, v40;
	v18 =	vor.u32 s24, v40;
	s23 =	sadd.s32 $0x200, s5;
	s24 =	sadd.s32 $0x210, s5;
	v19 =	vor.u32 s25, v40;
	s25 =	sadd.s32 $0x220, s5  }
0x13: {  	v5 =	vor.u32 s14, v40;
	v6 =	vor.u32 s15, v40;
	v20 =	vor.u32 s26, v40;
	s26 =	sadd.s32 $0x230, s5;
	s14 =	simm.s32 $0x1;
	s15 =	simm.s32 $0xA880  }
0x14: {  	v7 =	vor.u32 s16, v40;
	v8 =	vor.u32 s17, v40;
	v9 =	vor.u32 s18, v40;
	s16 =	simm.s32 $0xA900;
	s17 =	simm.s32 $0xA980;
	s18 =	simm.s32 $0xAA00  }
0x15: {  	v26 =	vor.u32 s5, v40;
	s8 =	sshll.u32 s8, $0x4;
	v21 =	vor.u32 s28, v40;
	v22 =	vor.u32 s29, v40;
	s28 =	sadd.s32 $0x240, s5;
	s29 =	sadd.s32 $0x250, s5  }
0x16: {  	v15 =	vor.u32 s11, v40;
	v23 =	vor.u32 s30, v40;
	s30 =	sadd.s32 $0x260, s5;
	v27 =	vor.u32 s31, v40;
	s31 =	sadd.s32 $0x270, s5;
	s10 =	smax.u32 s10, $0x1  }
0x17: {  	v16 =	vor.u32 s12, v40;
	v24 =	vor.u32 s19, v40;
	v31 =	vor.u32 s13, v40;
	s11 =	simm.s32 $0x80;
	s12 =	simm.s32 $0xA800;
	s13 =	simm.s32 $0x6800  }
0x18: {  	v25 =	vor.u32 s20, v40;
	v29 =	vor.u32 s21, v40;
	v30 =	vor.u32 s22, v40;
	s19 =	simm.s32 $0x2800;
	s9 =	sadd.s32 s8, s6;
	s6 =	sor.u32 s0, s7  }
0x19: {  	v32 =	vor.u32 s23, v40;
	v33 =	vor.u32 s24, v40;
	v34 =	vor.u32 s25, v40;
	s20 =	simm.s32 $0x0;
	s8 =	sadd.s32 $0x1C0, s5;
	s6 =	smul.u32 $0x500, s6  }
0x1a: {  	v35 =	vor.u32 s26, v40;
	v36 =	vor.u32 s28, v40;
	s5 =	sadd.s32 $0x1800, s9;
	v28 =	vor.u32 s8, v40;
	s7 =	sadd.s32 $0x2800, s9;
	s8 =	sadd.s32 $0x3000, s9  }
0x1b: {  	v37 =	vor.u32 s29, v40;
	v39 =	vor.u32 s30, v40;
	v40 =	vor.u32 s31, v40;
	s4 =	sadd.s32 s4, s6;
	s6 =	sadd.s32 $0x2000, s9;
	s9 =	sadd.s32 $0x3800, s9  }
.LBB2_1:
0x1c: {  	s21 =	simm.s32 $0x0;
	s22 =	simm.s32 $0x200  }
.LBB2_2:
0x1d: {  	p0 =	sne.s32 s22, $0xFE00;
	[tilespmem:s21+$0x6870] =	vst v38  }
0x1e: {  	[tilespmem:s21+$0x2800] =	vst v41  }
0x1f: {  	[tilespmem:s21+$0x6800] =	vst v38  }
0x20: {  	[tilespmem:s21+$0x2810] =	vst v38  }
0x21: {  	[tilespmem:s21+$0x6810] =	vst v38  }
0x22: {  	[tilespmem:s21+$0x2820] =	vst v38  }
0x23: {  	[tilespmem:s21+$0x6820] =	vst v38  }
0x24: {  	[tilespmem:s21+$0x2830] =	vst v38  }
0x25: {  	[tilespmem:s21+$0x6830] =	vst v38  }
0x26: {  	[tilespmem:s21+$0x2840] =	vst v38  }
0x27: {  	[tilespmem:s21+$0x6840] =	vst v38  }
.Ltmp0:
0x28: {  	[tilespmem:s21+$0x2850] =	vst v38;
	(pc) =	sbr.rel @p0 .LBB2_2-.Ltmp0, $4  }
0x29: {  	[tilespmem:s21+$0x6850] =	vst v38  }
0x2a: {  	[tilespmem:s21+$0x2860] =	vst v38  }
0x2b: {  	[tilespmem:s21+$0x6860] =	vst v38  }
0x2c: {  	[tilespmem:s21+$0x2870] =	vst v38;
	s21 =	sshra.s32 s22, $0x2;
	s22 =	sadd.s32 $0x200, s22  }
0x2d: {  	[tilespmem:s21+$0x6870] =	vst v38  }
0x2e: {  	[tilespmem:s21+$0x2800] =	vst v41  }
0x2f: {  	[tilespmem:s21+$0x6800] =	vst v38  }
0x30: {  	[tilespmem:s21+$0x2810] =	vst v38  }
0x31: {  	[tilespmem:s21+$0x6810] =	vst v38  }
0x32: {  	[tilespmem:s21+$0x2820] =	vst v38  }
0x33: {  	[tilespmem:s21+$0x6820] =	vst v38  }
0x34: {  	[tilespmem:s21+$0x2830] =	vst v38  }
0x35: {  	[tilespmem:s21+$0x6830] =	vst v38  }
0x36: {  	[tilespmem:s21+$0x2840] =	vst v38  }
0x37: {  	[tilespmem:s21+$0x6840] =	vst v38  }
0x38: {  	[tilespmem:s21+$0x2850] =	vst v38  }
0x39: {  	[tilespmem:s21+$0x6850] =	vst v38  }
0x3a: {  	[tilespmem:s21+$0x2860] =	vst v38  }
0x3b: {  	[tilespmem:s21+$0x6860] =	vst v38  }
0x3c: {  	[tilespmem:s21+$0x2870] =	vst v38  }
0x3d: {  	[tilespmem:$0xA800] =	vst v26  }
0x3e: {  	[tilespmem:$0xA810] =	vst v0  }
0x3f: {  	[tilespmem:$0xA820] =	vst v1  }
0x40: {  	[tilespmem:$0xA830] =	vst v2  }
0x41: {  	[tilespmem:$0xA840] =	vst v3  }
0x42: {  	[tilespmem:$0xA850] =	vst v4  }
0x43: {  	[tilespmem:$0xA860] =	vst v5  }
0x44: {  	[tilespmem:$0xA870] =	vst v6  }
0x45: {  	[tilespmem:$0xA880] =	vst v7  }
0x46: {  	[tilespmem:$0xA890] =	vst v8  }
0x47: {  	[tilespmem:$0xA8A0] =	vst v9  }
0x48: {  	[tilespmem:$0xA8B0] =	vst v10  }
0x49: {  	[tilespmem:$0xA8C0] =	vst v11  }
0x4a: {  	[tilespmem:$0xA8D0] =	vst v12  }
0x4b: {  	[tilespmem:$0xA8E0] =	vst v13  }
0x4c: {  	[tilespmem:$0xA8F0] =	vst v14  }
0x4d: {  	[tilespmem:$0xA900] =	vst v15  }
0x4e: {  	[tilespmem:$0xA910] =	vst v16  }
0x4f: {  	[tilespmem:$0xA920] =	vst v17  }
0x50: {  	[tilespmem:$0xA930] =	vst v18  }
0x51: {  	[tilespmem:$0xA940] =	vst v19  }
0x52: {  	[tilespmem:$0xA950] =	vst v20  }
0x53: {  	[tilespmem:$0xA960] =	vst v21  }
0x54: {  	[tilespmem:$0xA970] =	vst v22  }
0x55: {  	[tilespmem:$0xA980] =	vst v23  }
0x56: {  	[tilespmem:$0xA990] =	vst v24  }
0x57: {  	[tilespmem:$0xA9A0] =	vst v25  }
0x58: {  	[tilespmem:$0xA9B0] =	vst v27  }
0x59: {  	[tilespmem:$0xA9C0] =	vst v28  }
0x5a: {  	[tilespmem:$0xA9D0] =	vst v29  }
0x5b: {  	[tilespmem:$0xA9E0] =	vst v30  }
0x5c: {  	[tilespmem:$0xA9F0] =	vst v31  }
0x5d: {  	[tilespmem:$0xAA00] =	vst v32  }
0x5e: {  	[tilespmem:$0xAA10] =	vst v33  }
0x5f: {  	[tilespmem:$0xAA20] =	vst v34  }
0x60: {  	[tilespmem:$0xAA30] =	vst v35  }
0x61: {  	[tilespmem:$0xAA40] =	vst v36  }
0x62: {  	[tilespmem:$0xAA50] =	vst v37  }
0x63: {  	[tilespmem:$0xAA60] =	vst v39  }
0x64: {  	[tilespmem:$0xAA70] =	vst v40  }
0x65: {  	[spmem:s2] =	stream.indirect.scatter [tilespmem:s13], [sflag:$0x1], $0x80, s12, s11, $0xb8;
	[tilespmem:$0x1EC00] =	vst v63  }
0x66: {  	_ =	swait.ge [sflag:s14], $0x4000  }
0x67: {  	[sflag:s14] =	ssyncset.done $0x0  }
0x68: {  	[sflag:s14] =	ssyncadd.s32 $0xFFFFC000  }
0x69: {  	[spmem:s2] =	stream.indirect.scatter [tilespmem:s13], [sflag:$0x1], $0x80, s15, s11, $0xb8;
	[tilespmem:$0x1EC00] =	vst v63  }
0x6a: {  	_ =	swait.ge [sflag:s14], $0x4000  }
0x6b: {  	[sflag:s14] =	ssyncset.done $0x0  }
0x6c: {  	[sflag:s14] =	ssyncadd.s32 $0xFFFFC000  }
0x6d: {  	[spmem:s2] =	stream.indirect.scatter [tilespmem:s13], [sflag:$0x1], $0x80, s16, s11, $0xb8;
	[tilespmem:$0x1EC00] =	vst v63  }
0x6e: {  	_ =	swait.ge [sflag:s14], $0x4000  }
0x6f: {  	[sflag:s14] =	ssyncset.done $0x0  }
0x70: {  	[sflag:s14] =	ssyncadd.s32 $0xFFFFC000  }
0x71: {  	[spmem:s2] =	stream.indirect.scatter [tilespmem:s13], [sflag:$0x1], $0x80, s17, s11, $0xb8;
	[tilespmem:$0x1EC00] =	vst v63  }
0x72: {  	_ =	swait.ge [sflag:s14], $0x4000  }
0x73: {  	[sflag:s14] =	ssyncset.done $0x0  }
0x74: {  	[sflag:s14] =	ssyncadd.s32 $0xFFFFC000  }
0x75: {  	[spmem:s2] =	stream.indirect.scatter [tilespmem:s13], [sflag:$0x1], $0x80, s18, s11, $0xb8;
	[tilespmem:$0x1EC00] =	vst v63  }
0x76: {  	_ =	swait.ge [sflag:s14], $0x4000  }
0x77: {  	[sflag:s14] =	ssyncset.done $0x0  }
0x78: {  	[sflag:s14] =	ssyncadd.s32 $0xFFFFC000  }
0x79: {  	s30 =	simm.s32 $0x0;
	[bflag:$0x0] =	sbarrier.arrive $0xFFFF  }
0x7a: {  	[tilespmem:s30], [sflag:$0x1] =	stream.linear.gather [hbm4b:s4+s30], $0x2800, $0x38;
	[tilespmem:$0x1EC00] =	vst v63  }
0x7b: {  	_ =	swait.ge [sflag:s14], $0x2800  }
0x7c: {  	[sflag:s14] =	ssyncset.done $0x0  }
0x7d: {  	s31 =	simm.s32 $0x0;
	[sflag:s14] =	ssyncadd.s32 $0xFFFFD800  }
0x7e: {  	[spmem:s2] =	stream.indirect.scatter.add.f32 [tilespmem:s19], [sflag:$0x1], $0x80, s31, s11, $0xb8;
	[tilespmem:$0x1EC00] =	vst v63  }
0x7f: {  	_ =	swait.ge [sflag:s14], $0x4000  }
0x80: {  	s21 =	simm.s32 $0x200;
	[sflag:s14] =	ssyncset.done $0x0  }
.LBB2_4:
0x81: {  	s22 =	sshra.s32 s21, $0x2;
	[sflag:s14] =	ssyncadd.s32 $0xFFFFC000;
	p0 =	sne.s32 s21, $0x9E00  }
0x82: {  	[spmem:s2] =	stream.indirect.scatter.add.f32 [tilespmem:s19], [sflag:$0x1], $0x80, s22, s11, $0xb8;
	[tilespmem:$0x1EC00] =	vst v63  }
.Ltmp1:
0x83: {  	_ = 	snop;
	(pc) =	sbr.rel @p0 .LBB2_4-.Ltmp1, $4  }
0x84: {  	_ = 	snop  }
0x85: {  	s21 =	sadd.s32 $0x200, s21  }
0x86: {  	_ =	swait.ge [sflag:s14], $0x4000  }
0x87: {  	[sflag:s14] =	ssyncset.done $0x0  }
0x88: {  	[sflag:s14] =	ssyncadd.s32 $0xFFFFC000  }
0x89: {  	[bflag:$0x0] =	sbarrier.arrive $0xFFFF  }
0x8a: {  	[tilespmem:s13], [sflag:$0x1] =	stream.indirect.gather [spmem:s2], $0x80, s12, s11, $0xb8;
	[tilespmem:$0x1EC00] =	vst v63  }
0x8b: {  	_ =	swait.ge [sflag:s14], $0x4000  }
0x8c: {  	[sflag:s14] =	ssyncset.done $0x0  }
0x8d: {  	[sflag:s14] =	ssyncadd.s32 $0xFFFFC000  }
0x8e: {  	[hbm4b:s5+s3] =	stream.linear.scatter [tilespmem:s13], [sflag:$0x1], $0x4000, $0x38;
	[tilespmem:$0x1EC00] =	vst v63  }
0x8f: {  	_ =	swait.ge [sflag:s14], $0x4000  }
0x90: {  	[sflag:s14] =	ssyncset.done $0x0  }
0x91: {  	[sflag:s14] =	ssyncadd.s32 $0xFFFFC000  }
0x92: {  	[tilespmem:s13], [sflag:$0x1] =	stream.indirect.gather [spmem:s2], $0x80, s15, s11, $0xb8;
	[tilespmem:$0x1EC00] =	vst v63  }
0x93: {  	_ =	swait.ge [sflag:s14], $0x4000  }
0x94: {  	[sflag:s14] =	ssyncset.done $0x0  }
0x95: {  	[sflag:s14] =	ssyncadd.s32 $0xFFFFC000  }
0x96: {  	[hbm4b:s6+s3] =	stream.linear.scatter [tilespmem:s13], [sflag:$0x1], $0x4000, $0x38;
	[tilespmem:$0x1EC00] =	vst v63  }
0x97: {  	_ =	swait.ge [sflag:s14], $0x4000  }
0x98: {  	[sflag:s14] =	ssyncset.done $0x0  }
0x99: {  	[sflag:s14] =	ssyncadd.s32 $0xFFFFC000  }
0x9a: {  	[tilespmem:s13], [sflag:$0x1] =	stream.indirect.gather [spmem:s2], $0x80, s16, s11, $0xb8;
	[tilespmem:$0x1EC00] =	vst v63  }
0x9b: {  	_ =	swait.ge [sflag:s14], $0x4000  }
0x9c: {  	[sflag:s14] =	ssyncset.done $0x0  }
0x9d: {  	[sflag:s14] =	ssyncadd.s32 $0xFFFFC000  }
0x9e: {  	[hbm4b:s7+s3] =	stream.linear.scatter [tilespmem:s13], [sflag:$0x1], $0x4000, $0x38;
	[tilespmem:$0x1EC00] =	vst v63  }
0x9f: {  	_ =	swait.ge [sflag:s14], $0x4000  }
0xa0: {  	[sflag:s14] =	ssyncset.done $0x0  }
0xa1: {  	[sflag:s14] =	ssyncadd.s32 $0xFFFFC000  }
0xa2: {  	[tilespmem:s13], [sflag:$0x1] =	stream.indirect.gather [spmem:s2], $0x80, s17, s11, $0xb8;
	[tilespmem:$0x1EC00] =	vst v63  }
0xa3: {  	_ =	swait.ge [sflag:s14], $0x4000  }
0xa4: {  	[sflag:s14] =	ssyncset.done $0x0  }
0xa5: {  	[sflag:s14] =	ssyncadd.s32 $0xFFFFC000  }
0xa6: {  	[hbm4b:s8+s3] =	stream.linear.scatter [tilespmem:s13], [sflag:$0x1], $0x4000, $0x38;
	[tilespmem:$0x1EC00] =	vst v63  }
0xa7: {  	_ =	swait.ge [sflag:s14], $0x4000  }
0xa8: {  	[sflag:s14] =	ssyncset.done $0x0  }
0xa9: {  	[sflag:s14] =	ssyncadd.s32 $0xFFFFC000  }
0xaa: {  	[tilespmem:s13], [sflag:$0x1] =	stream.indirect.gather [spmem:s2], $0x80, s18, s11, $0xb8;
	[tilespmem:$0x1EC00] =	vst v63  }
0xab: {  	s20 =	sadd.s32 $0x1, s20;
	_ =	swait.ge [sflag:s14], $0x4000  }
0xac: {  	p0 =	sne.s32 s20, s10;
	[sflag:s14] =	ssyncset.done $0x0  }
.Ltmp2:
0xad: {  	[sflag:s14] =	ssyncadd.s32 $0xFFFFC000;
	(pc) =	sbr.rel @p0 .LBB2_1-.Ltmp2, $4  }
0xae: {  	[hbm4b:s9+s3] =	stream.linear.scatter [tilespmem:s13], [sflag:$0x1], $0x4000, $0x38;
	[tilespmem:$0x1EC00] =	vst v63  }
0xaf: {  	_ =	swait.ge [sflag:s14], $0x4000  }
0xb0: {  	[sflag:s14] =	ssyncset.done $0x0  }
0xb1: {  	[sflag:s14] =	ssyncadd.s32 $0xFFFFC000  }
0xb2: {  	_ =	sfence.sel $0x180000  }
0xb3: {  	[bflag:$0x0] =	sbarrier.arrive $0xFFFF  }
0xb4: {  	p0 =	sne.s32 s0, $0x0;
	_ =	strace $0x90000047  }
0xb5: {  	s0 =	sadd.s32 @!p0 $0x100000, s1;
	[bflag:$0x2] =	sbarrier.arrive $0xFFFF  }
0xb6: {  	[sflag:s0] =	ssyncadd.tile.s32 @!p0 $0x1;
	_ =	shalt  }
.Lfunc_end2:
_tile_overlayer_lowered:
.L_overlay_start_2:
0xb7: {  	(tag) =	ssettag $0x2  }
0xb8: {  	s0 =	rddreg [dreg:$0x0];
	s2 =	stileid.u32  }
0xb9: {  	s1 =	rddreg [dreg:$0x1];
	p0 =	sne.s32 s2, $0x0  }
0xba: {  	s3 =	rddreg [dreg:$0x2];
	[bflag:$0x3] =	sbarrier.arrive $0xFFFF;
	s2 =	simm.s32 @!p0 $0x1C01  }
0xbb: {  	[timem:s3], [sflag:s2] =	dma.local @!p0 [hbm:s0], s1  }
0xbc: {  	s0 =	simm.s32 @!p0 $0x1  }
0xbd: {  	_ =	swait.ge @!p0 [sflag:s0], s1  }
0xbe: {  	s1 =	ssub.s32 @!p0 $0x0, s1;
	[sflag:s0] =	ssyncset.done @!p0 $0x0  }
0xbf: {  	[sflag:s0] =	ssyncadd.s32 @!p0 s1  }
0xc0: {  	[bflag:$0x3] =	sbarrier.arrive $0xFFFF  }
0xc1: {  	_ =	shalt  }

// kernel: kernel.9.cloned.1.call-start
scs
__scs_entry_jumppad:
0x0: {  	(pc) =	sbr.rel $0x88, $3  }
0x1: {  	(tag) =	ssettag $0x0;
	lr =	simm.s32 $0x1  }
0x2: {  	[smem:$0x3F9D] =	sst lr;
	_ =	strace $0xD0000000  }
0x3: {  	_ = 	snop  }
0x4: {  	_ = 	snop  }
0x5: {  	_ = 	snop  }
0x6: {  	_ = 	snop  }
0x7: {  	_ = 	snop  }
__scs_overlays_trampoline_lowered:
0x8: {  	[smem:$0x3FAC] =	sst s0  }
0x9: {  	[smem:$0x3FAD] =	sst s1  }
0xa: {  	[smem:$0x3FAE] =	sst s2  }
0xb: {  	[smem:$0x3FAF] =	sst s3  }
0xc: {  	[smem:$0x3FB0] =	sst s4  }
0xd: {  	[smem:$0x3FB1] =	sst s5  }
0xe: {  	[smem:$0x3FB2] =	sst s6  }
0xf: {  	[smem:$0x3FB3] =	sst s7  }
0x10: {  	[smem:$0x3FB4] =	sst s8  }
0x11: {  	[smem:$0x3FB5] =	sst s9;
	s0 =	simm.s32 @!p0 $0x0  }
0x12: {  	s1 =	sld [smem:$0x3F9B];
	s0 =	simm.s32 @p0 $0x1  }
0x13: {  	[smem:$0x3FB6] =	sst s0;
	s0 =	simm.s32 @!p1 $0x0  }
0x14: {  	s2 =	sld [smem:$0x3F9A];
	s0 =	simm.s32 @p1 $0x1  }
0x15: {  	[smem:$0x3FB7] =	sst s0;
	s0 =	simm.s32 @!p2 $0x0  }
0x16: {  	s3 =	sld [smem:$0x3FDB];
	s0 =	simm.s32 @p2 $0x1  }
0x17: {  	s4 =	simm.s32 $0x1BF5;
	[smem:$0x3FB9] =	sst s0  }
0x18: {  	s0 =	sld [smem:$0x3F9C];
	_ =	swait.ge [sflag:s4], $0x0  }
0x19: {  	s7 =	sld [smem:$0x3F9D]  }
0x1a: {  	s8 =	sadd.s32 $0xFFFFE003, lr  }
0x1b: {  	s9 =	sadd.s32 $0xFFFFFEF7, lr;
	s5 =	simm.s32 $0xFFFFFFFF;
	p2 =	slt.u32 s8, $0xFFFFF086  }
0x1c: {  	p1 =	slt.u32 s9, $0xF7A;
	s5 =	simm.s32 @!p2 $0x0  }
0x1d: {  	s5 =	simm.s32 @p1 $0x1;
	p0 =	seq.s32 s7, s2  }
0x1e: {  	s7 =	smul.u32 @!p0 $0xF7A, s2;
	p2 =	seq.s32 @!p0 s5, $0x0  }
0x1f: {  	s9 =	smul.u32 $0xF7A, s1;
	s8 =	simm.s32 @!p0 $0x1BF5;
	p2 =	por !p2, p0  }
0x20: {  	[sflag:s8] =	ssyncset.s32 @!p0 $0xFFFFF086;
	s6 =	sadd.s32 @!p0 s3, s7;
	s7 =	simm.s32 @!p0 $0x108  }
0x21: {  	s3 =	sadd.s32 s3, s9;
	s6 =	sadd.s32 @!p0 $0x88, s6;
	s7 =	simm.s32 @p2 $0x1082  }
0x22: {  	[simem:s7], [sflag:s8] =	dma.local @!p0 [hbm:s6], $0xF7A  }
0x23: {  	s9 =	sor.u32 $0xD0000000, s2;
	s6 =	simm.s32 $0x108;
	_ =	swait.ge @!p0 [sflag:s8], $0x0  }
0x24: {  	s3 =	sadd.s32 $0x88, s3;
	s6 =	simm.s32 @!p1 $0x1082;
	[sflag:s4] =	ssyncset.s32 $0xFFFFF086  }
0x25: {  	[simem:s6], [sflag:s4] =	dma.local [hbm:s3], $0xF7A  }
0x26: {  	[smem:$0x3F9D] =	sst s1;
	(tag) =	ssettag s2;
	_ =	strace s9  }
0x27: {  	s1 =	sld [smem:$0x3FAD]  }
0x28: {  	s2 =	sld [smem:$0x3FAE]  }
0x29: {  	s4 =	sld [smem:$0x3FB0]  }
0x2a: {  	p0 =	seq.s32 s5, $0x0;
	s5 =	sld [smem:$0x3FB1]  }
0x2b: {  	s6 =	sld [smem:$0x3FB2]  }
0x2c: {  	s7 =	sld [smem:$0x3FB3]  }
0x2d: {  	s3 =	simm.s32 $0x108;
	s8 =	sld [smem:$0x3FB4]  }
0x2e: {  	s3 =	simm.s32 @!p0 $0x1082;
	s9 =	sld [smem:$0x3FB5]  }
0x2f: {  	lr =	sadd.s32 s0, s3;
	s0 =	sld [smem:$0x3FAC]  }
0x30: {  	s3 =	sld [smem:$0x3FAF]  }
0x31: {  	[smem:$0x3FB8] =	sst s10  }
0x32: {  	s10 =	sld [smem:$0x3FB6];
	_ =	sdelay $0x3  }
0x33: {  	p0 =	seq.s32 s10, $0x1;
	s10 =	sld [smem:$0x3FB8];
	_ =	sdelay $0x3  }
0x34: {  	[smem:$0x3FB8] =	sst s10  }
0x35: {  	s10 =	sld [smem:$0x3FB7];
	_ =	sdelay $0x3  }
0x36: {  	p1 =	seq.s32 s10, $0x1;
	s10 =	sld [smem:$0x3FB8];
	_ =	sdelay $0x3  }
0x37: {  	[smem:$0x3FB8] =	sst s10  }
0x38: {  	s10 =	sld [smem:$0x3FB9]  }
0x39: {  	_ = 	snop;
	(pc) =	sbr.ind lr, $3  }
0x3a: {  	_ = 	snop  }
0x3b: {  	_ = 	snop  }
0x3c: {  	p2 =	seq.s32 s10, $0x1;
	s10 =	sld [smem:$0x3FB8]  }
0x3d: {  	_ =	shalt  }
0x3e: {  	_ =	shalt  }
0x3f: {  	_ =	shalt  }
0x40: {  	_ =	shalt  }
0x41: {  	_ =	shalt  }
0x42: {  	_ =	shalt  }
0x43: {  	_ =	shalt  }
0x44: {  	_ =	shalt  }
0x45: {  	_ =	shalt  }
0x46: {  	_ =	shalt  }
0x47: {  	_ =	shalt  }
0x48: {  	_ =	shalt  }
0x49: {  	_ =	shalt  }
0x4a: {  	_ =	shalt  }
0x4b: {  	_ =	shalt  }
0x4c: {  	_ =	shalt  }
0x4d: {  	_ =	shalt  }
0x4e: {  	_ =	shalt  }
0x4f: {  	_ =	shalt  }
0x50: {  	_ =	shalt  }
0x51: {  	_ =	shalt  }
0x52: {  	_ =	shalt  }
0x53: {  	_ =	shalt  }
0x54: {  	_ =	shalt  }
0x55: {  	_ =	shalt  }
0x56: {  	_ =	shalt  }
0x57: {  	_ =	shalt  }
0x58: {  	_ =	shalt  }
0x59: {  	_ =	shalt  }
0x5a: {  	_ =	shalt  }
0x5b: {  	_ =	shalt  }
0x5c: {  	_ =	shalt  }
0x5d: {  	_ =	shalt  }
0x5e: {  	_ =	shalt  }
0x5f: {  	_ =	shalt  }
0x60: {  	_ =	shalt  }
0x61: {  	_ =	shalt  }
0x62: {  	_ =	shalt  }
0x63: {  	_ =	shalt  }
0x64: {  	_ =	shalt  }
0x65: {  	_ =	shalt  }
0x66: {  	_ =	shalt  }
0x67: {  	_ =	shalt  }
0x68: {  	_ =	shalt  }
0x69: {  	_ =	shalt  }
0x6a: {  	_ =	shalt  }
0x6b: {  	_ =	shalt  }
0x6c: {  	_ =	shalt  }
0x6d: {  	_ =	shalt  }
0x6e: {  	_ =	shalt  }
0x6f: {  	_ =	shalt  }
0x70: {  	_ =	shalt  }
0x71: {  	_ =	shalt  }
0x72: {  	_ =	shalt  }
0x73: {  	_ =	shalt  }
0x74: {  	_ =	shalt  }
0x75: {  	_ =	shalt  }
0x76: {  	_ =	shalt  }
0x77: {  	_ =	shalt  }
0x78: {  	_ =	shalt  }
0x79: {  	_ =	shalt  }
0x7a: {  	_ =	shalt  }
0x7b: {  	_ =	shalt  }
0x7c: {  	_ =	shalt  }
0x7d: {  	_ =	shalt  }
0x7e: {  	_ =	shalt  }
0x7f: {  	_ =	shalt  }
0x80: {  	_ =	shalt  }
0x81: {  	_ =	shalt  }
0x82: {  	_ =	shalt  }
0x83: {  	_ =	shalt  }
0x84: {  	_ =	shalt  }
0x85: {  	_ =	shalt  }
0x86: {  	_ =	shalt  }
0x87: {  	_ =	shalt  }
.Lfunc_end0:
.L_simem_size_0:
called_computation.1_lowered:
.L_overlay_start_0:
0x88: {  	s2 =	sld [smem:$0x3FD9]  }
0x89: {  	s3 =	sld [smem:$0x3FFE];
	_ =	sdelay $0x1  }
0x8a: {  	s1 =	srdreg.scid  }
0x8b: {  	s0 =	sand.u32 $0x1, s1  }
0x8c: {  	s17 =	sshll.u32 s0, $0xA;
	s2 =	sadd.s32 s3, s2  }
0x8d: {  	s2 =	sadd.s32 s2, s17  }
0x8e: {  	[smem:$0x3FC4] =	sst s2  }
0x8f: {  	_ = 	snop  }
0x90: {  	s2 =	sld [smem:$0x3FD0];
	(tm) =	ssettm $0x1  }
0x91: {  	s18 =	sld [smem:$0x3FFB];
	_ =	sdelay $0x3  }
0x92: {  	_ =	strace s18  }
0x93: {  	s3 =	sld [smem:$0x3FFC];
	_ =	sdelay $0x3  }
0x94: {  	_ =	strace s3  }
0x95: {  	s3 =	sld [smem:$0x3FFD];
	_ =	sdelay $0x3  }
0x96: {  	_ =	strace s3  }
0x97: {  	_ =	strace $0x8FFFFFFF  }
0x98: {  	s19 =	sld [smem:$0x3FDB];
	_ =	sdelay $0x1  }
0x99: {  	s4 =	simm.s32 $_scs_section_size  }
0x9a: {  	s5 =	simm.s32 $_size__tile_overlayer_lowered;
	s6 =	simm.s32 $_tile_overlayer_lowered  }
0x9b: {  	s22 =	simm.s32 $0x1BFF;
	s21 =	sshll.u32 s6, $0x1;
	s3 =	sadd.s32 s4, s19  }
0x9c: {  	s7 =	simm.s32 $0x0;
	s20 =	sshll.u32 s5, $0x1;
	s5 =	sadd.s32 s21, s3  }
0x9d: {  	[timem:s7], [sflag:s22] =	dma.local [hbm:s5], s20  }
0x9e: {  	_ =	swait.ge [sflag:s22], s20  }
0x9f: {  	s4 =	ssub.s32 $0x0, s20;
	[sflag:s22] =	ssyncset.done $0x0  }
0xa0: {  	[sflag:s22] =	ssyncadd.s32 s4;
	_ =	sdelay $0x1  }
0xa1: {  	s23 =	simm.s32 $0x1B8B  }
0xa2: {  	_ =	swait.ge [sflag:s23], $0x1  }
0xa3: {  	[sflag:s23] =	ssyncset.done $0x0  }
0xa4: {  	s25 =	simm.s32 $0x1B8E;
	s24 =	sld [smem:$0x3FFE];
	[sflag:s23] =	ssyncadd.s32 $0xFFFFFFFF  }
0xa5: {  	s26 =	simm.s32 $execute0_lowered;
	[smem:$0x3FD2] =	sst s25  }
0xa6: {  	s5 =	sshll.u32 s26, $0x1;
	_ =	strace $0x80000049;
	[dreg:$0x1] =	wrdreg $0xFFFFFFFF  }
0xa7: {  	s28 =	simm.s32 $_size_execute0_lowered;
	s3 =	sadd.s32 s3, s5;
	[dreg:$0x0] =	wrdreg $0x0  }
0xa8: {  	s5 =	sshll.u32 s28, $0x1;
	[dreg:$0x2] =	wrdreg s3  }
0xa9: {  	[dreg:$0x3] =	wrdreg s5  }
0xaa: {  	[dreg:$0x4] =	wrdreg $0xC0  }
0xab: {  	_ =	task [dreg:s7], $0x5FFFF  }
0xac: {  	[dreg:$0x1] =	wrdreg $0xFFFFFFFF  }
0xad: {  	[dreg:$0x0] =	wrdreg $0x60  }
0xae: {  	[dreg:$0x2] =	wrdreg s24  }
0xaf: {  	[dreg:$0x3] =	wrdreg s2  }
0xb0: {  	[dreg:$0x4] =	wrdreg $0xAC000  }
0xb1: {  	[dreg:$0x5] =	wrdreg $0x9  }
0xb2: {  	_ =	task.clear_ibuf [dreg:s7], $0x6FFFF;
	_ =	strace $0x90000049  }
0xb3: {  	s29 =	simm.s32 $0x9;
	_ =	strace $0x8000004B  }
0xb4: {  	_ =	swait.ge [sflag:s29], $0x1  }
0xb5: {  	[sflag:s29] =	ssyncadd.s32 $0xFFFFFFFF  }
0xb6: {  	_ =	strace $0x9000004B  }
0xb7: {  	_ =	sfence  }
0xb8: {  	s30 =	sld [smem:$0x0];
	_ =	sdelay $0x2  }
0xb9: {  	s31 =	sshll.u32 s1, $0xD;
	s1 =	sshrl.u32 s1, $0x2  }
0xba: {  	s3 =	sand.u32 $0x4000, s31;
	s1 =	sadd.s32 s1, s30  }
0xbb: {  	s0 =	sor.u32 s3, s0;
	s1 =	sshll.u32 s1, $0x11  }
0xbc: {  	s0 =	sor.u32 s1, s0  }
0xbd: {  	s0 =	sadd.s32 $0x8F2B, s0  }
0xbe: {  	[sflag:s0] =	ssyncadd.remote.s32 $0x1  }
0xbf: {  	_ =	sfence.sel $0xFFFF  }
0xc0: {  	[dreg:$0x0] =	wrdreg $0xFFFFFFFF;
	(pc) =	sbr.abs _section_cstart, $3  }
0xc1: {  	[dreg:$0x1] =	wrdreg $0xFFFFFFFF  }
0xc2: {  	_ =	task.clear_ibuf [dreg:s7], $0x2FFFF;
	_ =	strace $0x9FFFFFFF  }
0xc3: {  	(tm) =	ssettm $0x7FFFFFFF  }
tec
execute0_lowered:
.L_overlay_start_1:
0x0: {  	(tag) =	ssettag $0x1  }
0x1: {  	s0 =	rddreg [dreg:$0x0]  }
0x2: {  	s1 =	rddreg [dreg:$0x1]  }
0x3: {  	s3 =	srdreg.scid;
	s16 =	stileid.u32  }
0x4: {  	s2 =	rddreg [dreg:$0x2];
	s5 =	sand.u32 $0x1, s3;
	s9 =	smul.u32 $0x280, s16  }
0x5: {  	s3 =	simm.s32 $0x0;
	s10 =	sadd.s32 $0x51800, s0;
	s25 =	sshll.u32 s16, $0x1  }
0x6: {  	s4 =	smul.u32 $0x2800, s5;
	[smem:$0x7FF] =	sst s3;
	s7 =	ssub.s32 $0x2, s5  }
0x7: {  	s5 =	sshll.u32 s5, $0x5;
	_ =	strace $0x8000004A;
	s8 =	sshrl.u32 s7, $0x1  }
0x8: {  	s11 =	sor.u32 $0x20, s9;
	s12 =	sor.u32 $0x30, s9;
	s15 =	sor.u32 $0x40, s9  }
0x9: {  	s16 =	sor.u32 $0x50, s9;
	s17 =	sor.u32 $0x60, s9;
	s5 =	sor.u32 s25, s5  }
0xa: {  	s18 =	sor.u32 $0x70, s9;
	s19 =	sadd.s32 $0x80, s9;
	s20 =	sadd.s32 $0x90, s9  }
0xb: {  	s21 =	sadd.s32 $0xA0, s9;
	s22 =	sadd.s32 $0xB0, s9;
	s23 =	sadd.s32 $0xC0, s9  }
0xc: {  	s24 =	sadd.s32 $0xD0, s9;
	s28 =	sadd.s32 $0x120, s9;
	s29 =	sadd.s32 $0x130, s9  }
0xd: {  	s30 =	sadd.s32 $0x160, s9;
	s31 =	sadd.s32 $0x190, s9;
	s6 =	sadd.s32 s9, s4  }
0xe: {  	v39 =	vlaneseq.u32;
	s4 =	sadd.s32 $0x1800, s0;
	s14 =	ssub.s32 s7, s8;
	s26 =	smul.u32 $0x280, s5  }
0xf: {  	s7 =	sadd.s32 $0xF0, s9;
	v1 =	vor.u32 s11, v39;
	s11 =	sadd.s32 $0x150, s9;
	v3 =	vor.u32 s15, v39;
	s15 =	sadd.s32 $0x170, s9  }
0x10: {  	v4 =	vor.u32 s16, v39;
	s16 =	sadd.s32 $0x180, s9;
	v5 =	vor.u32 s17, v39;
	v6 =	vor.u32 s18, v39;
	s17 =	sadd.s32 $0x1A0, s9;
	s18 =	sadd.s32 $0x1B0, s9  }
0x11: {  	v7 =	vor.u32 s19, v39;
	s19 =	sadd.s32 $0x1C0, s9;
	v8 =	vor.u32 s20, v39;
	v9 =	vor.u32 s21, v39;
	s20 =	sadd.s32 $0x1D0, s9;
	s21 =	sadd.s32 $0x1E0, s9  }
0x12: {  	v10 =	vor.u32 s22, v39;
	s22 =	sadd.s32 $0x1F0, s9;
	v11 =	vor.u32 s23, v39;
	v12 =	vor.u32 s24, v39;
	s23 =	sadd.s32 $0x210, s9;
	s24 =	sadd.s32 $0x220, s9  }
0x13: {  	v17 =	vor.u32 s28, v39;
	v18 =	vor.u32 s29, v39;
	s29 =	sadd.s32 $0x260, s9;
	v22 =	vor.u32 s30, v39;
	s28 =	simm.s32 $0x1380;
	s30 =	simm.s32 $0x2780  }
0x14: {  	v25 =	vor.u32 s31, v39;
	s31 =	simm.s32 $0x0;
	s6 =	sshll.u32 s6, $0x4;
	v14 =	vor.u32 s7, v39;
	s7 =	sadd.s32 $0x270, s9  }
0x15: {  	v23 =	vor.u32 s15, v39;
	v24 =	vor.u32 s16, v39;
	s14 =	smax.u32 s14, $0x1;
	s15 =	simm.s32 $0x80;
	s16 =	simm.s32 $0xA800  }
0x16: {  	v26 =	vor.u32 s17, v39;
	v27 =	vor.u32 s18, v39;
	v28 =	vor.u32 s19, v39;
	s17 =	simm.s32 $0x2800;
	s18 =	simm.s32 $0x3;
	s19 =	simm.s32 $0xA880  }
0x17: {  	v29 =	vor.u32 s20, v39;
	v30 =	vor.u32 s21, v39;
	v31 =	vor.u32 s22, v39;
	s20 =	simm.s32 $0xA900;
	s21 =	simm.s32 $0xA980;
	s22 =	simm.s32 $0xAA00  }
0x18: {  	v33 =	vor.u32 s23, v39;
	v34 =	vor.u32 s24, v39;
	s23 =	simm.s32 $0x1400;
	s24 =	simm.s32 $0x6800;
	v38 =	vor.u32 s29, v39;
	s29 =	simm.s32 $0x2700  }
0x19: {  	s13 =	sadd.s32 s6, s0;
	s6 =	smul.u32 $0x1400, s5;
	s5 =	sadd.s32 s10, s26  }
0x1a: {  	s0 =	sor.u32 $0x10, s9;
	s25 =	sadd.s32 s1, s26;
	[dreg:$0x4] =	wrdreg s5  }
0x1b: {  	[dreg:$0x5] =	wrdreg s25;
	s25 =	sadd.s32 $0x100, s9;
	v0 =	vor.u32 s0, v39;
	s0 =	sadd.s32 $0x140, s9  }
0x1c: {  	v21 =	vor.u32 s11, v39;
	s5 =	sadd.s32 $0x240, s9;
	s11 =	sadd.s32 $0x5C800, s13;
	s6 =	sshrl.u32 s6, $0x3  }
0x1d: {  	v2 =	vor.u32 s12, v39;
	s12 =	sadd.s32 $0x5D000, s13;
	v15 =	vor.u32 s25, v39;
	s25 =	simm.s32 $0x1;
	s6 =	sadd.s32 $0x280, s6  }
0x1e: {  	v40 =	vimm.f32 $0.0e+00;
	s26 =	sadd.s32 s10, s6;
	s8 =	sadd.s32 s1, s6;
	s6 =	sadd.s32 $0xE0, s9  }
0x1f: {  	v19 =	vor.u32 s9, v39;
	v20 =	vor.u32 s0, v39;
	v36 =	vor.u32 s5, v39;
	s1 =	sadd.s32 $0x200, s9;
	[dreg:$0x6] =	wrdreg s26;
	s26 =	sadd.s32 $0x110, s9  }
0x20: {  	s10 =	sadd.s32 $0x5C000, s13;
	v13 =	vor.u32 s6, v39;
	s6 =	sadd.s32 $0x250, s9;
	v32 =	vor.u32 s1, v39;
	v16 =	vor.u32 s26, v39;
	s26 =	sadd.s32 $0x230, s9  }
0x21: {  	s9 =	sadd.s32 $0x5B800, s13;
	s13 =	sadd.s32 $0x5D800, s13;
	v37 =	vor.u32 s6, v39;
	v35 =	vor.u32 s26, v39;
	s26 =	simm.s32 $0x2;
	v39 =	vor.u32 s7, v39  }
.LBB2_1:
0x22: {  	s1 =	simm.s32 $0x0;
	s0 =	simm.s32 $0x200  }
.LBB2_2:
0x23: {  	p0 =	sne.s32 s0, $0xFE00;
	[tilespmem:s1+$0x2870] =	vst v40  }
0x24: {  	[tilespmem:s1+$0x2800] =	vst v40  }
0x25: {  	[tilespmem:s1+$0x2810] =	vst v40  }
.Ltmp0:
0x26: {  	[tilespmem:s1+$0x2820] =	vst v40;
	(pc) =	sbr.rel @p0 .LBB2_2-.Ltmp0, $4  }
0x27: {  	[tilespmem:s1+$0x2830] =	vst v40  }
0x28: {  	[tilespmem:s1+$0x2840] =	vst v40  }
0x29: {  	[tilespmem:s1+$0x2850] =	vst v40  }
0x2a: {  	[tilespmem:s1+$0x2860] =	vst v40;
	s1 =	sshra.s32 s0, $0x2;
	s0 =	sadd.s32 $0x200, s0  }
0x2b: {  	[tilespmem:s1+$0x2870] =	vst v40  }
0x2c: {  	[tilespmem:s1+$0x2800] =	vst v40  }
0x2d: {  	[tilespmem:s1+$0x2810] =	vst v40  }
0x2e: {  	[tilespmem:s1+$0x2820] =	vst v40  }
0x2f: {  	[tilespmem:s1+$0x2830] =	vst v40  }
0x30: {  	[tilespmem:s1+$0x2840] =	vst v40  }
0x31: {  	[tilespmem:s1+$0x2850] =	vst v40  }
0x32: {  	[tilespmem:s1+$0x2860] =	vst v40  }
0x33: {  	[tilespmem:$0xA800] =	vst v19  }
0x34: {  	[tilespmem:$0xA810] =	vst v0  }
0x35: {  	[tilespmem:$0xA820] =	vst v1  }
0x36: {  	[tilespmem:$0xA830] =	vst v2  }
0x37: {  	[tilespmem:$0xA840] =	vst v3  }
0x38: {  	[tilespmem:$0xA850] =	vst v4  }
0x39: {  	[tilespmem:$0xA860] =	vst v5  }
0x3a: {  	[tilespmem:$0xA870] =	vst v6  }
0x3b: {  	[tilespmem:$0xA880] =	vst v7  }
0x3c: {  	[tilespmem:$0xA890] =	vst v8  }
0x3d: {  	[tilespmem:$0xA8A0] =	vst v9  }
0x3e: {  	[tilespmem:$0xA8B0] =	vst v10  }
0x3f: {  	[tilespmem:$0xA8C0] =	vst v11  }
0x40: {  	[tilespmem:$0xA8D0] =	vst v12  }
0x41: {  	[tilespmem:$0xA8E0] =	vst v13  }
0x42: {  	[tilespmem:$0xA8F0] =	vst v14  }
0x43: {  	[tilespmem:$0xA900] =	vst v15  }
0x44: {  	[tilespmem:$0xA910] =	vst v16  }
0x45: {  	[tilespmem:$0xA920] =	vst v17  }
0x46: {  	[tilespmem:$0xA930] =	vst v18  }
0x47: {  	[tilespmem:$0xA940] =	vst v20  }
0x48: {  	[tilespmem:$0xA950] =	vst v21  }
0x49: {  	[tilespmem:$0xA960] =	vst v22  }
0x4a: {  	[tilespmem:$0xA970] =	vst v23  }
0x4b: {  	[tilespmem:$0xA980] =	vst v24  }
0x4c: {  	[tilespmem:$0xA990] =	vst v25  }
0x4d: {  	[tilespmem:$0xA9A0] =	vst v26  }
0x4e: {  	[tilespmem:$0xA9B0] =	vst v27  }
0x4f: {  	[tilespmem:$0xA9C0] =	vst v28  }
0x50: {  	[tilespmem:$0xA9D0] =	vst v29  }
0x51: {  	[tilespmem:$0xA9E0] =	vst v30  }
0x52: {  	[tilespmem:$0xA9F0] =	vst v31  }
0x53: {  	[tilespmem:$0xAA00] =	vst v32  }
0x54: {  	[tilespmem:$0xAA10] =	vst v33  }
0x55: {  	[tilespmem:$0xAA20] =	vst v34  }
0x56: {  	[tilespmem:$0xAA30] =	vst v35  }
0x57: {  	[tilespmem:$0xAA40] =	vst v36  }
0x58: {  	[tilespmem:$0xAA50] =	vst v37  }
0x59: {  	[tilespmem:$0xAA60] =	vst v38  }
0x5a: {  	[tilespmem:$0xAA70] =	vst v39  }
0x5b: {  	[spmem:s2] =	stream.indirect.scatter [tilespmem:s17], [sflag:$0x3], $0x80, s16, s15, $0xb8;
	[tilespmem:$0x1EC00] =	vst v63  }
0x5c: {  	_ =	swait.ge [sflag:s18], $0x4000  }
0x5d: {  	[sflag:s18] =	ssyncset.done $0x0  }
0x5e: {  	[sflag:s18] =	ssyncadd.s32 $0xFFFFC000  }
0x5f: {  	[spmem:s2] =	stream.indirect.scatter [tilespmem:s17], [sflag:$0x3], $0x80, s19, s15, $0xb8;
	[tilespmem:$0x1EC00] =	vst v63  }
0x60: {  	_ =	swait.ge [sflag:s18], $0x4000  }
0x61: {  	[sflag:s18] =	ssyncset.done $0x0  }
0x62: {  	[sflag:s18] =	ssyncadd.s32 $0xFFFFC000  }
0x63: {  	[spmem:s2] =	stream.indirect.scatter [tilespmem:s17], [sflag:$0x3], $0x80, s20, s15, $0xb8;
	[tilespmem:$0x1EC00] =	vst v63  }
0x64: {  	_ =	swait.ge [sflag:s18], $0x4000  }
0x65: {  	[sflag:s18] =	ssyncset.done $0x0  }
0x66: {  	[sflag:s18] =	ssyncadd.s32 $0xFFFFC000  }
0x67: {  	[spmem:s2] =	stream.indirect.scatter [tilespmem:s17], [sflag:$0x3], $0x80, s21, s15, $0xb8;
	[tilespmem:$0x1EC00] =	vst v63  }
0x68: {  	_ =	swait.ge [sflag:s18], $0x4000  }
0x69: {  	[sflag:s18] =	ssyncset.done $0x0  }
0x6a: {  	[sflag:s18] =	ssyncadd.s32 $0xFFFFC000  }
0x6b: {  	[spmem:s2] =	stream.indirect.scatter [tilespmem:s17], [sflag:$0x3], $0x80, s22, s15, $0xb8;
	[tilespmem:$0x1EC00] =	vst v63  }
0x6c: {  	_ =	swait.ge [sflag:s18], $0x4000  }
0x6d: {  	[sflag:s18] =	ssyncset.done $0x0  }
0x6e: {  	[sflag:s18] =	ssyncadd.s32 $0xFFFFC000  }
0x6f: {  	[bflag:$0x0] =	sbarrier.arrive $0xFFFF  }
0x70: {  	s0 =	simm.s32 $0x0;
	s6 =	rddreg [dreg:$0x4]  }
0x71: {  	[tilespmem:s0], [sflag:$0x3] =	stream.linear.gather [hbm4b:s6+s0], $0x1400, $0x38;
	[tilespmem:$0x1EC00] =	vst v63  }
0x72: {  	_ =	swait.ge [sflag:s18], $0x1400  }
0x73: {  	[sflag:s18] =	ssyncset.done $0x0  }
0x74: {  	s7 =	rddreg [dreg:$0x5];
	[sflag:s18] =	ssyncadd.s32 $0xFFFFEC00  }
0x75: {  	[tilespmem:s23], [sflag:$0x3] =	stream.linear.gather [hbm4b:s7+s0], $0x1400, $0x38;
	[tilespmem:$0x1EC00] =	vst v63  }
0x76: {  	_ =	swait.ge [sflag:s18], $0x1400  }
0x77: {  	[sflag:s18] =	ssyncset.done $0x0  }
0x78: {  	[sflag:s18] =	ssyncadd.s32 $0xFFFFEC00  }
0x79: {  	[tilespmem:s17], [sflag:$0x1] =	stream.indirect.gather [hbm4b:s4+s15], $0x80, s0, s15, $0xb8;
	[tilespmem:$0x1EC00] =	vst v63  }
0x7a: {  	s1 =	simm.s32 $0x80  }
0x7b: {  	[tilespmem:s24], [sflag:$0x2] =	stream.indirect.gather [hbm4b:s4+s15], $0x80, s1, s15, $0xb8;
	[tilespmem:$0x1EC00] =	vst v63  }
0x7c: {  	_ =	swait.ge [sflag:s25], $0x4000  }
0x7d: {  	[sflag:s25] =	ssyncset.done $0x0  }
0x7e: {  	s5 =	simm.s32 $0x1400;
	[sflag:s25] =	ssyncadd.s32 $0xFFFFC000  }
0x7f: {  	[spmem:s2] =	stream.indirect.scatter.add.f32 [tilespmem:s17], [sflag:$0x3], $0x80, s5, s15, $0xb8;
	[tilespmem:$0x1EC00] =	vst v63  }
0x80: {  	_ =	swait.ge [sflag:s18], $0x4000  }
0x81: {  	[sflag:s18] =	ssyncset.done $0x0  }
0x82: {  	s6 =	simm.s32 $0x100;
	[sflag:s18] =	ssyncadd.s32 $0xFFFFC000  }
0x83: {  	[tilespmem:s17], [sflag:$0x1] =	stream.indirect.gather [hbm4b:s4+s15], $0x80, s6, s15, $0xb8;
	[tilespmem:$0x1EC00] =	vst v63  }
0x84: {  	_ =	swait.ge [sflag:s26], $0x4000  }
0x85: {  	[sflag:s26] =	ssyncset.done $0x0  }
0x86: {  	s7 =	simm.s32 $0x1480;
	[sflag:s26] =	ssyncadd.s32 $0xFFFFC000  }
0x87: {  	[spmem:s2] =	stream.indirect.scatter.add.f32 [tilespmem:s24], [sflag:$0x3], $0x80, s7, s15, $0xb8;
	[tilespmem:$0x1EC00] =	vst v63  }
0x88: {  	_ =	swait.ge [sflag:s18], $0x4000  }
0x89: {  	s0 =	simm.s32 $0x800;
	s1 =	simm.s32 $0x100;
	[sflag:s18] =	ssyncset.done $0x0  }
.LBB2_4:
0x8a: {  	s5 =	sadd.s32 $0x80, s1  }
0x8b: {  	[sflag:s18] =	ssyncadd.s32 $0xFFFFC000;
	s6 =	smov.u32 s0;
	s7 =	sadd.s32 $0x400, s0  }
0x8c: {  	[tilespmem:s24], [sflag:$0x2] =	stream.indirect.gather [hbm4b:s4+s15], $0x80, s5, s15, $0xb8;
	[tilespmem:$0x1EC00] =	vst v63  }
0x8d: {  	p0 =	sne.s32 s0, $0x4800;
	_ =	swait.ge [sflag:s25], $0x4000  }
0x8e: {  	[sflag:s25] =	ssyncset.done $0x0  }
0x8f: {  	s0 =	sadd.s32 $0x1400, s1;
	[sflag:s25] =	ssyncadd.s32 $0xFFFFC000  }
0x90: {  	[spmem:s2] =	stream.indirect.scatter.add.f32 [tilespmem:s17], [sflag:$0x3], $0x80, s0, s15, $0xb8;
	[tilespmem:$0x1EC00] =	vst v63  }
0x91: {  	_ =	swait.ge [sflag:s18], $0x4000  }
0x92: {  	[sflag:s18] =	ssyncset.done $0x0  }
0x93: {  	s0 =	sadd.s32 $0x100, s1;
	[sflag:s18] =	ssyncadd.s32 $0xFFFFC000  }
0x94: {  	[tilespmem:s17], [sflag:$0x1] =	stream.indirect.gather [hbm4b:s4+s15], $0x80, s0, s15, $0xb8;
	[tilespmem:$0x1EC00] =	vst v63  }
0x95: {  	_ =	swait.ge [sflag:s26], $0x4000  }
.Ltmp1:
0x96: {  	[sflag:s26] =	ssyncset.done $0x0;
	(pc) =	sbr.rel @p0 .LBB2_4-.Ltmp1, $4  }
0x97: {  	s0 =	sadd.s32 $0x1480, s1;
	[sflag:s26] =	ssyncadd.s32 $0xFFFFC000  }
0x98: {  	[spmem:s2] =	stream.indirect.scatter.add.f32 [tilespmem:s24], [sflag:$0x3], $0x80, s0, s15, $0xb8;
	[tilespmem:$0x1EC00] =	vst v63  }
0x99: {  	_ =	swait.ge [sflag:s18], $0x4000  }
0x9a: {  	s1 =	sshra.s32 s6, $0x2;
	s0 =	smov.u32 s7;
	[sflag:s18] =	ssyncset.done $0x0  }
0x9b: {  	s0 =	sadd.s32 $0x80, s1;
	[sflag:s18] =	ssyncadd.s32 $0xFFFFC000  }
0x9c: {  	[tilespmem:s24], [sflag:$0x2] =	stream.indirect.gather [hbm4b:s4+s15], $0x80, s0, s15, $0xb8;
	[tilespmem:$0x1EC00] =	vst v63  }
0x9d: {  	_ =	swait.ge [sflag:s25], $0x4000  }
0x9e: {  	[sflag:s25] =	ssyncset.done $0x0  }
0x9f: {  	s6 =	sadd.s32 $0x1400, s1;
	[sflag:s25] =	ssyncadd.s32 $0xFFFFC000  }
0xa0: {  	[spmem:s2] =	stream.indirect.scatter.add.f32 [tilespmem:s17], [sflag:$0x3], $0x80, s6, s15, $0xb8;
	[tilespmem:$0x1EC00] =	vst v63  }
0xa1: {  	_ =	swait.ge [sflag:s18], $0x4000  }
0xa2: {  	[sflag:s18] =	ssyncset.done $0x0  }
0xa3: {  	s7 =	sadd.s32 $0x100, s1;
	[sflag:s18] =	ssyncadd.s32 $0xFFFFC000  }
0xa4: {  	[tilespmem:s17], [sflag:$0x1] =	stream.indirect.gather [hbm4b:s4+s15], $0x80, s7, s15, $0xb8;
	[tilespmem:$0x1EC00] =	vst v63  }
0xa5: {  	_ =	swait.ge [sflag:s26], $0x4000  }
0xa6: {  	[sflag:s26] =	ssyncset.done $0x0  }
0xa7: {  	s5 =	sadd.s32 $0x1480, s1;
	[sflag:s26] =	ssyncadd.s32 $0xFFFFC000  }
0xa8: {  	[spmem:s2] =	stream.indirect.scatter.add.f32 [tilespmem:s24], [sflag:$0x3], $0x80, s5, s15, $0xb8;
	[tilespmem:$0x1EC00] =	vst v63  }
0xa9: {  	_ =	swait.ge [sflag:s18], $0x4000  }
0xaa: {  	[sflag:s18] =	ssyncset.done $0x0  }
0xab: {  	[sflag:s18] =	ssyncadd.s32 $0xFFFFC000  }
0xac: {  	[tilespmem:s24], [sflag:$0x2] =	stream.indirect.gather [hbm4b:s4+s15], $0x80, s28, s15, $0xb8;
	[tilespmem:$0x1EC00] =	vst v63  }
0xad: {  	_ =	swait.ge [sflag:s25], $0x4000  }
0xae: {  	[sflag:s25] =	ssyncset.done $0x0  }
0xaf: {  	[sflag:s25] =	ssyncadd.s32 $0xFFFFC000  }
0xb0: {  	[spmem:s2] =	stream.indirect.scatter.add.f32 [tilespmem:s17], [sflag:$0x3], $0x80, s29, s15, $0xb8;
	[tilespmem:$0x1EC00] =	vst v63  }
0xb1: {  	_ =	swait.ge [sflag:s18], $0x4000  }
0xb2: {  	[sflag:s18] =	ssyncset.done $0x0  }
0xb3: {  	s6 =	simm.s32 $0x0;
	[sflag:s18] =	ssyncadd.s32 $0xFFFFC000  }
0xb4: {  	[tilespmem:s17], [sflag:$0x1] =	stream.indirect.gather [hbm4b:s4+s15], $0x80, s6, s15, $0xb8;
	[tilespmem:$0x1EC00] =	vst v63  }
0xb5: {  	_ =	swait.ge [sflag:s26], $0x4000  }
0xb6: {  	[sflag:s26] =	ssyncset.done $0x0  }
0xb7: {  	[sflag:s26] =	ssyncadd.s32 $0xFFFFC000  }
0xb8: {  	[spmem:s2] =	stream.indirect.scatter.add.f32 [tilespmem:s24], [sflag:$0x3], $0x80, s30, s15, $0xb8;
	[tilespmem:$0x1EC00] =	vst v63  }
0xb9: {  	_ =	swait.ge [sflag:s18], $0x4000  }
0xba: {  	[sflag:s18] =	ssyncset.done $0x0  }
0xbb: {  	[sflag:s18] =	ssyncadd.s32 $0xFFFFC000  }
0xbc: {  	_ =	swait.ge [sflag:s25], $0x4000  }
0xbd: {  	[sflag:s25] =	ssyncset.done $0x0  }
0xbe: {  	s7 =	rddreg [dreg:$0x6];
	[sflag:s25] =	ssyncadd.s32 $0xFFFFC000  }
0xbf: {  	[tilespmem:s6], [sflag:$0x3] =	stream.linear.gather [hbm4b:s7+s6], $0x1400, $0x38;
	[tilespmem:$0x1EC00] =	vst v63  }
0xc0: {  	_ =	swait.ge [sflag:s18], $0x1400  }
0xc1: {  	[sflag:s18] =	ssyncset.done $0x0  }
0xc2: {  	[sflag:s18] =	ssyncadd.s32 $0xFFFFEC00  }
0xc3: {  	[tilespmem:s23], [sflag:$0x3] =	stream.linear.gather [hbm4b:s8+s6], $0x1400, $0x38;
	[tilespmem:$0x1EC00] =	vst v63  }
0xc4: {  	_ =	swait.ge [sflag:s18], $0x1400  }
0xc5: {  	[sflag:s18] =	ssyncset.done $0x0  }
0xc6: {  	[sflag:s18] =	ssyncadd.s32 $0xFFFFEC00  }
0xc7: {  	[tilespmem:s17], [sflag:$0x1] =	stream.indirect.gather [hbm4b:s4+s15], $0x80, s6, s15, $0xb8;
	[tilespmem:$0x1EC00] =	vst v63  }
0xc8: {  	s1 =	simm.s32 $0x80  }
0xc9: {  	[tilespmem:s24], [sflag:$0x2] =	stream.indirect.gather [hbm4b:s4+s15], $0x80, s1, s15, $0xb8;
	[tilespmem:$0x1EC00] =	vst v63  }
0xca: {  	_ =	swait.ge [sflag:s25], $0x4000  }
0xcb: {  	[sflag:s25] =	ssyncset.done $0x0  }
0xcc: {  	s5 =	simm.s32 $0x1400;
	[sflag:s25] =	ssyncadd.s32 $0xFFFFC000  }
0xcd: {  	[spmem:s2] =	stream.indirect.scatter.add.f32 [tilespmem:s17], [sflag:$0x3], $0x80, s5, s15, $0xb8;
	[tilespmem:$0x1EC00] =	vst v63  }
0xce: {  	_ =	swait.ge [sflag:s18], $0x4000  }
0xcf: {  	[sflag:s18] =	ssyncset.done $0x0  }
0xd0: {  	s6 =	simm.s32 $0x100;
	[sflag:s18] =	ssyncadd.s32 $0xFFFFC000  }
0xd1: {  	[tilespmem:s17], [sflag:$0x1] =	stream.indirect.gather [hbm4b:s4+s15], $0x80, s6, s15, $0xb8;
	[tilespmem:$0x1EC00] =	vst v63  }
0xd2: {  	_ =	swait.ge [sflag:s26], $0x4000  }
0xd3: {  	[sflag:s26] =	ssyncset.done $0x0  }
0xd4: {  	s7 =	simm.s32 $0x1480;
	[sflag:s26] =	ssyncadd.s32 $0xFFFFC000  }
0xd5: {  	[spmem:s2] =	stream.indirect.scatter.add.f32 [tilespmem:s24], [sflag:$0x3], $0x80, s7, s15, $0xb8;
	[tilespmem:$0x1EC00] =	vst v63  }
0xd6: {  	_ =	swait.ge [sflag:s18], $0x4000  }
0xd7: {  	s0 =	simm.s32 $0x800;
	s1 =	simm.s32 $0x100;
	[sflag:s18] =	ssyncset.done $0x0  }
.LBB2_6:
0xd8: {  	s5 =	sadd.s32 $0x80, s1  }
0xd9: {  	[sflag:s18] =	ssyncadd.s32 $0xFFFFC000;
	s6 =	smov.u32 s0;
	s7 =	sadd.s32 $0x400, s0  }
0xda: {  	[tilespmem:s24], [sflag:$0x2] =	stream.indirect.gather [hbm4b:s4+s15], $0x80, s5, s15, $0xb8;
	[tilespmem:$0x1EC00] =	vst v63  }
0xdb: {  	p0 =	sne.s32 s0, $0x4800;
	_ =	swait.ge [sflag:s25], $0x4000  }
0xdc: {  	[sflag:s25] =	ssyncset.done $0x0  }
0xdd: {  	s0 =	sadd.s32 $0x1400, s1;
	[sflag:s25] =	ssyncadd.s32 $0xFFFFC000  }
0xde: {  	[spmem:s2] =	stream.indirect.scatter.add.f32 [tilespmem:s17], [sflag:$0x3], $0x80, s0, s15, $0xb8;
	[tilespmem:$0x1EC00] =	vst v63  }
0xdf: {  	_ =	swait.ge [sflag:s18], $0x4000  }
0xe0: {  	[sflag:s18] =	ssyncset.done $0x0  }
0xe1: {  	s0 =	sadd.s32 $0x100, s1;
	[sflag:s18] =	ssyncadd.s32 $0xFFFFC000  }
0xe2: {  	[tilespmem:s17], [sflag:$0x1] =	stream.indirect.gather [hbm4b:s4+s15], $0x80, s0, s15, $0xb8;
	[tilespmem:$0x1EC00] =	vst v63  }
0xe3: {  	_ =	swait.ge [sflag:s26], $0x4000  }
.Ltmp2:
0xe4: {  	[sflag:s26] =	ssyncset.done $0x0;
	(pc) =	sbr.rel @p0 .LBB2_6-.Ltmp2, $4  }
0xe5: {  	s0 =	sadd.s32 $0x1480, s1;
	[sflag:s26] =	ssyncadd.s32 $0xFFFFC000  }
0xe6: {  	[spmem:s2] =	stream.indirect.scatter.add.f32 [tilespmem:s24], [sflag:$0x3], $0x80, s0, s15, $0xb8;
	[tilespmem:$0x1EC00] =	vst v63  }
0xe7: {  	_ =	swait.ge [sflag:s18], $0x4000  }
0xe8: {  	s1 =	sshra.s32 s6, $0x2;
	s0 =	smov.u32 s7;
	[sflag:s18] =	ssyncset.done $0x0  }
0xe9: {  	s0 =	sadd.s32 $0x80, s1;
	[sflag:s18] =	ssyncadd.s32 $0xFFFFC000  }
0xea: {  	[tilespmem:s24], [sflag:$0x2] =	stream.indirect.gather [hbm4b:s4+s15], $0x80, s0, s15, $0xb8;
	[tilespmem:$0x1EC00] =	vst v63  }
0xeb: {  	_ =	swait.ge [sflag:s25], $0x4000  }
0xec: {  	[sflag:s25] =	ssyncset.done $0x0  }
0xed: {  	s5 =	sadd.s32 $0x1400, s1;
	[sflag:s25] =	ssyncadd.s32 $0xFFFFC000  }
0xee: {  	[spmem:s2] =	stream.indirect.scatter.add.f32 [tilespmem:s17], [sflag:$0x3], $0x80, s5, s15, $0xb8;
	[tilespmem:$0x1EC00] =	vst v63  }
0xef: {  	_ =	swait.ge [sflag:s18], $0x4000  }
0xf0: {  	[sflag:s18] =	ssyncset.done $0x0  }
0xf1: {  	s6 =	sadd.s32 $0x100, s1;
	[sflag:s18] =	ssyncadd.s32 $0xFFFFC000  }
0xf2: {  	[tilespmem:s17], [sflag:$0x1] =	stream.indirect.gather [hbm4b:s4+s15], $0x80, s6, s15, $0xb8;
	[tilespmem:$0x1EC00] =	vst v63  }
0xf3: {  	_ =	swait.ge [sflag:s26], $0x4000  }
0xf4: {  	[sflag:s26] =	ssyncset.done $0x0  }
0xf5: {  	s7 =	sadd.s32 $0x1480, s1;
	[sflag:s26] =	ssyncadd.s32 $0xFFFFC000  }
0xf6: {  	[spmem:s2] =	stream.indirect.scatter.add.f32 [tilespmem:s24], [sflag:$0x3], $0x80, s7, s15, $0xb8;
	[tilespmem:$0x1EC00] =	vst v63  }
0xf7: {  	_ =	swait.ge [sflag:s18], $0x4000  }
0xf8: {  	[sflag:s18] =	ssyncset.done $0x0  }
0xf9: {  	[sflag:s18] =	ssyncadd.s32 $0xFFFFC000  }
0xfa: {  	[tilespmem:s24], [sflag:$0x2] =	stream.indirect.gather [hbm4b:s4+s15], $0x80, s28, s15, $0xb8;
	[tilespmem:$0x1EC00] =	vst v63  }
0xfb: {  	_ =	swait.ge [sflag:s25], $0x4000  }
0xfc: {  	[sflag:s25] =	ssyncset.done $0x0  }
0xfd: {  	[sflag:s25] =	ssyncadd.s32 $0xFFFFC000  }
0xfe: {  	[spmem:s2] =	stream.indirect.scatter.add.f32 [tilespmem:s17], [sflag:$0x3], $0x80, s29, s15, $0xb8;
	[tilespmem:$0x1EC00] =	vst v63  }
0xff: {  	_ =	swait.ge [sflag:s18], $0x4000  }
0x100: {  	[sflag:s18] =	ssyncset.done $0x0  }
0x101: {  	[sflag:s18] =	ssyncadd.s32 $0xFFFFC000  }
0x102: {  	[tilespmem:s17], [sflag:$0x1] =	stream.indirect.gather [hbm4b:s4+s15], $0x80, s3, s15, $0xb8;
	[tilespmem:$0x1EC00] =	vst v63  }
0x103: {  	_ =	swait.ge [sflag:s26], $0x4000  }
0x104: {  	[sflag:s26] =	ssyncset.done $0x0  }
0x105: {  	[sflag:s26] =	ssyncadd.s32 $0xFFFFC000  }
0x106: {  	[spmem:s2] =	stream.indirect.scatter.add.f32 [tilespmem:s24], [sflag:$0x3], $0x80, s30, s15, $0xb8;
	[tilespmem:$0x1EC00] =	vst v63  }
0x107: {  	_ =	swait.ge [sflag:s18], $0x4000  }
0x108: {  	[sflag:s18] =	ssyncset.done $0x0  }
0x109: {  	[sflag:s18] =	ssyncadd.s32 $0xFFFFC000  }
0x10a: {  	_ =	swait.ge [sflag:s25], $0x4000  }
0x10b: {  	[sflag:s25] =	ssyncset.done $0x0  }
0x10c: {  	[sflag:s25] =	ssyncadd.s32 $0xFFFFC000  }
0x10d: {  	[bflag:$0x0] =	sbarrier.arrive $0xFFFF  }
0x10e: {  	[tilespmem:s17], [sflag:$0x3] =	stream.indirect.gather [spmem:s2], $0x80, s16, s15, $0xb8;
	[tilespmem:$0x1EC00] =	vst v63  }
0x10f: {  	_ =	swait.ge [sflag:s18], $0x4000  }
0x110: {  	[sflag:s18] =	ssyncset.done $0x0  }
0x111: {  	[sflag:s18] =	ssyncadd.s32 $0xFFFFC000  }
0x112: {  	[hbm4b:s9+s3] =	stream.linear.scatter [tilespmem:s17], [sflag:$0x3], $0x4000, $0x38;
	[tilespmem:$0x1EC00] =	vst v63  }
0x113: {  	_ =	swait.ge [sflag:s18], $0x4000  }
0x114: {  	[sflag:s18] =	ssyncset.done $0x0  }
0x115: {  	[sflag:s18] =	ssyncadd.s32 $0xFFFFC000  }
0x116: {  	[tilespmem:s17], [sflag:$0x3] =	stream.indirect.gather [spmem:s2], $0x80, s19, s15, $0xb8;
	[tilespmem:$0x1EC00] =	vst v63  }
0x117: {  	_ =	swait.ge [sflag:s18], $0x4000  }
0x118: {  	[sflag:s18] =	ssyncset.done $0x0  }
0x119: {  	[sflag:s18] =	ssyncadd.s32 $0xFFFFC000  }
0x11a: {  	[hbm4b:s10+s3] =	stream.linear.scatter [tilespmem:s17], [sflag:$0x3], $0x4000, $0x38;
	[tilespmem:$0x1EC00] =	vst v63  }
0x11b: {  	_ =	swait.ge [sflag:s18], $0x4000  }
0x11c: {  	[sflag:s18] =	ssyncset.done $0x0  }
0x11d: {  	[sflag:s18] =	ssyncadd.s32 $0xFFFFC000  }
0x11e: {  	[tilespmem:s17], [sflag:$0x3] =	stream.indirect.gather [spmem:s2], $0x80, s20, s15, $0xb8;
	[tilespmem:$0x1EC00] =	vst v63  }
0x11f: {  	_ =	swait.ge [sflag:s18], $0x4000  }
0x120: {  	[sflag:s18] =	ssyncset.done $0x0  }
0x121: {  	[sflag:s18] =	ssyncadd.s32 $0xFFFFC000  }
0x122: {  	[hbm4b:s11+s3] =	stream.linear.scatter [tilespmem:s17], [sflag:$0x3], $0x4000, $0x38;
	[tilespmem:$0x1EC00] =	vst v63  }
0x123: {  	_ =	swait.ge [sflag:s18], $0x4000  }
0x124: {  	[sflag:s18] =	ssyncset.done $0x0  }
0x125: {  	[sflag:s18] =	ssyncadd.s32 $0xFFFFC000  }
0x126: {  	[tilespmem:s17], [sflag:$0x3] =	stream.indirect.gather [spmem:s2], $0x80, s21, s15, $0xb8;
	[tilespmem:$0x1EC00] =	vst v63  }
0x127: {  	_ =	swait.ge [sflag:s18], $0x4000  }
0x128: {  	[sflag:s18] =	ssyncset.done $0x0  }
0x129: {  	[sflag:s18] =	ssyncadd.s32 $0xFFFFC000  }
0x12a: {  	[hbm4b:s12+s3] =	stream.linear.scatter [tilespmem:s17], [sflag:$0x3], $0x4000, $0x38;
	[tilespmem:$0x1EC00] =	vst v63  }
0x12b: {  	_ =	swait.ge [sflag:s18], $0x4000  }
0x12c: {  	[sflag:s18] =	ssyncset.done $0x0  }
0x12d: {  	[sflag:s18] =	ssyncadd.s32 $0xFFFFC000  }
0x12e: {  	[tilespmem:s17], [sflag:$0x3] =	stream.indirect.gather [spmem:s2], $0x80, s22, s15, $0xb8;
	[tilespmem:$0x1EC00] =	vst v63  }
0x12f: {  	s31 =	sadd.s32 $0x1, s31;
	_ =	swait.ge [sflag:s18], $0x4000  }
0x130: {  	p0 =	sne.s32 s31, s14;
	[sflag:s18] =	ssyncset.done $0x0  }
.Ltmp3:
0x131: {  	[sflag:s18] =	ssyncadd.s32 $0xFFFFC000;
	(pc) =	sbr.rel @p0 .LBB2_1-.Ltmp3, $4  }
0x132: {  	[hbm4b:s13+s3] =	stream.linear.scatter [tilespmem:s17], [sflag:$0x3], $0x4000, $0x38;
	[tilespmem:$0x1EC00] =	vst v63  }
0x133: {  	_ =	swait.ge [sflag:s18], $0x4000  }
0x134: {  	[sflag:s18] =	ssyncset.done $0x0  }
0x135: {  	[sflag:s18] =	ssyncadd.s32 $0xFFFFC000  }
0x136: {  	_ =	sfence.sel $0x180000  }
0x137: {  	[bflag:$0x0] =	sbarrier.arrive $0xFFFF  }
0x138: {  	_ =	strace $0x9000004A  }
0x139: {  	s0 =	stileid.u32;
	[bflag:$0x2] =	sbarrier.arrive $0xFFFF  }
0x13a: {  	p0 =	sne.s32 s0, $0x0;
	s0 =	rddreg [dreg:$0x3]  }
0x13b: {  	s0 =	sadd.s32 @!p0 $0x100000, s0  }
0x13c: {  	[sflag:s0] =	ssyncadd.tile.s32 @!p0 $0x1;
	_ =	shalt  }
.Lfunc_end2:
_tile_overlayer_lowered:
.L_overlay_start_2:
0x13d: {  	(tag) =	ssettag $0x2  }
0x13e: {  	s0 =	rddreg [dreg:$0x0];
	s2 =	stileid.u32  }
0x13f: {  	s1 =	rddreg [dreg:$0x1];
	p0 =	sne.s32 s2, $0x0  }
0x140: {  	s3 =	rddreg [dreg:$0x2];
	[bflag:$0x3] =	sbarrier.arrive $0xFFFF;
	s2 =	simm.s32 @!p0 $0x1C03  }
0x141: {  	[timem:s3], [sflag:s2] =	dma.local @!p0 [hbm:s0], s1  }
0x142: {  	s0 =	simm.s32 @!p0 $0x3  }
0x143: {  	_ =	swait.ge @!p0 [sflag:s0], s1  }
0x144: {  	s1 =	ssub.s32 @!p0 $0x0, s1;
	[sflag:s0] =	ssyncset.done @!p0 $0x0  }
0x145: {  	[sflag:s0] =	ssyncadd.s32 @!p0 s1  }
0x146: {  	[bflag:$0x3] =	sbarrier.arrive $0xFFFF  }
0x147: {  	_ =	shalt  }

</sc_bundles>
